<compile_context>
chip_gen: v7x
topology: tpu7x:2x2x1
jax: 0.10.2.dev20260603
libtpu: 0.0.44.dev20260713+nightly
codegen_flags: <defaults>
</compile_context>

<pallas_src>
import jax
import jax.numpy as jnp
from jax import lax
from jax.experimental import pallas as pl
from jax.experimental.pallas import tpu as pltpu
from jax.experimental.pallas import tpu_sc as plsc

B, L, D = 16, 4096, 128
EV_SC = 2048
R_TC = L - EV_SC
NW = 32
EV_PER_W = B * EV_SC // NW
NCHUNK = D // 16
C = 1024


def _prep_body(la_ref, lb_ref, mu_ref, tb_ref, tp_ref,
               aT_ref, bT_ref, aTh_ref, bTh_ref, base_ref, ndt_ref):
    alpha = jax.nn.softplus(la_ref[...])
    beta = jax.nn.softplus(lb_ref[...])
    aT_ref[...] = alpha.T
    bT_ref[...] = beta.T
    aTh_ref[...] = aT_ref[...].astype(jnp.bfloat16)
    bTh_ref[...] = bT_ref[...].astype(jnp.bfloat16)
    tcol = tb_ref[:, 0:1]
    mu_ = jax.nn.softplus(mu_ref[0, :])
    base_ref[...] = mu_[None, :] * tcol
    ndt_ref[...] = tp_ref[...] - tcol


def _sc_body(aT_hbm, bT_hbm, et_hbm, ndt_hbm, out_hbm,
             aT_v, bT_v, et_v, ndt_v, acc_v, sem):
    cid = lax.axis_index("c")
    sid = lax.axis_index("s")
    wid = sid * 2 + cid
    h1 = pltpu.async_copy(aT_hbm, aT_v, sem)
    h2 = pltpu.async_copy(bT_hbm, bT_v, sem)
    h3 = pltpu.async_copy(et_hbm.at[wid], et_v, sem)
    h4 = pltpu.async_copy(ndt_hbm.at[wid], ndt_v, sem)
    h1.wait()
    h2.wait()
    h3.wait()
    h4.wait()

    zeros = tuple(jnp.zeros((16,), jnp.float32) for _ in range(NCHUNK))

    @plsc.parallel_loop(0, EV_PER_W, 16, carry=(zeros, zeros))
    def _loop(j, carry):
        s1, s2 = carry
        etv = et_v[pl.ds(j, 16)]
        ndv = ndt_v[pl.ds(j, 16)]
        s1, s2 = list(s1), list(s2)
        for i in range(16):
            e = etv[i]
            nd = ndv[i]
            for k in range(NCHUNK):
                av = aT_v[e, pl.ds(k * 16, 16)]
                bv = bT_v[e, pl.ds(k * 16, 16)]
                s1[k] = s1[k] + av
                s2[k] = s2[k] + av * jnp.exp(bv * nd)
        return tuple(s1), tuple(s2)

    s1, s2 = _loop
    for k in range(NCHUNK):
        acc_v[pl.ds(k * 16, 16)] = s1[k] - s2[k]
    pltpu.sync_copy(acc_v, out_hbm.at[wid])


def _tc_body(tp_ref, et_ref, tb_ref, a_ref, b_ref, out_ref):
    lidx = pl.program_id(1)
    tp = tp_ref[0, 0, 0, :]
    et = et_ref[0, 0, 0, :]
    tb = tb_ref[0, 0, 0]
    alpha = a_ref[...]
    beta = b_ref[...]

    onehot = (et[:, None] == lax.broadcasted_iota(jnp.int32, (C, D), 1)
              ).astype(jnp.bfloat16)
    dn = (((1,), (0,)), ((), ()))
    rel_a = lax.dot_general(onehot, alpha, dn,
                            preferred_element_type=jnp.float32)
    rel_b = lax.dot_general(onehot, beta, dn,
                            preferred_element_type=jnp.float32)
    ndt = (tp - tb)[:, None]
    decayed = rel_a * jnp.exp(rel_b * ndt)
    ones = jnp.full((8, C), 1.0, dtype=jnp.float32)
    dn2 = (((1,), (0,)), ((), ()))
    partial = lax.dot_general(ones, rel_a - decayed, dn2,
                              preferred_element_type=jnp.float32)[0:1]

    @pl.when(lidx == 0)
    def _init():
        out_ref[0, :, :] = partial

    @pl.when(lidx != 0)
    def _acc():
        out_ref[0, :, :] += partial


def kernel(T, time_points, event_types, mu, log_alpha, log_beta):
    tb = jnp.broadcast_to(T[:, None], (B, 128))
    mu2 = mu.reshape(1, D)

    aT, bT, aTh, bTh, base, ndt = pl.pallas_call(
        _prep_body,
        out_shape=[
            jax.ShapeDtypeStruct((D, D), jnp.float32),
            jax.ShapeDtypeStruct((D, D), jnp.float32),
            jax.ShapeDtypeStruct((D, D), jnp.bfloat16),
            jax.ShapeDtypeStruct((D, D), jnp.bfloat16),
            jax.ShapeDtypeStruct((B, D), jnp.float32),
            jax.ShapeDtypeStruct((B, L), jnp.float32),
        ],
    )(log_alpha, log_beta, mu2, tb, time_points)

    et_w = event_types[:, :EV_SC].reshape(NW, EV_PER_W)
    ndt_w = ndt[:, :EV_SC].reshape(NW, EV_PER_W)
    sc = pl.kernel(
        _sc_body,
        out_type=jax.ShapeDtypeStruct((NW, D), jnp.float32),
        mesh=plsc.VectorSubcoreMesh(core_axis_name="c", subcore_axis_name="s"),
        scratch_types=[
            pltpu.VMEM((D, D), jnp.float32),
            pltpu.VMEM((D, D), jnp.float32),
            pltpu.VMEM((EV_PER_W,), jnp.int32),
            pltpu.VMEM((EV_PER_W,), jnp.float32),
            pltpu.VMEM((D,), jnp.float32),
            pltpu.SemaphoreType.DMA,
        ],
    )
    part_sc = sc(aT, bT, et_w, ndt_w)

    tp3 = time_points[:, EV_SC:].reshape(B, R_TC // C, 1, C)
    et3 = event_types[:, EV_SC:].reshape(B, R_TC // C, 1, C)
    tb3 = tb.reshape(B, 1, 128)
    part_tc = pl.pallas_call(
        _tc_body,
        grid=(B, R_TC // C),
        in_specs=[
            pl.BlockSpec((1, 1, 1, C), lambda b, l: (b, l, 0, 0)),
            pl.BlockSpec((1, 1, 1, C), lambda b, l: (b, l, 0, 0)),
            pl.BlockSpec((1, 1, 128), lambda b, l: (b, 0, 0)),
            pl.BlockSpec((D, D), lambda b, l: (0, 0)),
            pl.BlockSpec((D, D), lambda b, l: (0, 0)),
        ],
        out_specs=pl.BlockSpec((1, 1, D), lambda b, l: (b, 0, 0)),
        out_shape=jax.ShapeDtypeStruct((B, 1, D), jnp.float32),
    )(tp3, et3, tb3, aTh, bTh)

    return base + part_sc.reshape(B, 2, D).sum(axis=1) + part_tc.reshape(B, D)

# --- scband reference (transcript-rebuilt; emitter-appended) ---
"""Pipeline reference for scband-exp-kernel-mvhawkes-process-63239098466633 (READ-ONLY COPY).

The authoritative reference and input builder live on the scoring server;
editing this copy changes nothing except your own understanding.
"""

import jax, jax.numpy as jnp
import numpy as np

B, L, D = 16, 4096, 128

def setup_inputs(seed: int = 0) -> dict:
    key = jax.random.key(seed)
    k1, k2, k3, k4, k5, k6 = jax.random.split(key, 6)
    # padded event times in [0, 100), sorted per sequence (ragged sequences padded to L)
    time_points = jnp.sort(jax.random.uniform(k1, (B, L), dtype=jnp.float32) * 100.0, axis=1)
    # event type marks in [0, D); -1 would denote padding (all valid here)
    event_types = jax.random.randint(k2, (B, L), 0, D)
    # evaluation horizon T strictly after the last event of each sequence
    T = jnp.max(time_points, axis=1) + jax.random.uniform(k3, (B,), dtype=jnp.float32) * 10.0
    # learned Hawkes parameters (pre-softplus), sized per D=128
    mu = jax.random.uniform(k4, (D,), dtype=jnp.float32) * 2.0
    log_alpha = jax.random.normal(k5, (D, D), dtype=jnp.float32) * 0.1 - 3.0
    log_beta = jax.random.normal(k6, (D, D), dtype=jnp.float32) * 0.1
    return {"T": T, "time_points": time_points, "event_types": event_types,
            "mu": mu, "log_alpha": log_alpha, "log_beta": log_beta}

def reference(T, time_points, event_types, mu, log_alpha, log_beta):
    # cumulative_intensity of the exp-kernel multivariate Hawkes process from t=0 to T
    mu_ = jax.nn.softplus(mu)            # (D,)
    alpha = jax.nn.softplus(log_alpha)   # (D, D)
    beta = jax.nn.softplus(log_beta)     # (D, D)
    valid_mask = event_types != -1       # (B, L)
    integral = mu_[:, None] * T[None, :]                 # (D, B)
    delta_t = (T[:, None] - time_points)[None, :, :]     # (1, B, L)
    delta_t = jnp.where(valid_mask[None, :, :], delta_t, jnp.zeros_like(delta_t))
    # gather per-event kernel params: alpha[i, e_j] for every event j
    relevant_alpha = alpha[:, event_types]               # (D, B, L)
    relevant_beta = beta[:, event_types]                 # (D, B, L)
    contributions = relevant_alpha * (1.0 - jnp.exp(-relevant_beta * delta_t))
    contributions = jnp.where(valid_mask[None, :, :], contributions, 0.0)
    integral = integral + jnp.sum(contributions, axis=2)  # (D, B)
    return integral.T                                     # (B, D)

if __name__ == "__main__":
    import jax
    _d = setup_inputs()
    print(jax.jit(kernel)(*tuple(_d.values())))

</pallas_src>

<mosaic_0001>
#map = affine_map<(d0, d1) -> (0, 0)>
module attributes {stable_mosaic.version = 14 : i64} {
  func.func @_sc_body(%arg0: i32, %arg1: i32, %arg2: memref<128x128xf32, #tpu.memory_space<hbm>>, %arg3: memref<128x128xf32, #tpu.memory_space<hbm>>, %arg4: memref<32x1024xi32, #tpu.memory_space<hbm>>, %arg5: memref<32x1024xf32, #tpu.memory_space<hbm>>, %arg6: memref<32x128xf32, #tpu.memory_space<hbm>>, %arg7: memref<128x128xf32, #tpu.memory_space<vmem>>, %arg8: memref<128x128xf32, #tpu.memory_space<vmem>>, %arg9: memref<1024xi32, #tpu.memory_space<vmem>>, %arg10: memref<1024xf32, #tpu.memory_space<vmem>>, %arg11: memref<128xf32, #tpu.memory_space<vmem>>, %arg12: memref<!tpu.dma_semaphore, #tpu.memory_space<semaphore_mem>>) attributes {dimension_semantics = [#tpu.dimension_semantics<core_parallel>, #tpu.dimension_semantics<subcore_parallel>], iteration_bounds = array<i64: 2, 16>, scalar_prefetch = 0 : i64, scratch_operands = 6 : i64, tpu.core_type = #tpu.core_type<sc_vector_subcore>, window_params = [{transform_indices = #map}, {transform_indices = #map}, {transform_indices = #map}, {transform_indices = #map}, {transform_indices = #map}]} {
    %mul3A = arith.constant 2 : i32
    %mul3A_0 = arith.muli %arg1, %mul3A : i32
    %add3A = arith.addi %mul3A_0, %arg0 : i32
    tpu.enqueue_dma source(%arg2 : memref<128x128xf32, #tpu.memory_space<hbm>>) target(%arg7 : memref<128x128xf32, #tpu.memory_space<vmem>>) target_semaphore(%arg12 : memref<!tpu.dma_semaphore, #tpu.memory_space<semaphore_mem>>)
    tpu.enqueue_dma source(%arg3 : memref<128x128xf32, #tpu.memory_space<hbm>>) target(%arg8 : memref<128x128xf32, #tpu.memory_space<vmem>>) target_semaphore(%arg12 : memref<!tpu.dma_semaphore, #tpu.memory_space<semaphore_mem>>)
    %dma_start3A = arith.constant 0 : i32
    %dma_start3A_1 = tpu.memref_slice %arg4[%add3A, %dma_start3A] : memref<32x1024xi32, #tpu.memory_space<hbm>> -> memref<1x1024xi32, #tpu.memory_space<hbm>>
    %dma_start3A_2 = tpu.memref_squeeze %dma_start3A_1 : memref<1x1024xi32, #tpu.memory_space<hbm>> -> memref<1024xi32, #tpu.memory_space<hbm>>
    %dma_start3A_3 = arith.constant 0 : i32
    %dma_start3A_4 = tpu.memref_slice %arg4[%add3A, %dma_start3A_3] : memref<32x1024xi32, #tpu.memory_space<hbm>> -> memref<1x1024xi32, #tpu.memory_space<hbm>>
    %dma_start3A_5 = tpu.memref_squeeze %dma_start3A_4 : memref<1x1024xi32, #tpu.memory_space<hbm>> -> memref<1024xi32, #tpu.memory_space<hbm>>
    tpu.enqueue_dma source(%dma_start3A_5 : memref<1024xi32, #tpu.memory_space<hbm>>) target(%arg9 : memref<1024xi32, #tpu.memory_space<vmem>>) target_semaphore(%arg12 : memref<!tpu.dma_semaphore, #tpu.memory_space<semaphore_mem>>)
    %dma_start3A_6 = arith.constant 0 : i32
    %dma_start3A_7 = tpu.memref_slice %arg5[%add3A, %dma_start3A_6] : memref<32x1024xf32, #tpu.memory_space<hbm>> -> memref<1x1024xf32, #tpu.memory_space<hbm>>
    %dma_start3A_8 = tpu.memref_squeeze %dma_start3A_7 : memref<1x1024xf32, #tpu.memory_space<hbm>> -> memref<1024xf32, #tpu.memory_space<hbm>>
    %dma_start3A_9 = arith.constant 0 : i32
    %dma_start3A_10 = tpu.memref_slice %arg5[%add3A, %dma_start3A_9] : memref<32x1024xf32, #tpu.memory_space<hbm>> -> memref<1x1024xf32, #tpu.memory_space<hbm>>
    %dma_start3A_11 = tpu.memref_squeeze %dma_start3A_10 : memref<1x1024xf32, #tpu.memory_space<hbm>> -> memref<1024xf32, #tpu.memory_space<hbm>>
    tpu.enqueue_dma source(%dma_start3A_11 : memref<1024xf32, #tpu.memory_space<hbm>>) target(%arg10 : memref<1024xf32, #tpu.memory_space<vmem>>) target_semaphore(%arg12 : memref<!tpu.dma_semaphore, #tpu.memory_space<semaphore_mem>>)
    tpu.wait_dma2 semaphore(%arg12 : memref<!tpu.dma_semaphore, #tpu.memory_space<semaphore_mem>>) src(%arg2 : memref<128x128xf32, #tpu.memory_space<hbm>>) dst(%arg7 : memref<128x128xf32, #tpu.memory_space<vmem>>)
    tpu.wait_dma2 semaphore(%arg12 : memref<!tpu.dma_semaphore, #tpu.memory_space<semaphore_mem>>) src(%arg3 : memref<128x128xf32, #tpu.memory_space<hbm>>) dst(%arg8 : memref<128x128xf32, #tpu.memory_space<vmem>>)
    %dma_wait3A = arith.constant 0 : i32
    %dma_wait3A_12 = tpu.memref_slice %arg4[%add3A, %dma_wait3A] : memref<32x1024xi32, #tpu.memory_space<hbm>> -> memref<1x1024xi32, #tpu.memory_space<hbm>>
    %dma_wait3A_13 = tpu.memref_squeeze %dma_wait3A_12 : memref<1x1024xi32, #tpu.memory_space<hbm>> -> memref<1024xi32, #tpu.memory_space<hbm>>
    %dma_wait3A_14 = arith.constant 0 : i32
    %dma_wait3A_15 = tpu.memref_slice %arg4[%add3A, %dma_wait3A_14] : memref<32x1024xi32, #tpu.memory_space<hbm>> -> memref<1x1024xi32, #tpu.memory_space<hbm>>
    %dma_wait3A_16 = tpu.memref_squeeze %dma_wait3A_15 : memref<1x1024xi32, #tpu.memory_space<hbm>> -> memref<1024xi32, #tpu.memory_space<hbm>>
    tpu.wait_dma2 semaphore(%arg12 : memref<!tpu.dma_semaphore, #tpu.memory_space<semaphore_mem>>) src(%dma_wait3A_16 : memref<1024xi32, #tpu.memory_space<hbm>>) dst(%arg9 : memref<1024xi32, #tpu.memory_space<vmem>>)
    %dma_wait3A_17 = arith.constant 0 : i32
    %dma_wait3A_18 = tpu.memref_slice %arg5[%add3A, %dma_wait3A_17] : memref<32x1024xf32, #tpu.memory_space<hbm>> -> memref<1x1024xf32, #tpu.memory_space<hbm>>
    %dma_wait3A_19 = tpu.memref_squeeze %dma_wait3A_18 : memref<1x1024xf32, #tpu.memory_space<hbm>> -> memref<1024xf32, #tpu.memory_space<hbm>>
    %dma_wait3A_20 = arith.constant 0 : i32
    %dma_wait3A_21 = tpu.memref_slice %arg5[%add3A, %dma_wait3A_20] : memref<32x1024xf32, #tpu.memory_space<hbm>> -> memref<1x1024xf32, #tpu.memory_space<hbm>>
    %dma_wait3A_22 = tpu.memref_squeeze %dma_wait3A_21 : memref<1x1024xf32, #tpu.memory_space<hbm>> -> memref<1024xf32, #tpu.memory_space<hbm>>
    tpu.wait_dma2 semaphore(%arg12 : memref<!tpu.dma_semaphore, #tpu.memory_space<semaphore_mem>>) src(%dma_wait3A_22 : memref<1024xf32, #tpu.memory_space<hbm>>) dst(%arg10 : memref<1024xf32, #tpu.memory_space<vmem>>)
    %broadcast_in_dim3A = arith.constant 0.000000e+00 : f32
    %broadcast_in_dim3A_23 = vector.broadcast %broadcast_in_dim3A : f32 to vector<16xf32>
    %broadcast_in_dim3A_24 = arith.constant 0.000000e+00 : f32
    %broadcast_in_dim3A_25 = vector.broadcast %broadcast_in_dim3A_24 : f32 to vector<16xf32>
    %broadcast_in_dim3A_26 = arith.constant 0.000000e+00 : f32
    %broadcast_in_dim3A_27 = vector.broadcast %broadcast_in_dim3A_26 : f32 to vector<16xf32>
    %broadcast_in_dim3A_28 = arith.constant 0.000000e+00 : f32
    %broadcast_in_dim3A_29 = vector.broadcast %broadcast_in_dim3A_28 : f32 to vector<16xf32>
    %broadcast_in_dim3A_30 = arith.constant 0.000000e+00 : f32
    %broadcast_in_dim3A_31 = vector.broadcast %broadcast_in_dim3A_30 : f32 to vector<16xf32>
    %broadcast_in_dim3A_32 = arith.constant 0.000000e+00 : f32
    %broadcast_in_dim3A_33 = vector.broadcast %broadcast_in_dim3A_32 : f32 to vector<16xf32>
    %broadcast_in_dim3A_34 = arith.constant 0.000000e+00 : f32
    %broadcast_in_dim3A_35 = vector.broadcast %broadcast_in_dim3A_34 : f32 to vector<16xf32>
    %broadcast_in_dim3A_36 = arith.constant 0.000000e+00 : f32
    %broadcast_in_dim3A_37 = vector.broadcast %broadcast_in_dim3A_36 : f32 to vector<16xf32>
    %parallel_loop3A = arith.constant 0 : i32
    %parallel_loop3A_38 = arith.constant 1024 : i32
    %parallel_loop3A_39 = arith.constant 16 : i32
    %parallel_loop3A_40:16 = scf.for %parallel_loop3A_79 = %parallel_loop3A to %parallel_loop3A_38 step %parallel_loop3A_39 iter_args(%parallel_loop3A_80 = %broadcast_in_dim3A_23, %parallel_loop3A_81 = %broadcast_in_dim3A_25, %parallel_loop3A_82 = %broadcast_in_dim3A_27, %parallel_loop3A_83 = %broadcast_in_dim3A_29, %parallel_loop3A_84 = %broadcast_in_dim3A_31, %parallel_loop3A_85 = %broadcast_in_dim3A_33, %parallel_loop3A_86 = %broadcast_in_dim3A_35, %parallel_loop3A_87 = %broadcast_in_dim3A_37, %parallel_loop3A_88 = %broadcast_in_dim3A_23, %parallel_loop3A_89 = %broadcast_in_dim3A_25, %parallel_loop3A_90 = %broadcast_in_dim3A_27, %parallel_loop3A_91 = %broadcast_in_dim3A_29, %parallel_loop3A_92 = %broadcast_in_dim3A_31, %parallel_loop3A_93 = %broadcast_in_dim3A_33, %parallel_loop3A_94 = %broadcast_in_dim3A_35, %parallel_loop3A_95 = %broadcast_in_dim3A_37) -> (vector<16xf32>, vector<16xf32>, vector<16xf32>, vector<16xf32>, vector<16xf32>, vector<16xf32>, vector<16xf32>, vector<16xf32>, vector<16xf32>, vector<16xf32>, vector<16xf32>, vector<16xf32>, vector<16xf32>, vector<16xf32>, vector<16xf32>, vector<16xf32>)  : i32 {
      %parallel_loop3A_96 = arith.index_cast %parallel_loop3A_79 : i32 to index
      %parallel_loop3A_97 = tpu.vector_load %arg9[%parallel_loop3A_96] {strides = array<i32>} : memref<1024xi32, #tpu.memory_space<vmem>>, vector<16xi32>,
      %parallel_loop3A_98 = vector.shape_cast %parallel_loop3A_97 : vector<16xi32> to vector<16xi32>
      %parallel_loop3A_99 = arith.index_cast %parallel_loop3A_79 : i32 to index
      %parallel_loop3A_100 = tpu.vector_load %arg10[%parallel_loop3A_99] {strides = array<i32>} : memref<1024xf32, #tpu.memory_space<vmem>>, vector<16xf32>,
      %parallel_loop3A_101 = vector.shape_cast %parallel_loop3A_100 : vector<16xf32> to vector<16xf32>
      %parallel_loop3A_102 = vector.extract_strided_slice %parallel_loop3A_98 {offsets = [0], sizes = [1], strides = [1]} : vector<16xi32> to vector<1xi32>
      %parallel_loop3A_103 = vector.extract %parallel_loop3A_102[0] : i32 from vector<1xi32>
      %parallel_loop3A_104 = vector.extract_strided_slice %parallel_loop3A_101 {offsets = [0], sizes = [1], strides = [1]} : vector<16xf32> to vector<1xf32>
      %parallel_loop3A_105 = vector.extract %parallel_loop3A_104[0] : f32 from vector<1xf32>
      %parallel_loop3A_106 = arith.index_cast %parallel_loop3A_103 : i32 to index
      %parallel_loop3A_107 = arith.constant 0 : index
      %parallel_loop3A_108 = tpu.vector_load %arg7[%parallel_loop3A_106, %parallel_loop3A_107] {strides = array<i32>} : memref<128x128xf32, #tpu.memory_space<vmem>>, vector<1x16xf32>,
      %parallel_loop3A_109 = vector.shape_cast %parallel_loop3A_108 : vector<1x16xf32> to vector<16xf32>
      %parallel_loop3A_110 = arith.index_cast %parallel_loop3A_103 : i32 to index
      %parallel_loop3A_111 = arith.constant 0 : index
      %parallel_loop3A_112 = tpu.vector_load %arg8[%parallel_loop3A_110, %parallel_loop3A_111] {strides = array<i32>} : memref<128x128xf32, #tpu.memory_space<vmem>>, vector<1x16xf32>,
      %parallel_loop3A_113 = vector.shape_cast %parallel_loop3A_112 : vector<1x16xf32> to vector<16xf32>
      %parallel_loop3A_114 = arith.addf %parallel_loop3A_80, %parallel_loop3A_109 : vector<16xf32>
      %parallel_loop3A_115 = vector.broadcast %parallel_loop3A_105 : f32 to vector<16xf32>
      %parallel_loop3A_116 = arith.mulf %parallel_loop3A_113, %parallel_loop3A_115 : vector<16xf32>
      %parallel_loop3A_117 = math.exp %parallel_loop3A_116 : vector<16xf32>
      %parallel_loop3A_118 = arith.mulf %parallel_loop3A_109, %parallel_loop3A_117 : vector<16xf32>
      %parallel_loop3A_119 = arith.addf %parallel_loop3A_88, %parallel_loop3A_118 : vector<16xf32>
      %parallel_loop3A_120 = arith.index_cast %parallel_loop3A_103 : i32 to index
      %parallel_loop3A_121 = arith.constant 16 : index
      %parallel_loop3A_122 = tpu.vector_load %arg7[%parallel_loop3A_120, %parallel_loop3A_121] {strides = array<i32>} : memref<128x128xf32, #tpu.memory_space<vmem>>, vector<1x16xf32>,
      %parallel_loop3A_123 = vector.shape_cast %parallel_loop3A_122 : vector<1x16xf32> to vector<16xf32>
      %parallel_loop3A_124 = arith.index_cast %parallel_loop3A_103 : i32 to index
      %parallel_loop3A_125 = arith.constant 16 : index
      %parallel_loop3A_126 = tpu.vector_load %arg8[%parallel_loop3A_124, %parallel_loop3A_125] {strides = array<i32>} : memref<128x128xf32, #tpu.memory_space<vmem>>, vector<1x16xf32>,
      %parallel_loop3A_127 = vector.shape_cast %parallel_loop3A_126 : vector<1x16xf32> to vector<16xf32>
      %parallel_loop3A_128 = arith.addf %parallel_loop3A_81, %parallel_loop3A_123 : vector<16xf32>
      %parallel_loop3A_129 = vector.broadcast %parallel_loop3A_105 : f32 to vector<16xf32>
      %parallel_loop3A_130 = arith.mulf %parallel_loop3A_127, %parallel_loop3A_129 : vector<16xf32>
      %parallel_loop3A_131 = math.exp %parallel_loop3A_130 : vector<16xf32>
      %parallel_loop3A_132 = arith.mulf %parallel_loop3A_123, %parallel_loop3A_131 : vector<16xf32>
      %parallel_loop3A_133 = arith.addf %parallel_loop3A_89, %parallel_loop3A_132 : vector<16xf32>
      %parallel_loop3A_134 = arith.index_cast %parallel_loop3A_103 : i32 to index
      %parallel_loop3A_135 = arith.constant 32 : index
      %parallel_loop3A_136 = tpu.vector_load %arg7[%parallel_loop3A_134, %parallel_loop3A_135] {strides = array<i32>} : memref<128x128xf32, #tpu.memory_space<vmem>>, vector<1x16xf32>,
      %parallel_loop3A_137 = vector.shape_cast %parallel_loop3A_136 : vector<1x16xf32> to vector<16xf32>
      %parallel_loop3A_138 = arith.index_cast %parallel_loop3A_103 : i32 to index
      %parallel_loop3A_139 = arith.constant 32 : index
      %parallel_loop3A_140 = tpu.vector_load %arg8[%parallel_loop3A_138, %parallel_loop3A_139] {strides = array<i32>} : memref<128x128xf32, #tpu.memory_space<vmem>>, vector<1x16xf32>,
      %parallel_loop3A_141 = vector.shape_cast %parallel_loop3A_140 : vector<1x16xf32> to vector<16xf32>
      %parallel_loop3A_142 = arith.addf %parallel_loop3A_82, %parallel_loop3A_137 : vector<16xf32>
      %parallel_loop3A_143 = vector.broadcast %parallel_loop3A_105 : f32 to vector<16xf32>
      %parallel_loop3A_144 = arith.mulf %parallel_loop3A_141, %parallel_loop3A_143 : vector<16xf32>
      %parallel_loop3A_145 = math.exp %parallel_loop3A_144 : vector<16xf32>
      %parallel_loop3A_146 = arith.mulf %parallel_loop3A_137, %parallel_loop3A_145 : vector<16xf32>
      %parallel_loop3A_147 = arith.addf %parallel_loop3A_90, %parallel_loop3A_146 : vector<16xf32>
      %parallel_loop3A_148 = arith.index_cast %parallel_loop3A_103 : i32 to index
      %parallel_loop3A_149 = arith.constant 48 : index
      %parallel_loop3A_150 = tpu.vector_load %arg7[%parallel_loop3A_148, %parallel_loop3A_149] {strides = array<i32>} : memref<128x128xf32, #tpu.memory_space<vmem>>, vector<1x16xf32>,
      %parallel_loop3A_151 = vector.shape_cast %parallel_loop3A_150 : vector<1x16xf32> to vector<16xf32>
      %parallel_loop3A_152 = arith.index_cast %parallel_loop3A_103 : i32 to index
      %parallel_loop3A_153 = arith.constant 48 : index
      %parallel_loop3A_154 = tpu.vector_load %arg8[%parallel_loop3A_152, %parallel_loop3A_153] {strides = array<i32>} : memref<128x128xf32, #tpu.memory_space<vmem>>, vector<1x16xf32>,
      %parallel_loop3A_155 = vector.shape_cast %parallel_loop3A_154 : vector<1x16xf32> to vector<16xf32>
      %parallel_loop3A_156 = arith.addf %parallel_loop3A_83, %parallel_loop3A_151 : vector<16xf32>
      %parallel_loop3A_157 = vector.broadcast %parallel_loop3A_105 : f32 to vector<16xf32>
      %parallel_loop3A_158 = arith.mulf %parallel_loop3A_155, %parallel_loop3A_157 : vector<16xf32>
      %parallel_loop3A_159 = math.exp %parallel_loop3A_158 : vector<16xf32>
      %parallel_loop3A_160 = arith.mulf %parallel_loop3A_151, %parallel_loop3A_159 : vector<16xf32>
      %parallel_loop3A_161 = arith.addf %parallel_loop3A_91, %parallel_loop3A_160 : vector<16xf32>
      %parallel_loop3A_162 = arith.index_cast %parallel_loop3A_103 : i32 to index
      %parallel_loop3A_163 = arith.constant 64 : index
      %parallel_loop3A_164 = tpu.vector_load %arg7[%parallel_loop3A_162, %parallel_loop3A_163] {strides = array<i32>} : memref<128x128xf32, #tpu.memory_space<vmem>>, vector<1x16xf32>,
      %parallel_loop3A_165 = vector.shape_cast %parallel_loop3A_164 : vector<1x16xf32> to vector<16xf32>
      %parallel_loop3A_166 = arith.index_cast %parallel_loop3A_103 : i32 to index
      %parallel_loop3A_167 = arith.constant 64 : index
      %parallel_loop3A_168 = tpu.vector_load %arg8[%parallel_loop3A_166, %parallel_loop3A_167] {strides = array<i32>} : memref<128x128xf32, #tpu.memory_space<vmem>>, vector<1x16xf32>,
      %parallel_loop3A_169 = vector.shape_cast %parallel_loop3A_168 : vector<1x16xf32> to vector<16xf32>
      %parallel_loop3A_170 = arith.addf %parallel_loop3A_84, %parallel_loop3A_165 : vector<16xf32>
      %parallel_loop3A_171 = vector.broadcast %parallel_loop3A_105 : f32 to vector<16xf32>
      %parallel_loop3A_172 = arith.mulf %parallel_loop3A_169, %parallel_loop3A_171 : vector<16xf32>
      %parallel_loop3A_173 = math.exp %parallel_loop3A_172 : vector<16xf32>
      %parallel_loop3A_174 = arith.mulf %parallel_loop3A_165, %parallel_loop3A_173 : vector<16xf32>
      %parallel_loop3A_175 = arith.addf %parallel_loop3A_92, %parallel_loop3A_174 : vector<16xf32>
      %parallel_loop3A_176 = arith.index_cast %parallel_loop3A_103 : i32 to index
      %parallel_loop3A_177 = arith.constant 80 : index
      %parallel_loop3A_178 = tpu.vector_load %arg7[%parallel_loop3A_176, %parallel_loop3A_177] {strides = array<i32>} : memref<128x128xf32, #tpu.memory_space<vmem>>, vector<1x16xf32>,
      %parallel_loop3A_179 = vector.shape_cast %parallel_loop3A_178 : vector<1x16xf32> to vector<16xf32>
      %parallel_loop3A_180 = arith.index_cast %parallel_loop3A_103 : i32 to index
      %parallel_loop3A_181 = arith.constant 80 : index
      %parallel_loop3A_182 = tpu.vector_load %arg8[%parallel_loop3A_180, %parallel_loop3A_181] {strides = array<i32>} : memref<128x128xf32, #tpu.memory_space<vmem>>, vector<1x16xf32>,
      %parallel_loop3A_183 = vector.shape_cast %parallel_loop3A_182 : vector<1x16xf32> to vector<16xf32>
      %parallel_loop3A_184 = arith.addf %parallel_loop3A_85, %parallel_loop3A_179 : vector<16xf32>
      %parallel_loop3A_185 = vector.broadcast %parallel_loop3A_105 : f32 to vector<16xf32>
      %parallel_loop3A_186 = arith.mulf %parallel_loop3A_183, %parallel_loop3A_185 : vector<16xf32>
      %parallel_loop3A_187 = math.exp %parallel_loop3A_186 : vector<16xf32>
      %parallel_loop3A_188 = arith.mulf %parallel_loop3A_179, %parallel_loop3A_187 : vector<16xf32>
      %parallel_loop3A_189 = arith.addf %parallel_loop3A_93, %parallel_loop3A_188 : vector<16xf32>
      %parallel_loop3A_190 = arith.index_cast %parallel_loop3A_103 : i32 to index
      %parallel_loop3A_191 = arith.constant 96 : index
      %parallel_loop3A_192 = tpu.vector_load %arg7[%parallel_loop3A_190, %parallel_loop3A_191] {strides = array<i32>} : memref<128x128xf32, #tpu.memory_space<vmem>>, vector<1x16xf32>,
      %parallel_loop3A_193 = vector.shape_cast %parallel_loop3A_192 : vector<1x16xf32> to vector<16xf32>
      %parallel_loop3A_194 = arith.index_cast %parallel_loop3A_103 : i32 to index
      %parallel_loop3A_195 = arith.constant 96 : index
      %parallel_loop3A_196 = tpu.vector_load %arg8[%parallel_loop3A_194, %parallel_loop3A_195] {strides = array<i32>} : memref<128x128xf32, #tpu.memory_space<vmem>>, vector<1x16xf32>,
      %parallel_loop3A_197 = vector.shape_cast %parallel_loop3A_196 : vector<1x16xf32> to vector<16xf32>
      %parallel_loop3A_198 = arith.addf %parallel_loop3A_86, %parallel_loop3A_193 : vector<16xf32>
      %parallel_loop3A_199 = vector.broadcast %parallel_loop3A_105 : f32 to vector<16xf32>
      %parallel_loop3A_200 = arith.mulf %parallel_loop3A_197, %parallel_loop3A_199 : vector<16xf32>
      %parallel_loop3A_201 = math.exp %parallel_loop3A_200 : vector<16xf32>
      %parallel_loop3A_202 = arith.mulf %parallel_loop3A_193, %parallel_loop3A_201 : vector<16xf32>
      %parallel_loop3A_203 = arith.addf %parallel_loop3A_94, %parallel_loop3A_202 : vector<16xf32>
      %parallel_loop3A_204 = arith.index_cast %parallel_loop3A_103 : i32 to index
      %parallel_loop3A_205 = arith.constant 112 : index
      %parallel_loop3A_206 = tpu.vector_load %arg7[%parallel_loop3A_204, %parallel_loop3A_205] {strides = array<i32>} : memref<128x128xf32, #tpu.memory_space<vmem>>, vector<1x16xf32>,
      %parallel_loop3A_207 = vector.shape_cast %parallel_loop3A_206 : vector<1x16xf32> to vector<16xf32>
      %parallel_loop3A_208 = arith.index_cast %parallel_loop3A_103 : i32 to index
      %parallel_loop3A_209 = arith.constant 112 : index
      %parallel_loop3A_210 = tpu.vector_load %arg8[%parallel_loop3A_208, %parallel_loop3A_209] {strides = array<i32>} : memref<128x128xf32, #tpu.memory_space<vmem>>, vector<1x16xf32>,
      %parallel_loop3A_211 = vector.shape_cast %parallel_loop3A_210 : vector<1x16xf32> to vector<16xf32>
      %parallel_loop3A_212 = arith.addf %parallel_loop3A_87, %parallel_loop3A_207 : vector<16xf32>
      %parallel_loop3A_213 = vector.broadcast %parallel_loop3A_105 : f32 to vector<16xf32>
      %parallel_loop3A_214 = arith.mulf %parallel_loop3A_211, %parallel_loop3A_213 : vector<16xf32>
      %parallel_loop3A_215 = math.exp %parallel_loop3A_214 : vector<16xf32>
      %parallel_loop3A_216 = arith.mulf %parallel_loop3A_207, %parallel_loop3A_215 : vector<16xf32>
      %parallel_loop3A_217 = arith.addf %parallel_loop3A_95, %parallel_loop3A_216 : vector<16xf32>
      %parallel_loop3A_218 = vector.extract_strided_slice %parallel_loop3A_98 {offsets = [1], sizes = [1], strides = [1]} : vector<16xi32> to vector<1xi32>
      %parallel_loop3A_219 = vector.extract %parallel_loop3A_218[0] : i32 from vector<1xi32>
      %parallel_loop3A_220 = vector.extract_strided_slice %parallel_loop3A_101 {offsets = [1], sizes = [1], strides = [1]} : vector<16xf32> to vector<1xf32>
      %parallel_loop3A_221 = vector.extract %parallel_loop3A_220[0] : f32 from vector<1xf32>
      %parallel_loop3A_222 = arith.index_cast %parallel_loop3A_219 : i32 to index
      %parallel_loop3A_223 = arith.constant 0 : index
      %parallel_loop3A_224 = tpu.vector_load %arg7[%parallel_loop3A_222, %parallel_loop3A_223] {strides = array<i32>} : memref<128x128xf32, #tpu.memory_space<vmem>>, vector<1x16xf32>,
      %parallel_loop3A_225 = vector.shape_cast %parallel_loop3A_224 : vector<1x16xf32> to vector<16xf32>
      %parallel_loop3A_226 = arith.index_cast %parallel_loop3A_219 : i32 to index
      %parallel_loop3A_227 = arith.constant 0 : index
      %parallel_loop3A_228 = tpu.vector_load %arg8[%parallel_loop3A_226, %parallel_loop3A_227] {strides = array<i32>} : memref<128x128xf32, #tpu.memory_space<vmem>>, vector<1x16xf32>,
      %parallel_loop3A_229 = vector.shape_cast %parallel_loop3A_228 : vector<1x16xf32> to vector<16xf32>
      %parallel_loop3A_230 = arith.addf %parallel_loop3A_114, %parallel_loop3A_225 : vector<16xf32>
      %parallel_loop3A_231 = vector.broadcast %parallel_loop3A_221 : f32 to vector<16xf32>
      %parallel_loop3A_232 = arith.mulf %parallel_loop3A_229, %parallel_loop3A_231 : vector<16xf32>
      %parallel_loop3A_233 = math.exp %parallel_loop3A_232 : vector<16xf32>
      %parallel_loop3A_234 = arith.mulf %parallel_loop3A_225, %parallel_loop3A_233 : vector<16xf32>
      %parallel_loop3A_235 = arith.addf %parallel_loop3A_119, %parallel_loop3A_234 : vector<16xf32>
      %parallel_loop3A_236 = arith.index_cast %parallel_loop3A_219 : i32 to index
      %parallel_loop3A_237 = arith.constant 16 : index
      %parallel_loop3A_238 = tpu.vector_load %arg7[%parallel_loop3A_236, %parallel_loop3A_237] {strides = array<i32>} : memref<128x128xf32, #tpu.memory_space<vmem>>, vector<1x16xf32>,
      %parallel_loop3A_239 = vector.shape_cast %parallel_loop3A_238 : vector<1x16xf32> to vector<16xf32>
      %parallel_loop3A_240 = arith.index_cast %parallel_loop3A_219 : i32 to index
      %parallel_loop3A_241 = arith.constant 16 : index
      %parallel_loop3A_242 = tpu.vector_load %arg8[%parallel_loop3A_240, %parallel_loop3A_241] {strides = array<i32>} : memref<128x128xf32, #tpu.memory_space<vmem>>, vector<1x16xf32>,
      %parallel_loop3A_243 = vector.shape_cast %parallel_loop3A_242 : vector<1x16xf32> to vector<16xf32>
      %parallel_loop3A_244 = arith.addf %parallel_loop3A_128, %parallel_loop3A_239 : vector<16xf32>
      %parallel_loop3A_245 = vector.broadcast %parallel_loop3A_221 : f32 to vector<16xf32>
      %parallel_loop3A_246 = arith.mulf %parallel_loop3A_243, %parallel_loop3A_245 : vector<16xf32>
      %parallel_loop3A_247 = math.exp %parallel_loop3A_246 : vector<16xf32>
      %parallel_loop3A_248 = arith.mulf %parallel_loop3A_239, %parallel_loop3A_247 : vector<16xf32>
      %parallel_loop3A_249 = arith.addf %parallel_loop3A_133, %parallel_loop3A_248 : vector<16xf32>
      %parallel_loop3A_250 = arith.index_cast %parallel_loop3A_219 : i32 to index
      %parallel_loop3A_251 = arith.constant 32 : index
      %parallel_loop3A_252 = tpu.vector_load %arg7[%parallel_loop3A_250, %parallel_loop3A_251] {strides = array<i32>} : memref<128x128xf32, #tpu.memory_space<vmem>>, vector<1x16xf32>,
      %parallel_loop3A_253 = vector.shape_cast %parallel_loop3A_252 : vector<1x16xf32> to vector<16xf32>
      %parallel_loop3A_254 = arith.index_cast %parallel_loop3A_219 : i32 to index
      %parallel_loop3A_255 = arith.constant 32 : index
      %parallel_loop3A_256 = tpu.vector_load %arg8[%parallel_loop3A_254, %parallel_loop3A_255] {strides = array<i32>} : memref<128x128xf32, #tpu.memory_space<vmem>>, vector<1x16xf32>,
      %parallel_loop3A_257 = vector.shape_cast %parallel_loop3A_256 : vector<1x16xf32> to vector<16xf32>
      %parallel_loop3A_258 = arith.addf %parallel_loop3A_142, %parallel_loop3A_253 : vector<16xf32>
      %parallel_loop3A_259 = vector.broadcast %parallel_loop3A_221 : f32 to vector<16xf32>
      %parallel_loop3A_260 = arith.mulf %parallel_loop3A_257, %parallel_loop3A_259 : vector<16xf32>
      %parallel_loop3A_261 = math.exp %parallel_loop3A_260 : vector<16xf32>
      %parallel_loop3A_262 = arith.mulf %parallel_loop3A_253, %parallel_loop3A_261 : vector<16xf32>
      %parallel_loop3A_263 = arith.addf %parallel_loop3A_147, %parallel_loop3A_262 : vector<16xf32>
      %parallel_loop3A_264 = arith.index_cast %parallel_loop3A_219 : i32 to index
      %parallel_loop3A_265 = arith.constant 48 : index
      %parallel_loop3A_266 = tpu.vector_load %arg7[%parallel_loop3A_264, %parallel_loop3A_265] {strides = array<i32>} : memref<128x128xf32, #tpu.memory_space<vmem>>, vector<1x16xf32>,
      %parallel_loop3A_267 = vector.shape_cast %parallel_loop3A_266 : vector<1x16xf32> to vector<16xf32>
      %parallel_loop3A_268 = arith.index_cast %parallel_loop3A_219 : i32 to index
      %parallel_loop3A_269 = arith.constant 48 : index
      %parallel_loop3A_270 = tpu.vector_load %arg8[%parallel_loop3A_268, %parallel_loop3A_269] {strides = array<i32>} : memref<128x128xf32, #tpu.memory_space<vmem>>, vector<1x16xf32>,
      %parallel_loop3A_271 = vector.shape_cast %parallel_loop3A_270 : vector<1x16xf32> to vector<16xf32>
      %parallel_loop3A_272 = arith.addf %parallel_loop3A_156, %parallel_loop3A_267 : vector<16xf32>
      %parallel_loop3A_273 = vector.broadcast %parallel_loop3A_221 : f32 to vector<16xf32>
      %parallel_loop3A_274 = arith.mulf %parallel_loop3A_271, %parallel_loop3A_273 : vector<16xf32>
      %parallel_loop3A_275 = math.exp %parallel_loop3A_274 : vector<16xf32>
      %parallel_loop3A_276 = arith.mulf %parallel_loop3A_267, %parallel_loop3A_275 : vector<16xf32>
      %parallel_loop3A_277 = arith.addf %parallel_loop3A_161, %parallel_loop3A_276 : vector<16xf32>
      %parallel_loop3A_278 = arith.index_cast %parallel_loop3A_219 : i32 to index
      %parallel_loop3A_279 = arith.constant 64 : index
      %parallel_loop3A_280 = tpu.vector_load %arg7[%parallel_loop3A_278, %parallel_loop3A_279] {strides = array<i32>} : memref<128x128xf32, #tpu.memory_space<vmem>>, vector<1x16xf32>,
      %parallel_loop3A_281 = vector.shape_cast %parallel_loop3A_280 : vector<1x16xf32> to vector<16xf32>
      %parallel_loop3A_282 = arith.index_cast %parallel_loop3A_219 : i32 to index
      %parallel_loop3A_283 = arith.constant 64 : index
      %parallel_loop3A_284 = tpu.vector_load %arg8[%parallel_loop3A_282, %parallel_loop3A_283] {strides = array<i32>} : memref<128x128xf32, #tpu.memory_space<vmem>>, vector<1x16xf32>,
      %parallel_loop3A_285 = vector.shape_cast %parallel_loop3A_284 : vector<1x16xf32> to vector<16xf32>
      %parallel_loop3A_286 = arith.addf %parallel_loop3A_170, %parallel_loop3A_281 : vector<16xf32>
      %parallel_loop3A_287 = vector.broadcast %parallel_loop3A_221 : f32 to vector<16xf32>
      %parallel_loop3A_288 = arith.mulf %parallel_loop3A_285, %parallel_loop3A_287 : vector<16xf32>
      %parallel_loop3A_289 = math.exp %parallel_loop3A_288 : vector<16xf32>
      %parallel_loop3A_290 = arith.mulf %parallel_loop3A_281, %parallel_loop3A_289 : vector<16xf32>
      %parallel_loop3A_291 = arith.addf %parallel_loop3A_175, %parallel_loop3A_290 : vector<16xf32>
      %parallel_loop3A_292 = arith.index_cast %parallel_loop3A_219 : i32 to index
      %parallel_loop3A_293 = arith.constant 80 : index
      %parallel_loop3A_294 = tpu.vector_load %arg7[%parallel_loop3A_292, %parallel_loop3A_293] {strides = array<i32>} : memref<128x128xf32, #tpu.memory_space<vmem>>, vector<1x16xf32>,
      %parallel_loop3A_295 = vector.shape_cast %parallel_loop3A_294 : vector<1x16xf32> to vector<16xf32>
      %parallel_loop3A_296 = arith.index_cast %parallel_loop3A_219 : i32 to index
      %parallel_loop3A_297 = arith.constant 80 : index
      %parallel_loop3A_298 = tpu.vector_load %arg8[%parallel_loop3A_296, %parallel_loop3A_297] {strides = array<i32>} : memref<128x128xf32, #tpu.memory_space<vmem>>, vector<1x16xf32>,
      %parallel_loop3A_299 = vector.shape_cast %parallel_loop3A_298 : vector<1x16xf32> to vector<16xf32>
      %parallel_loop3A_300 = arith.addf %parallel_loop3A_184, %parallel_loop3A_295 : vector<16xf32>
      %parallel_loop3A_301 = vector.broadcast %parallel_loop3A_221 : f32 to vector<16xf32>
      %parallel_loop3A_302 = arith.mulf %parallel_loop3A_299, %parallel_loop3A_301 : vector<16xf32>
      %parallel_loop3A_303 = math.exp %parallel_loop3A_302 : vector<16xf32>
      %parallel_loop3A_304 = arith.mulf %parallel_loop3A_295, %parallel_loop3A_303 : vector<16xf32>
      %parallel_loop3A_305 = arith.addf %parallel_loop3A_189, %parallel_loop3A_304 : vector<16xf32>
      %parallel_loop3A_306 = arith.index_cast %parallel_loop3A_219 : i32 to index
      %parallel_loop3A_307 = arith.constant 96 : index
      %parallel_loop3A_308 = tpu.vector_load %arg7[%parallel_loop3A_306, %parallel_loop3A_307] {strides = array<i32>} : memref<128x128xf32, #tpu.memory_space<vmem>>, vector<1x16xf32>,
      %parallel_loop3A_309 = vector.shape_cast %parallel_loop3A_308 : vector<1x16xf32> to vector<16xf32>
      %parallel_loop3A_310 = arith.index_cast %parallel_loop3A_219 : i32 to index
      %parallel_loop3A_311 = arith.constant 96 : index
      %parallel_loop3A_312 = tpu.vector_load %arg8[%parallel_loop3A_310, %parallel_loop3A_311] {strides = array<i32>} : memref<128x128xf32, #tpu.memory_space<vmem>>, vector<1x16xf32>,
      %parallel_loop3A_313 = vector.shape_cast %parallel_loop3A_312 : vector<1x16xf32> to vector<16xf32>
      %parallel_loop3A_314 = arith.addf %parallel_loop3A_198, %parallel_loop3A_309 : vector<16xf32>
      %parallel_loop3A_315 = vector.broadcast %parallel_loop3A_221 : f32 to vector<16xf32>
      %parallel_loop3A_316 = arith.mulf %parallel_loop3A_313, %parallel_loop3A_315 : vector<16xf32>
      %parallel_loop3A_317 = math.exp %parallel_loop3A_316 : vector<16xf32>
      %parallel_loop3A_318 = arith.mulf %parallel_loop3A_309, %parallel_loop3A_317 : vector<16xf32>
      %parallel_loop3A_319 = arith.addf %parallel_loop3A_203, %parallel_loop3A_318 : vector<16xf32>
      %parallel_loop3A_320 = arith.index_cast %parallel_loop3A_219 : i32 to index
      %parallel_loop3A_321 = arith.constant 112 : index
      %parallel_loop3A_322 = tpu.vector_load %arg7[%parallel_loop3A_320, %parallel_loop3A_321] {strides = array<i32>} : memref<128x128xf32, #tpu.memory_space<vmem>>, vector<1x16xf32>,
      %parallel_loop3A_323 = vector.shape_cast %parallel_loop3A_322 : vector<1x16xf32> to vector<16xf32>
      %parallel_loop3A_324 = arith.index_cast %parallel_loop3A_219 : i32 to index
      %parallel_loop3A_325 = arith.constant 112 : index
      %parallel_loop3A_326 = tpu.vector_load %arg8[%parallel_loop3A_324, %parallel_loop3A_325] {strides = array<i32>} : memref<128x128xf32, #tpu.memory_space<vmem>>, vector<1x16xf32>,
      %parallel_loop3A_327 = vector.shape_cast %parallel_loop3A_326 : vector<1x16xf32> to vector<16xf32>
      %parallel_loop3A_328 = arith.addf %parallel_loop3A_212, %parallel_loop3A_323 : vector<16xf32>
      %parallel_loop3A_329 = vector.broadcast %parallel_loop3A_221 : f32 to vector<16xf32>
      %parallel_loop3A_330 = arith.mulf %parallel_loop3A_327, %parallel_loop3A_329 : vector<16xf32>
      %parallel_loop3A_331 = math.exp %parallel_loop3A_330 : vector<16xf32>
      %parallel_loop3A_332 = arith.mulf %parallel_loop3A_323, %parallel_loop3A_331 : vector<16xf32>
      %parallel_loop3A_333 = arith.addf %parallel_loop3A_217, %parallel_loop3A_332 : vector<16xf32>
      %parallel_loop3A_334 = vector.extract_strided_slice %parallel_loop3A_98 {offsets = [2], sizes = [1], strides = [1]} : vector<16xi32> to vector<1xi32>
      %parallel_loop3A_335 = vector.extract %parallel_loop3A_334[0] : i32 from vector<1xi32>
      %parallel_loop3A_336 = vector.extract_strided_slice %parallel_loop3A_101 {offsets = [2], sizes = [1], strides = [1]} : vector<16xf32> to vector<1xf32>
      %parallel_loop3A_337 = vector.extract %parallel_loop3A_336[0] : f32 from vector<1xf32>
      %parallel_loop3A_338 = arith.index_cast %parallel_loop3A_335 : i32 to index
      %parallel_loop3A_339 = arith.constant 0 : index
      %parallel_loop3A_340 = tpu.vector_load %arg7[%parallel_loop3A_338, %parallel_loop3A_339] {strides = array<i32>} : memref<128x128xf32, #tpu.memory_space<vmem>>, vector<1x16xf32>,
      %parallel_loop3A_341 = vector.shape_cast %parallel_loop3A_340 : vector<1x16xf32> to vector<16xf32>
      %parallel_loop3A_342 = arith.index_cast %parallel_loop3A_335 : i32 to index
      %parallel_loop3A_343 = arith.constant 0 : index
      %parallel_loop3A_344 = tpu.vector_load %arg8[%parallel_loop3A_342, %parallel_loop3A_343] {strides = array<i32>} : memref<128x128xf32, #tpu.memory_space<vmem>>, vector<1x16xf32>,
      %parallel_loop3A_345 = vector.shape_cast %parallel_loop3A_344 : vector<1x16xf32> to vector<16xf32>
      %parallel_loop3A_346 = arith.addf %parallel_loop3A_230, %parallel_loop3A_341 : vector<16xf32>
      %parallel_loop3A_347 = vector.broadcast %parallel_loop3A_337 : f32 to vector<16xf32>
      %parallel_loop3A_348 = arith.mulf %parallel_loop3A_345, %parallel_loop3A_347 : vector<16xf32>
      %parallel_loop3A_349 = math.exp %parallel_loop3A_348 : vector<16xf32>
      %parallel_loop3A_350 = arith.mulf %parallel_loop3A_341, %parallel_loop3A_349 : vector<16xf32>
      %parallel_loop3A_351 = arith.addf %parallel_loop3A_235, %parallel_loop3A_350 : vector<16xf32>
      %parallel_loop3A_352 = arith.index_cast %parallel_loop3A_335 : i32 to index
      %parallel_loop3A_353 = arith.constant 16 : index
      %parallel_loop3A_354 = tpu.vector_load %arg7[%parallel_loop3A_352, %parallel_loop3A_353] {strides = array<i32>} : memref<128x128xf32, #tpu.memory_space<vmem>>, vector<1x16xf32>,
      %parallel_loop3A_355 = vector.shape_cast %parallel_loop3A_354 : vector<1x16xf32> to vector<16xf32>
      %parallel_loop3A_356 = arith.index_cast %parallel_loop3A_335 : i32 to index
      %parallel_loop3A_357 = arith.constant 16 : index
      %parallel_loop3A_358 = tpu.vector_load %arg8[%parallel_loop3A_356, %parallel_loop3A_357] {strides = array<i32>} : memref<128x128xf32, #tpu.memory_space<vmem>>, vector<1x16xf32>,
      %parallel_loop3A_359 = vector.shape_cast %parallel_loop3A_358 : vector<1x16xf32> to vector<16xf32>
      %parallel_loop3A_360 = arith.addf %parallel_loop3A_244, %parallel_loop3A_355 : vector<16xf32>
      %parallel_loop3A_361 = vector.broadcast %parallel_loop3A_337 : f32 to vector<16xf32>
      %parallel_loop3A_362 = arith.mulf %parallel_loop3A_359, %parallel_loop3A_361 : vector<16xf32>
      %parallel_loop3A_363 = math.exp %parallel_loop3A_362 : vector<16xf32>
      %parallel_loop3A_364 = arith.mulf %parallel_loop3A_355, %parallel_loop3A_363 : vector<16xf32>
      %parallel_loop3A_365 = arith.addf %parallel_loop3A_249, %parallel_loop3A_364 : vector<16xf32>
      %parallel_loop3A_366 = arith.index_cast %parallel_loop3A_335 : i32 to index
      %parallel_loop3A_367 = arith.constant 32 : index
      %parallel_loop3A_368 = tpu.vector_load %arg7[%parallel_loop3A_366, %parallel_loop3A_367] {strides = array<i32>} : memref<128x128xf32, #tpu.memory_space<vmem>>, vector<1x16xf32>,
      %parallel_loop3A_369 = vector.shape_cast %parallel_loop3A_368 : vector<1x16xf32> to vector<16xf32>
      %parallel_loop3A_370 = arith.index_cast %parallel_loop3A_335 : i32 to index
      %parallel_loop3A_371 = arith.constant 32 : index
      %parallel_loop3A_372 = tpu.vector_load %arg8[%parallel_loop3A_370, %parallel_loop3A_371] {strides = array<i32>} : memref<128x128xf32, #tpu.memory_space<vmem>>, vector<1x16xf32>,
      %parallel_loop3A_373 = vector.shape_cast %parallel_loop3A_372 : vector<1x16xf32> to vector<16xf32>
      %parallel_loop3A_374 = arith.addf %parallel_loop3A_258, %parallel_loop3A_369 : vector<16xf32>
      %parallel_loop3A_375 = vector.broadcast %parallel_loop3A_337 : f32 to vector<16xf32>
      %parallel_loop3A_376 = arith.mulf %parallel_loop3A_373, %parallel_loop3A_375 : vector<16xf32>
      %parallel_loop3A_377 = math.exp %parallel_loop3A_376 : vector<16xf32>
      %parallel_loop3A_378 = arith.mulf %parallel_loop3A_369, %parallel_loop3A_377 : vector<16xf32>
      %parallel_loop3A_379 = arith.addf %parallel_loop3A_263, %parallel_loop3A_378 : vector<16xf32>
      %parallel_loop3A_380 = arith.index_cast %parallel_loop3A_335 : i32 to index
      %parallel_loop3A_381 = arith.constant 48 : index
      %parallel_loop3A_382 = tpu.vector_load %arg7[%parallel_loop3A_380, %parallel_loop3A_381] {strides = array<i32>} : memref<128x128xf32, #tpu.memory_space<vmem>>, vector<1x16xf32>,
      %parallel_loop3A_383 = vector.shape_cast %parallel_loop3A_382 : vector<1x16xf32> to vector<16xf32>
      %parallel_loop3A_384 = arith.index_cast %parallel_loop3A_335 : i32 to index
      %parallel_loop3A_385 = arith.constant 48 : index
      %parallel_loop3A_386 = tpu.vector_load %arg8[%parallel_loop3A_384, %parallel_loop3A_385] {strides = array<i32>} : memref<128x128xf32, #tpu.memory_space<vmem>>, vector<1x16xf32>,
      %parallel_loop3A_387 = vector.shape_cast %parallel_loop3A_386 : vector<1x16xf32> to vector<16xf32>
      %parallel_loop3A_388 = arith.addf %parallel_loop3A_272, %parallel_loop3A_383 : vector<16xf32>
      %parallel_loop3A_389 = vector.broadcast %parallel_loop3A_337 : f32 to vector<16xf32>
      %parallel_loop3A_390 = arith.mulf %parallel_loop3A_387, %parallel_loop3A_389 : vector<16xf32>
      %parallel_loop3A_391 = math.exp %parallel_loop3A_390 : vector<16xf32>
      %parallel_loop3A_392 = arith.mulf %parallel_loop3A_383, %parallel_loop3A_391 : vector<16xf32>
      %parallel_loop3A_393 = arith.addf %parallel_loop3A_277, %parallel_loop3A_392 : vector<16xf32>
      %parallel_loop3A_394 = arith.index_cast %parallel_loop3A_335 : i32 to index
      %parallel_loop3A_395 = arith.constant 64 : index
      %parallel_loop3A_396 = tpu.vector_load %arg7[%parallel_loop3A_394, %parallel_loop3A_395] {strides = array<i32>} : memref<128x128xf32, #tpu.memory_space<vmem>>, vector<1x16xf32>,
      %parallel_loop3A_397 = vector.shape_cast %parallel_loop3A_396 : vector<1x16xf32> to vector<16xf32>
      %parallel_loop3A_398 = arith.index_cast %parallel_loop3A_335 : i32 to index
      %parallel_loop3A_399 = arith.constant 64 : index
      %parallel_loop3A_400 = tpu.vector_load %arg8[%parallel_loop3A_398, %parallel_loop3A_399] {strides = array<i32>} : memref<128x128xf32, #tpu.memory_space<vmem>>, vector<1x16xf32>,
      %parallel_loop3A_401 = vector.shape_cast %parallel_loop3A_400 : vector<1x16xf32> to vector<16xf32>
      %parallel_loop3A_402 = arith.addf %parallel_loop3A_286, %parallel_loop3A_397 : vector<16xf32>
      %parallel_loop3A_403 = vector.broadcast %parallel_loop3A_337 : f32 to vector<16xf32>
      %parallel_loop3A_404 = arith.mulf %parallel_loop3A_401, %parallel_loop3A_403 : vector<16xf32>
      %parallel_loop3A_405 = math.exp %parallel_loop3A_404 : vector<16xf32>
      %parallel_loop3A_406 = arith.mulf %parallel_loop3A_397, %parallel_loop3A_405 : vector<16xf32>
      %parallel_loop3A_407 = arith.addf %parallel_loop3A_291, %parallel_loop3A_406 : vector<16xf32>
      %parallel_loop3A_408 = arith.index_cast %parallel_loop3A_335 : i32 to index
      %parallel_loop3A_409 = arith.constant 80 : index
      %parallel_loop3A_410 = tpu.vector_load %arg7[%parallel_loop3A_408, %parallel_loop3A_409] {strides = array<i32>} : memref<128x128xf32, #tpu.memory_space<vmem>>, vector<1x16xf32>,
      %parallel_loop3A_411 = vector.shape_cast %parallel_loop3A_410 : vector<1x16xf32> to vector<16xf32>
      %parallel_loop3A_412 = arith.index_cast %parallel_loop3A_335 : i32 to index
      %parallel_loop3A_413 = arith.constant 80 : index
      %parallel_loop3A_414 = tpu.vector_load %arg8[%parallel_loop3A_412, %parallel_loop3A_413] {strides = array<i32>} : memref<128x128xf32, #tpu.memory_space<vmem>>, vector<1x16xf32>,
      %parallel_loop3A_415 = vector.shape_cast %parallel_loop3A_414 : vector<1x16xf32> to vector<16xf32>
      %parallel_loop3A_416 = arith.addf %parallel_loop3A_300, %parallel_loop3A_411 : vector<16xf32>
      %parallel_loop3A_417 = vector.broadcast %parallel_loop3A_337 : f32 to vector<16xf32>
      %parallel_loop3A_418 = arith.mulf %parallel_loop3A_415, %parallel_loop3A_417 : vector<16xf32>
      %parallel_loop3A_419 = math.exp %parallel_loop3A_418 : vector<16xf32>
      %parallel_loop3A_420 = arith.mulf %parallel_loop3A_411, %parallel_loop3A_419 : vector<16xf32>
      %parallel_loop3A_421 = arith.addf %parallel_loop3A_305, %parallel_loop3A_420 : vector<16xf32>
      %parallel_loop3A_422 = arith.index_cast %parallel_loop3A_335 : i32 to index
      %parallel_loop3A_423 = arith.constant 96 : index
      %parallel_loop3A_424 = tpu.vector_load %arg7[%parallel_loop3A_422, %parallel_loop3A_423] {strides = array<i32>} : memref<128x128xf32, #tpu.memory_space<vmem>>, vector<1x16xf32>,
      %parallel_loop3A_425 = vector.shape_cast %parallel_loop3A_424 : vector<1x16xf32> to vector<16xf32>
      %parallel_loop3A_426 = arith.index_cast %parallel_loop3A_335 : i32 to index
      %parallel_loop3A_427 = arith.constant 96 : index
      %parallel_loop3A_428 = tpu.vector_load %arg8[%parallel_loop3A_426, %parallel_loop3A_427] {strides = array<i32>} : memref<128x128xf32, #tpu.memory_space<vmem>>, vector<1x16xf32>,
      %parallel_loop3A_429 = vector.shape_cast %parallel_loop3A_428 : vector<1x16xf32> to vector<16xf32>
      %parallel_loop3A_430 = arith.addf %parallel_loop3A_314, %parallel_loop3A_425 : vector<16xf32>
      %parallel_loop3A_431 = vector.broadcast %parallel_loop3A_337 : f32 to vector<16xf32>
      %parallel_loop3A_432 = arith.mulf %parallel_loop3A_429, %parallel_loop3A_431 : vector<16xf32>
      %parallel_loop3A_433 = math.exp %parallel_loop3A_432 : vector<16xf32>
      %parallel_loop3A_434 = arith.mulf %parallel_loop3A_425, %parallel_loop3A_433 : vector<16xf32>
      %parallel_loop3A_435 = arith.addf %parallel_loop3A_319, %parallel_loop3A_434 : vector<16xf32>
      %parallel_loop3A_436 = arith.index_cast %parallel_loop3A_335 : i32 to index
      %parallel_loop3A_437 = arith.constant 112 : index
      %parallel_loop3A_438 = tpu.vector_load %arg7[%parallel_loop3A_436, %parallel_loop3A_437] {strides = array<i32>} : memref<128x128xf32, #tpu.memory_space<vmem>>, vector<1x16xf32>,
      %parallel_loop3A_439 = vector.shape_cast %parallel_loop3A_438 : vector<1x16xf32> to vector<16xf32>
      %parallel_loop3A_440 = arith.index_cast %parallel_loop3A_335 : i32 to index
      %parallel_loop3A_441 = arith.constant 112 : index
      %parallel_loop3A_442 = tpu.vector_load %arg8[%parallel_loop3A_440, %parallel_loop3A_441] {strides = array<i32>} : memref<128x128xf32, #tpu.memory_space<vmem>>, vector<1x16xf32>,
      %parallel_loop3A_443 = vector.shape_cast %parallel_loop3A_442 : vector<1x16xf32> to vector<16xf32>
      %parallel_loop3A_444 = arith.addf %parallel_loop3A_328, %parallel_loop3A_439 : vector<16xf32>
      %parallel_loop3A_445 = vector.broadcast %parallel_loop3A_337 : f32 to vector<16xf32>
      %parallel_loop3A_446 = arith.mulf %parallel_loop3A_443, %parallel_loop3A_445 : vector<16xf32>
      %parallel_loop3A_447 = math.exp %parallel_loop3A_446 : vector<16xf32>
      %parallel_loop3A_448 = arith.mulf %parallel_loop3A_439, %parallel_loop3A_447 : vector<16xf32>
      %parallel_loop3A_449 = arith.addf %parallel_loop3A_333, %parallel_loop3A_448 : vector<16xf32>
      %parallel_loop3A_450 = vector.extract_strided_slice %parallel_loop3A_98 {offsets = [3], sizes = [1], strides = [1]} : vector<16xi32> to vector<1xi32>
      %parallel_loop3A_451 = vector.extract %parallel_loop3A_450[0] : i32 from vector<1xi32>
      %parallel_loop3A_452 = vector.extract_strided_slice %parallel_loop3A_101 {offsets = [3], sizes = [1], strides = [1]} : vector<16xf32> to vector<1xf32>
      %parallel_loop3A_453 = vector.extract %parallel_loop3A_452[0] : f32 from vector<1xf32>
      %parallel_loop3A_454 = arith.index_cast %parallel_loop3A_451 : i32 to index
      %parallel_loop3A_455 = arith.constant 0 : index
      %parallel_loop3A_456 = tpu.vector_load %arg7[%parallel_loop3A_454, %parallel_loop3A_455] {strides = array<i32>} : memref<128x128xf32, #tpu.memory_space<vmem>>, vector<1x16xf32>,
      %parallel_loop3A_457 = vector.shape_cast %parallel_loop3A_456 : vector<1x16xf32> to vector<16xf32>
      %parallel_loop3A_458 = arith.index_cast %parallel_loop3A_451 : i32 to index
      %parallel_loop3A_459 = arith.constant 0 : index
      %parallel_loop3A_460 = tpu.vector_load %arg8[%parallel_loop3A_458, %parallel_loop3A_459] {strides = array<i32>} : memref<128x128xf32, #tpu.memory_space<vmem>>, vector<1x16xf32>,
      %parallel_loop3A_461 = vector.shape_cast %parallel_loop3A_460 : vector<1x16xf32> to vector<16xf32>
      %parallel_loop3A_462 = arith.addf %parallel_loop3A_346, %parallel_loop3A_457 : vector<16xf32>
      %parallel_loop3A_463 = vector.broadcast %parallel_loop3A_453 : f32 to vector<16xf32>
      %parallel_loop3A_464 = arith.mulf %parallel_loop3A_461, %parallel_loop3A_463 : vector<16xf32>
      %parallel_loop3A_465 = math.exp %parallel_loop3A_464 : vector<16xf32>
      %parallel_loop3A_466 = arith.mulf %parallel_loop3A_457, %parallel_loop3A_465 : vector<16xf32>
      %parallel_loop3A_467 = arith.addf %parallel_loop3A_351, %parallel_loop3A_466 : vector<16xf32>
      %parallel_loop3A_468 = arith.index_cast %parallel_loop3A_451 : i32 to index
      %parallel_loop3A_469 = arith.constant 16 : index
      %parallel_loop3A_470 = tpu.vector_load %arg7[%parallel_loop3A_468, %parallel_loop3A_469] {strides = array<i32>} : memref<128x128xf32, #tpu.memory_space<vmem>>, vector<1x16xf32>,
      %parallel_loop3A_471 = vector.shape_cast %parallel_loop3A_470 : vector<1x16xf32> to vector<16xf32>
      %parallel_loop3A_472 = arith.index_cast %parallel_loop3A_451 : i32 to index
      %parallel_loop3A_473 = arith.constant 16 : index
      %parallel_loop3A_474 = tpu.vector_load %arg8[%parallel_loop3A_472, %parallel_loop3A_473] {strides = array<i32>} : memref<128x128xf32, #tpu.memory_space<vmem>>, vector<1x16xf32>,
      %parallel_loop3A_475 = vector.shape_cast %parallel_loop3A_474 : vector<1x16xf32> to vector<16xf32>
      %parallel_loop3A_476 = arith.addf %parallel_loop3A_360, %parallel_loop3A_471 : vector<16xf32>
      %parallel_loop3A_477 = vector.broadcast %parallel_loop3A_453 : f32 to vector<16xf32>
      %parallel_loop3A_478 = arith.mulf %parallel_loop3A_475, %parallel_loop3A_477 : vector<16xf32>
      %parallel_loop3A_479 = math.exp %parallel_loop3A_478 : vector<16xf32>
      %parallel_loop3A_480 = arith.mulf %parallel_loop3A_471, %parallel_loop3A_479 : vector<16xf32>
      %parallel_loop3A_481 = arith.addf %parallel_loop3A_365, %parallel_loop3A_480 : vector<16xf32>
      %parallel_loop3A_482 = arith.index_cast %parallel_loop3A_451 : i32 to index
      %parallel_loop3A_483 = arith.constant 32 : index
      %parallel_loop3A_484 = tpu.vector_load %arg7[%parallel_loop3A_482, %parallel_loop3A_483] {strides = array<i32>} : memref<128x128xf32, #tpu.memory_space<vmem>>, vector<1x16xf32>,
      %parallel_loop3A_485 = vector.shape_cast %parallel_loop3A_484 : vector<1x16xf32> to vector<16xf32>
      %parallel_loop3A_486 = arith.index_cast %parallel_loop3A_451 : i32 to index
      %parallel_loop3A_487 = arith.constant 32 : index
      %parallel_loop3A_488 = tpu.vector_load %arg8[%parallel_loop3A_486, %parallel_loop3A_487] {strides = array<i32>} : memref<128x128xf32, #tpu.memory_space<vmem>>, vector<1x16xf32>,
      %parallel_loop3A_489 = vector.shape_cast %parallel_loop3A_488 : vector<1x16xf32> to vector<16xf32>
      %parallel_loop3A_490 = arith.addf %parallel_loop3A_374, %parallel_loop3A_485 : vector<16xf32>
      %parallel_loop3A_491 = vector.broadcast %parallel_loop3A_453 : f32 to vector<16xf32>
      %parallel_loop3A_492 = arith.mulf %parallel_loop3A_489, %parallel_loop3A_491 : vector<16xf32>
      %parallel_loop3A_493 = math.exp %parallel_loop3A_492 : vector<16xf32>
      %parallel_loop3A_494 = arith.mulf %parallel_loop3A_485, %parallel_loop3A_493 : vector<16xf32>
      %parallel_loop3A_495 = arith.addf %parallel_loop3A_379, %parallel_loop3A_494 : vector<16xf32>
      %parallel_loop3A_496 = arith.index_cast %parallel_loop3A_451 : i32 to index
      %parallel_loop3A_497 = arith.constant 48 : index
      %parallel_loop3A_498 = tpu.vector_load %arg7[%parallel_loop3A_496, %parallel_loop3A_497] {strides = array<i32>} : memref<128x128xf32, #tpu.memory_space<vmem>>, vector<1x16xf32>,
      %parallel_loop3A_499 = vector.shape_cast %parallel_loop3A_498 : vector<1x16xf32> to vector<16xf32>
      %parallel_loop3A_500 = arith.index_cast %parallel_loop3A_451 : i32 to index
      %parallel_loop3A_501 = arith.constant 48 : index
      %parallel_loop3A_502 = tpu.vector_load %arg8[%parallel_loop3A_500, %parallel_loop3A_501] {strides = array<i32>} : memref<128x128xf32, #tpu.memory_space<vmem>>, vector<1x16xf32>,
      %parallel_loop3A_503 = vector.shape_cast %parallel_loop3A_502 : vector<1x16xf32> to vector<16xf32>
      %parallel_loop3A_504 = arith.addf %parallel_loop3A_388, %parallel_loop3A_499 : vector<16xf32>
      %parallel_loop3A_505 = vector.broadcast %parallel_loop3A_453 : f32 to vector<16xf32>
      %parallel_loop3A_506 = arith.mulf %parallel_loop3A_503, %parallel_loop3A_505 : vector<16xf32>
      %parallel_loop3A_507 = math.exp %parallel_loop3A_506 : vector<16xf32>
      %parallel_loop3A_508 = arith.mulf %parallel_loop3A_499, %parallel_loop3A_507 : vector<16xf32>
      %parallel_loop3A_509 = arith.addf %parallel_loop3A_393, %parallel_loop3A_508 : vector<16xf32>
      %parallel_loop3A_510 = arith.index_cast %parallel_loop3A_451 : i32 to index
      %parallel_loop3A_511 = arith.constant 64 : index
      %parallel_loop3A_512 = tpu.vector_load %arg7[%parallel_loop3A_510, %parallel_loop3A_511] {strides = array<i32>} : memref<128x128xf32, #tpu.memory_space<vmem>>, vector<1x16xf32>,
      %parallel_loop3A_513 = vector.shape_cast %parallel_loop3A_512 : vector<1x16xf32> to vector<16xf32>
      %parallel_loop3A_514 = arith.index_cast %parallel_loop3A_451 : i32 to index
      %parallel_loop3A_515 = arith.constant 64 : index
      %parallel_loop3A_516 = tpu.vector_load %arg8[%parallel_loop3A_514, %parallel_loop3A_515] {strides = array<i32>} : memref<128x128xf32, #tpu.memory_space<vmem>>, vector<1x16xf32>,
      %parallel_loop3A_517 = vector.shape_cast %parallel_loop3A_516 : vector<1x16xf32> to vector<16xf32>
      %parallel_loop3A_518 = arith.addf %parallel_loop3A_402, %parallel_loop3A_513 : vector<16xf32>
      %parallel_loop3A_519 = vector.broadcast %parallel_loop3A_453 : f32 to vector<16xf32>
      %parallel_loop3A_520 = arith.mulf %parallel_loop3A_517, %parallel_loop3A_519 : vector<16xf32>
      %parallel_loop3A_521 = math.exp %parallel_loop3A_520 : vector<16xf32>
      %parallel_loop3A_522 = arith.mulf %parallel_loop3A_513, %parallel_loop3A_521 : vector<16xf32>
      %parallel_loop3A_523 = arith.addf %parallel_loop3A_407, %parallel_loop3A_522 : vector<16xf32>
      %parallel_loop3A_524 = arith.index_cast %parallel_loop3A_451 : i32 to index
      %parallel_loop3A_525 = arith.constant 80 : index
      %parallel_loop3A_526 = tpu.vector_load %arg7[%parallel_loop3A_524, %parallel_loop3A_525] {strides = array<i32>} : memref<128x128xf32, #tpu.memory_space<vmem>>, vector<1x16xf32>,
      %parallel_loop3A_527 = vector.shape_cast %parallel_loop3A_526 : vector<1x16xf32> to vector<16xf32>
      %parallel_loop3A_528 = arith.index_cast %parallel_loop3A_451 : i32 to index
      %parallel_loop3A_529 = arith.constant 80 : index
      %parallel_loop3A_530 = tpu.vector_load %arg8[%parallel_loop3A_528, %parallel_loop3A_529] {strides = array<i32>} : memref<128x128xf32, #tpu.memory_space<vmem>>, vector<1x16xf32>,
      %parallel_loop3A_531 = vector.shape_cast %parallel_loop3A_530 : vector<1x16xf32> to vector<16xf32>
      %parallel_loop3A_532 = arith.addf %parallel_loop3A_416, %parallel_loop3A_527 : vector<16xf32>
      %parallel_loop3A_533 = vector.broadcast %parallel_loop3A_453 : f32 to vector<16xf32>
      %parallel_loop3A_534 = arith.mulf %parallel_loop3A_531, %parallel_loop3A_533 : vector<16xf32>
      %parallel_loop3A_535 = math.exp %parallel_loop3A_534 : vector<16xf32>
      %parallel_loop3A_536 = arith.mulf %parallel_loop3A_527, %parallel_loop3A_535 : vector<16xf32>
      %parallel_loop3A_537 = arith.addf %parallel_loop3A_421, %parallel_loop3A_536 : vector<16xf32>
      %parallel_loop3A_538 = arith.index_cast %parallel_loop3A_451 : i32 to index
      %parallel_loop3A_539 = arith.constant 96 : index
      %parallel_loop3A_540 = tpu.vector_load %arg7[%parallel_loop3A_538, %parallel_loop3A_539] {strides = array<i32>} : memref<128x128xf32, #tpu.memory_space<vmem>>, vector<1x16xf32>,
      %parallel_loop3A_541 = vector.shape_cast %parallel_loop3A_540 : vector<1x16xf32> to vector<16xf32>
      %parallel_loop3A_542 = arith.index_cast %parallel_loop3A_451 : i32 to index
      %parallel_loop3A_543 = arith.constant 96 : index
      %parallel_loop3A_544 = tpu.vector_load %arg8[%parallel_loop3A_542, %parallel_loop3A_543] {strides = array<i32>} : memref<128x128xf32, #tpu.memory_space<vmem>>, vector<1x16xf32>,
      %parallel_loop3A_545 = vector.shape_cast %parallel_loop3A_544 : vector<1x16xf32> to vector<16xf32>
      %parallel_loop3A_546 = arith.addf %parallel_loop3A_430, %parallel_loop3A_541 : vector<16xf32>
      %parallel_loop3A_547 = vector.broadcast %parallel_loop3A_453 : f32 to vector<16xf32>
      %parallel_loop3A_548 = arith.mulf %parallel_loop3A_545, %parallel_loop3A_547 : vector<16xf32>
      %parallel_loop3A_549 = math.exp %parallel_loop3A_548 : vector<16xf32>
      %parallel_loop3A_550 = arith.mulf %parallel_loop3A_541, %parallel_loop3A_549 : vector<16xf32>
      %parallel_loop3A_551 = arith.addf %parallel_loop3A_435, %parallel_loop3A_550 : vector<16xf32>
      %parallel_loop3A_552 = arith.index_cast %parallel_loop3A_451 : i32 to index
      %parallel_loop3A_553 = arith.constant 112 : index
      %parallel_loop3A_554 = tpu.vector_load %arg7[%parallel_loop3A_552, %parallel_loop3A_553] {strides = array<i32>} : memref<128x128xf32, #tpu.memory_space<vmem>>, vector<1x16xf32>,
      %parallel_loop3A_555 = vector.shape_cast %parallel_loop3A_554 : vector<1x16xf32> to vector<16xf32>
      %parallel_loop3A_556 = arith.index_cast %parallel_loop3A_451 : i32 to index
      %parallel_loop3A_557 = arith.constant 112 : index
      %parallel_loop3A_558 = tpu.vector_load %arg8[%parallel_loop3A_556, %parallel_loop3A_557] {strides = array<i32>} : memref<128x128xf32, #tpu.memory_space<vmem>>, vector<1x16xf32>,
      %parallel_loop3A_559 = vector.shape_cast %parallel_loop3A_558 : vector<1x16xf32> to vector<16xf32>
      %parallel_loop3A_560 = arith.addf %parallel_loop3A_444, %parallel_loop3A_555 : vector<16xf32>
      %parallel_loop3A_561 = vector.broadcast %parallel_loop3A_453 : f32 to vector<16xf32>
      %parallel_loop3A_562 = arith.mulf %parallel_loop3A_559, %parallel_loop3A_561 : vector<16xf32>
      %parallel_loop3A_563 = math.exp %parallel_loop3A_562 : vector<16xf32>
      %parallel_loop3A_564 = arith.mulf %parallel_loop3A_555, %parallel_loop3A_563 : vector<16xf32>
      %parallel_loop3A_565 = arith.addf %parallel_loop3A_449, %parallel_loop3A_564 : vector<16xf32>
      %parallel_loop3A_566 = vector.extract_strided_slice %parallel_loop3A_98 {offsets = [4], sizes = [1], strides = [1]} : vector<16xi32> to vector<1xi32>
      %parallel_loop3A_567 = vector.extract %parallel_loop3A_566[0] : i32 from vector<1xi32>
      %parallel_loop3A_568 = vector.extract_strided_slice %parallel_loop3A_101 {offsets = [4], sizes = [1], strides = [1]} : vector<16xf32> to vector<1xf32>
      %parallel_loop3A_569 = vector.extract %parallel_loop3A_568[0] : f32 from vector<1xf32>
      %parallel_loop3A_570 = arith.index_cast %parallel_loop3A_567 : i32 to index
      %parallel_loop3A_571 = arith.constant 0 : index
      %parallel_loop3A_572 = tpu.vector_load %arg7[%parallel_loop3A_570, %parallel_loop3A_571] {strides = array<i32>} : memref<128x128xf32, #tpu.memory_space<vmem>>, vector<1x16xf32>,
      %parallel_loop3A_573 = vector.shape_cast %parallel_loop3A_572 : vector<1x16xf32> to vector<16xf32>
      %parallel_loop3A_574 = arith.index_cast %parallel_loop3A_567 : i32 to index
      %parallel_loop3A_575 = arith.constant 0 : index
      %parallel_loop3A_576 = tpu.vector_load %arg8[%parallel_loop3A_574, %parallel_loop3A_575] {strides = array<i32>} : memref<128x128xf32, #tpu.memory_space<vmem>>, vector<1x16xf32>,
      %parallel_loop3A_577 = vector.shape_cast %parallel_loop3A_576 : vector<1x16xf32> to vector<16xf32>
      %parallel_loop3A_578 = arith.addf %parallel_loop3A_462, %parallel_loop3A_573 : vector<16xf32>
      %parallel_loop3A_579 = vector.broadcast %parallel_loop3A_569 : f32 to vector<16xf32>
      %parallel_loop3A_580 = arith.mulf %parallel_loop3A_577, %parallel_loop3A_579 : vector<16xf32>
      %parallel_loop3A_581 = math.exp %parallel_loop3A_580 : vector<16xf32>
      %parallel_loop3A_582 = arith.mulf %parallel_loop3A_573, %parallel_loop3A_581 : vector<16xf32>
      %parallel_loop3A_583 = arith.addf %parallel_loop3A_467, %parallel_loop3A_582 : vector<16xf32>
      %parallel_loop3A_584 = arith.index_cast %parallel_loop3A_567 : i32 to index
      %parallel_loop3A_585 = arith.constant 16 : index
      %parallel_loop3A_586 = tpu.vector_load %arg7[%parallel_loop3A_584, %parallel_loop3A_585] {strides = array<i32>} : memref<128x128xf32, #tpu.memory_space<vmem>>, vector<1x16xf32>,
      %parallel_loop3A_587 = vector.shape_cast %parallel_loop3A_586 : vector<1x16xf32> to vector<16xf32>
      %parallel_loop3A_588 = arith.index_cast %parallel_loop3A_567 : i32 to index
      %parallel_loop3A_589 = arith.constant 16 : index
      %parallel_loop3A_590 = tpu.vector_load %arg8[%parallel_loop3A_588, %parallel_loop3A_589] {strides = array<i32>} : memref<128x128xf32, #tpu.memory_space<vmem>>, vector<1x16xf32>,
      %parallel_loop3A_591 = vector.shape_cast %parallel_loop3A_590 : vector<1x16xf32> to vector<16xf32>
      %parallel_loop3A_592 = arith.addf %parallel_loop3A_476, %parallel_loop3A_587 : vector<16xf32>
      %parallel_loop3A_593 = vector.broadcast %parallel_loop3A_569 : f32 to vector<16xf32>
      %parallel_loop3A_594 = arith.mulf %parallel_loop3A_591, %parallel_loop3A_593 : vector<16xf32>
      %parallel_loop3A_595 = math.exp %parallel_loop3A_594 : vector<16xf32>
      %parallel_loop3A_596 = arith.mulf %parallel_loop3A_587, %parallel_loop3A_595 : vector<16xf32>
      %parallel_loop3A_597 = arith.addf %parallel_loop3A_481, %parallel_loop3A_596 : vector<16xf32>
      %parallel_loop3A_598 = arith.index_cast %parallel_loop3A_567 : i32 to index
      %parallel_loop3A_599 = arith.constant 32 : index
      %parallel_loop3A_600 = tpu.vector_load %arg7[%parallel_loop3A_598, %parallel_loop3A_599] {strides = array<i32>} : memref<128x128xf32, #tpu.memory_space<vmem>>, vector<1x16xf32>,
      %parallel_loop3A_601 = vector.shape_cast %parallel_loop3A_600 : vector<1x16xf32> to vector<16xf32>
      %parallel_loop3A_602 = arith.index_cast %parallel_loop3A_567 : i32 to index
      %parallel_loop3A_603 = arith.constant 32 : index
      %parallel_loop3A_604 = tpu.vector_load %arg8[%parallel_loop3A_602, %parallel_loop3A_603] {strides = array<i32>} : memref<128x128xf32, #tpu.memory_space<vmem>>, vector<1x16xf32>,
      %parallel_loop3A_605 = vector.shape_cast %parallel_loop3A_604 : vector<1x16xf32> to vector<16xf32>
      %parallel_loop3A_606 = arith.addf %parallel_loop3A_490, %parallel_loop3A_601 : vector<16xf32>
      %parallel_loop3A_607 = vector.broadcast %parallel_loop3A_569 : f32 to vector<16xf32>
      %parallel_loop3A_608 = arith.mulf %parallel_loop3A_605, %parallel_loop3A_607 : vector<16xf32>
      %parallel_loop3A_609 = math.exp %parallel_loop3A_608 : vector<16xf32>
      %parallel_loop3A_610 = arith.mulf %parallel_loop3A_601, %parallel_loop3A_609 : vector<16xf32>
      %parallel_loop3A_611 = arith.addf %parallel_loop3A_495, %parallel_loop3A_610 : vector<16xf32>
      %parallel_loop3A_612 = arith.index_cast %parallel_loop3A_567 : i32 to index
      %parallel_loop3A_613 = arith.constant 48 : index
      %parallel_loop3A_614 = tpu.vector_load %arg7[%parallel_loop3A_612, %parallel_loop3A_613] {strides = array<i32>} : memref<128x128xf32, #tpu.memory_space<vmem>>, vector<1x16xf32>,
      %parallel_loop3A_615 = vector.shape_cast %parallel_loop3A_614 : vector<1x16xf32> to vector<16xf32>
      %parallel_loop3A_616 = arith.index_cast %parallel_loop3A_567 : i32 to index
      %parallel_loop3A_617 = arith.constant 48 : index
      %parallel_loop3A_618 = tpu.vector_load %arg8[%parallel_loop3A_616, %parallel_loop3A_617] {strides = array<i32>} : memref<128x128xf32, #tpu.memory_space<vmem>>, vector<1x16xf32>,
      %parallel_loop3A_619 = vector.shape_cast %parallel_loop3A_618 : vector<1x16xf32> to vector<16xf32>
      %parallel_loop3A_620 = arith.addf %parallel_loop3A_504, %parallel_loop3A_615 : vector<16xf32>
      %parallel_loop3A_621 = vector.broadcast %parallel_loop3A_569 : f32 to vector<16xf32>
      %parallel_loop3A_622 = arith.mulf %parallel_loop3A_619, %parallel_loop3A_621 : vector<16xf32>
      %parallel_loop3A_623 = math.exp %parallel_loop3A_622 : vector<16xf32>
      %parallel_loop3A_624 = arith.mulf %parallel_loop3A_615, %parallel_loop3A_623 : vector<16xf32>
      %parallel_loop3A_625 = arith.addf %parallel_loop3A_509, %parallel_loop3A_624 : vector<16xf32>
      %parallel_loop3A_626 = arith.index_cast %parallel_loop3A_567 : i32 to index
      %parallel_loop3A_627 = arith.constant 64 : index
      %parallel_loop3A_628 = tpu.vector_load %arg7[%parallel_loop3A_626, %parallel_loop3A_627] {strides = array<i32>} : memref<128x128xf32, #tpu.memory_space<vmem>>, vector<1x16xf32>,
      %parallel_loop3A_629 = vector.shape_cast %parallel_loop3A_628 : vector<1x16xf32> to vector<16xf32>
      %parallel_loop3A_630 = arith.index_cast %parallel_loop3A_567 : i32 to index
      %parallel_loop3A_631 = arith.constant 64 : index
      %parallel_loop3A_632 = tpu.vector_load %arg8[%parallel_loop3A_630, %parallel_loop3A_631] {strides = array<i32>} : memref<128x128xf32, #tpu.memory_space<vmem>>, vector<1x16xf32>,
      %parallel_loop3A_633 = vector.shape_cast %parallel_loop3A_632 : vector<1x16xf32> to vector<16xf32>
      %parallel_loop3A_634 = arith.addf %parallel_loop3A_518, %parallel_loop3A_629 : vector<16xf32>
      %parallel_loop3A_635 = vector.broadcast %parallel_loop3A_569 : f32 to vector<16xf32>
      %parallel_loop3A_636 = arith.mulf %parallel_loop3A_633, %parallel_loop3A_635 : vector<16xf32>
      %parallel_loop3A_637 = math.exp %parallel_loop3A_636 : vector<16xf32>
      %parallel_loop3A_638 = arith.mulf %parallel_loop3A_629, %parallel_loop3A_637 : vector<16xf32>
      %parallel_loop3A_639 = arith.addf %parallel_loop3A_523, %parallel_loop3A_638 : vector<16xf32>
      %parallel_loop3A_640 = arith.index_cast %parallel_loop3A_567 : i32 to index
      %parallel_loop3A_641 = arith.constant 80 : index
      %parallel_loop3A_642 = tpu.vector_load %arg7[%parallel_loop3A_640, %parallel_loop3A_641] {strides = array<i32>} : memref<128x128xf32, #tpu.memory_space<vmem>>, vector<1x16xf32>,
      %parallel_loop3A_643 = vector.shape_cast %parallel_loop3A_642 : vector<1x16xf32> to vector<16xf32>
      %parallel_loop3A_644 = arith.index_cast %parallel_loop3A_567 : i32 to index
      %parallel_loop3A_645 = arith.constant 80 : index
      %parallel_loop3A_646 = tpu.vector_load %arg8[%parallel_loop3A_644, %parallel_loop3A_645] {strides = array<i32>} : memref<128x128xf32, #tpu.memory_space<vmem>>, vector<1x16xf32>,
      %parallel_loop3A_647 = vector.shape_cast %parallel_loop3A_646 : vector<1x16xf32> to vector<16xf32>
      %parallel_loop3A_648 = arith.addf %parallel_loop3A_532, %parallel_loop3A_643 : vector<16xf32>
      %parallel_loop3A_649 = vector.broadcast %parallel_loop3A_569 : f32 to vector<16xf32>
      %parallel_loop3A_650 = arith.mulf %parallel_loop3A_647, %parallel_loop3A_649 : vector<16xf32>
      %parallel_loop3A_651 = math.exp %parallel_loop3A_650 : vector<16xf32>
      %parallel_loop3A_652 = arith.mulf %parallel_loop3A_643, %parallel_loop3A_651 : vector<16xf32>
      %parallel_loop3A_653 = arith.addf %parallel_loop3A_537, %parallel_loop3A_652 : vector<16xf32>
      %parallel_loop3A_654 = arith.index_cast %parallel_loop3A_567 : i32 to index
      %parallel_loop3A_655 = arith.constant 96 : index
      %parallel_loop3A_656 = tpu.vector_load %arg7[%parallel_loop3A_654, %parallel_loop3A_655] {strides = array<i32>} : memref<128x128xf32, #tpu.memory_space<vmem>>, vector<1x16xf32>,
      %parallel_loop3A_657 = vector.shape_cast %parallel_loop3A_656 : vector<1x16xf32> to vector<16xf32>
      %parallel_loop3A_658 = arith.index_cast %parallel_loop3A_567 : i32 to index
      %parallel_loop3A_659 = arith.constant 96 : index
      %parallel_loop3A_660 = tpu.vector_load %arg8[%parallel_loop3A_658, %parallel_loop3A_659] {strides = array<i32>} : memref<128x128xf32, #tpu.memory_space<vmem>>, vector<1x16xf32>,
      %parallel_loop3A_661 = vector.shape_cast %parallel_loop3A_660 : vector<1x16xf32> to vector<16xf32>
      %parallel_loop3A_662 = arith.addf %parallel_loop3A_546, %parallel_loop3A_657 : vector<16xf32>
      %parallel_loop3A_663 = vector.broadcast %parallel_loop3A_569 : f32 to vector<16xf32>
      %parallel_loop3A_664 = arith.mulf %parallel_loop3A_661, %parallel_loop3A_663 : vector<16xf32>
      %parallel_loop3A_665 = math.exp %parallel_loop3A_664 : vector<16xf32>
      %parallel_loop3A_666 = arith.mulf %parallel_loop3A_657, %parallel_loop3A_665 : vector<16xf32>
      %parallel_loop3A_667 = arith.addf %parallel_loop3A_551, %parallel_loop3A_666 : vector<16xf32>
      %parallel_loop3A_668 = arith.index_cast %parallel_loop3A_567 : i32 to index
      %parallel_loop3A_669 = arith.constant 112 : index
      %parallel_loop3A_670 = tpu.vector_load %arg7[%parallel_loop3A_668, %parallel_loop3A_669] {strides = array<i32>} : memref<128x128xf32, #tpu.memory_space<vmem>>, vector<1x16xf32>,
      %parallel_loop3A_671 = vector.shape_cast %parallel_loop3A_670 : vector<1x16xf32> to vector<16xf32>
      %parallel_loop3A_672 = arith.index_cast %parallel_loop3A_567 : i32 to index
      %parallel_loop3A_673 = arith.constant 112 : index
      %parallel_loop3A_674 = tpu.vector_load %arg8[%parallel_loop3A_672, %parallel_loop3A_673] {strides = array<i32>} : memref<128x128xf32, #tpu.memory_space<vmem>>, vector<1x16xf32>,
      %parallel_loop3A_675 = vector.shape_cast %parallel_loop3A_674 : vector<1x16xf32> to vector<16xf32>
      %parallel_loop3A_676 = arith.addf %parallel_loop3A_560, %parallel_loop3A_671 : vector<16xf32>
      %parallel_loop3A_677 = vector.broadcast %parallel_loop3A_569 : f32 to vector<16xf32>
      %parallel_loop3A_678 = arith.mulf %parallel_loop3A_675, %parallel_loop3A_677 : vector<16xf32>
      %parallel_loop3A_679 = math.exp %parallel_loop3A_678 : vector<16xf32>
      %parallel_loop3A_680 = arith.mulf %parallel_loop3A_671, %parallel_loop3A_679 : vector<16xf32>
      %parallel_loop3A_681 = arith.addf %parallel_loop3A_565, %parallel_loop3A_680 : vector<16xf32>
      %parallel_loop3A_682 = vector.extract_strided_slice %parallel_loop3A_98 {offsets = [5], sizes = [1], strides = [1]} : vector<16xi32> to vector<1xi32>
      %parallel_loop3A_683 = vector.extract %parallel_loop3A_682[0] : i32 from vector<1xi32>
      %parallel_loop3A_684 = vector.extract_strided_slice %parallel_loop3A_101 {offsets = [5], sizes = [1], strides = [1]} : vector<16xf32> to vector<1xf32>
      %parallel_loop3A_685 = vector.extract %parallel_loop3A_684[0] : f32 from vector<1xf32>
      %parallel_loop3A_686 = arith.index_cast %parallel_loop3A_683 : i32 to index
      %parallel_loop3A_687 = arith.constant 0 : index
      %parallel_loop3A_688 = tpu.vector_load %arg7[%parallel_loop3A_686, %parallel_loop3A_687] {strides = array<i32>} : memref<128x128xf32, #tpu.memory_space<vmem>>, vector<1x16xf32>,
      %parallel_loop3A_689 = vector.shape_cast %parallel_loop3A_688 : vector<1x16xf32> to vector<16xf32>
      %parallel_loop3A_690 = arith.index_cast %parallel_loop3A_683 : i32 to index
      %parallel_loop3A_691 = arith.constant 0 : index
      %parallel_loop3A_692 = tpu.vector_load %arg8[%parallel_loop3A_690, %parallel_loop3A_691] {strides = array<i32>} : memref<128x128xf32, #tpu.memory_space<vmem>>, vector<1x16xf32>,
      %parallel_loop3A_693 = vector.shape_cast %parallel_loop3A_692 : vector<1x16xf32> to vector<16xf32>
      %parallel_loop3A_694 = arith.addf %parallel_loop3A_578, %parallel_loop3A_689 : vector<16xf32>
      %parallel_loop3A_695 = vector.broadcast %parallel_loop3A_685 : f32 to vector<16xf32>
      %parallel_loop3A_696 = arith.mulf %parallel_loop3A_693, %parallel_loop3A_695 : vector<16xf32>
      %parallel_loop3A_697 = math.exp %parallel_loop3A_696 : vector<16xf32>
      %parallel_loop3A_698 = arith.mulf %parallel_loop3A_689, %parallel_loop3A_697 : vector<16xf32>
      %parallel_loop3A_699 = arith.addf %parallel_loop3A_583, %parallel_loop3A_698 : vector<16xf32>
      %parallel_loop3A_700 = arith.index_cast %parallel_loop3A_683 : i32 to index
      %parallel_loop3A_701 = arith.constant 16 : index
      %parallel_loop3A_702 = tpu.vector_load %arg7[%parallel_loop3A_700, %parallel_loop3A_701] {strides = array<i32>} : memref<128x128xf32, #tpu.memory_space<vmem>>, vector<1x16xf32>,
      %parallel_loop3A_703 = vector.shape_cast %parallel_loop3A_702 : vector<1x16xf32> to vector<16xf32>
      %parallel_loop3A_704 = arith.index_cast %parallel_loop3A_683 : i32 to index
      %parallel_loop3A_705 = arith.constant 16 : index
      %parallel_loop3A_706 = tpu.vector_load %arg8[%parallel_loop3A_704, %parallel_loop3A_705] {strides = array<i32>} : memref<128x128xf32, #tpu.memory_space<vmem>>, vector<1x16xf32>,
      %parallel_loop3A_707 = vector.shape_cast %parallel_loop3A_706 : vector<1x16xf32> to vector<16xf32>
      %parallel_loop3A_708 = arith.addf %parallel_loop3A_592, %parallel_loop3A_703 : vector<16xf32>
      %parallel_loop3A_709 = vector.broadcast %parallel_loop3A_685 : f32 to vector<16xf32>
      %parallel_loop3A_710 = arith.mulf %parallel_loop3A_707, %parallel_loop3A_709 : vector<16xf32>
      %parallel_loop3A_711 = math.exp %parallel_loop3A_710 : vector<16xf32>
      %parallel_loop3A_712 = arith.mulf %parallel_loop3A_703, %parallel_loop3A_711 : vector<16xf32>
      %parallel_loop3A_713 = arith.addf %parallel_loop3A_597, %parallel_loop3A_712 : vector<16xf32>
      %parallel_loop3A_714 = arith.index_cast %parallel_loop3A_683 : i32 to index
      %parallel_loop3A_715 = arith.constant 32 : index
      %parallel_loop3A_716 = tpu.vector_load %arg7[%parallel_loop3A_714, %parallel_loop3A_715] {strides = array<i32>} : memref<128x128xf32, #tpu.memory_space<vmem>>, vector<1x16xf32>,
      %parallel_loop3A_717 = vector.shape_cast %parallel_loop3A_716 : vector<1x16xf32> to vector<16xf32>
      %parallel_loop3A_718 = arith.index_cast %parallel_loop3A_683 : i32 to index
      %parallel_loop3A_719 = arith.constant 32 : index
      %parallel_loop3A_720 = tpu.vector_load %arg8[%parallel_loop3A_718, %parallel_loop3A_719] {strides = array<i32>} : memref<128x128xf32, #tpu.memory_space<vmem>>, vector<1x16xf32>,
      %parallel_loop3A_721 = vector.shape_cast %parallel_loop3A_720 : vector<1x16xf32> to vector<16xf32>
      %parallel_loop3A_722 = arith.addf %parallel_loop3A_606, %parallel_loop3A_717 : vector<16xf32>
      %parallel_loop3A_723 = vector.broadcast %parallel_loop3A_685 : f32 to vector<16xf32>
      %parallel_loop3A_724 = arith.mulf %parallel_loop3A_721, %parallel_loop3A_723 : vector<16xf32>
      %parallel_loop3A_725 = math.exp %parallel_loop3A_724 : vector<16xf32>
      %parallel_loop3A_726 = arith.mulf %parallel_loop3A_717, %parallel_loop3A_725 : vector<16xf32>
      %parallel_loop3A_727 = arith.addf %parallel_loop3A_611, %parallel_loop3A_726 : vector<16xf32>
      %parallel_loop3A_728 = arith.index_cast %parallel_loop3A_683 : i32 to index
      %parallel_loop3A_729 = arith.constant 48 : index
      %parallel_loop3A_730 = tpu.vector_load %arg7[%parallel_loop3A_728, %parallel_loop3A_729] {strides = array<i32>} : memref<128x128xf32, #tpu.memory_space<vmem>>, vector<1x16xf32>,
      %parallel_loop3A_731 = vector.shape_cast %parallel_loop3A_730 : vector<1x16xf32> to vector<16xf32>
      %parallel_loop3A_732 = arith.index_cast %parallel_loop3A_683 : i32 to index
      %parallel_loop3A_733 = arith.constant 48 : index
      %parallel_loop3A_734 = tpu.vector_load %arg8[%parallel_loop3A_732, %parallel_loop3A_733] {strides = array<i32>} : memref<128x128xf32, #tpu.memory_space<vmem>>, vector<1x16xf32>,
      %parallel_loop3A_735 = vector.shape_cast %parallel_loop3A_734 : vector<1x16xf32> to vector<16xf32>
      %parallel_loop3A_736 = arith.addf %parallel_loop3A_620, %parallel_loop3A_731 : vector<16xf32>
      %parallel_loop3A_737 = vector.broadcast %parallel_loop3A_685 : f32 to vector<16xf32>
      %parallel_loop3A_738 = arith.mulf %parallel_loop3A_735, %parallel_loop3A_737 : vector<16xf32>
      %parallel_loop3A_739 = math.exp %parallel_loop3A_738 : vector<16xf32>
      %parallel_loop3A_740 = arith.mulf %parallel_loop3A_731, %parallel_loop3A_739 : vector<16xf32>
      %parallel_loop3A_741 = arith.addf %parallel_loop3A_625, %parallel_loop3A_740 : vector<16xf32>
      %parallel_loop3A_742 = arith.index_cast %parallel_loop3A_683 : i32 to index
      %parallel_loop3A_743 = arith.constant 64 : index
      %parallel_loop3A_744 = tpu.vector_load %arg7[%parallel_loop3A_742, %parallel_loop3A_743] {strides = array<i32>} : memref<128x128xf32, #tpu.memory_space<vmem>>, vector<1x16xf32>,
      %parallel_loop3A_745 = vector.shape_cast %parallel_loop3A_744 : vector<1x16xf32> to vector<16xf32>
      %parallel_loop3A_746 = arith.index_cast %parallel_loop3A_683 : i32 to index
      %parallel_loop3A_747 = arith.constant 64 : index
      %parallel_loop3A_748 = tpu.vector_load %arg8[%parallel_loop3A_746, %parallel_loop3A_747] {strides = array<i32>} : memref<128x128xf32, #tpu.memory_space<vmem>>, vector<1x16xf32>,
      %parallel_loop3A_749 = vector.shape_cast %parallel_loop3A_748 : vector<1x16xf32> to vector<16xf32>
      %parallel_loop3A_750 = arith.addf %parallel_loop3A_634, %parallel_loop3A_745 : vector<16xf32>
      %parallel_loop3A_751 = vector.broadcast %parallel_loop3A_685 : f32 to vector<16xf32>
      %parallel_loop3A_752 = arith.mulf %parallel_loop3A_749, %parallel_loop3A_751 : vector<16xf32>
      %parallel_loop3A_753 = math.exp %parallel_loop3A_752 : vector<16xf32>
      %parallel_loop3A_754 = arith.mulf %parallel_loop3A_745, %parallel_loop3A_753 : vector<16xf32>
      %parallel_loop3A_755 = arith.addf %parallel_loop3A_639, %parallel_loop3A_754 : vector<16xf32>
      %parallel_loop3A_756 = arith.index_cast %parallel_loop3A_683 : i32 to index
      %parallel_loop3A_757 = arith.constant 80 : index
      %parallel_loop3A_758 = tpu.vector_load %arg7[%parallel_loop3A_756, %parallel_loop3A_757] {strides = array<i32>} : memref<128x128xf32, #tpu.memory_space<vmem>>, vector<1x16xf32>,
      %parallel_loop3A_759 = vector.shape_cast %parallel_loop3A_758 : vector<1x16xf32> to vector<16xf32>
      %parallel_loop3A_760 = arith.index_cast %parallel_loop3A_683 : i32 to index
      %parallel_loop3A_761 = arith.constant 80 : index
      %parallel_loop3A_762 = tpu.vector_load %arg8[%parallel_loop3A_760, %parallel_loop3A_761] {strides = array<i32>} : memref<128x128xf32, #tpu.memory_space<vmem>>, vector<1x16xf32>,
      %parallel_loop3A_763 = vector.shape_cast %parallel_loop3A_762 : vector<1x16xf32> to vector<16xf32>
      %parallel_loop3A_764 = arith.addf %parallel_loop3A_648, %parallel_loop3A_759 : vector<16xf32>
      %parallel_loop3A_765 = vector.broadcast %parallel_loop3A_685 : f32 to vector<16xf32>
      %parallel_loop3A_766 = arith.mulf %parallel_loop3A_763, %parallel_loop3A_765 : vector<16xf32>
      %parallel_loop3A_767 = math.exp %parallel_loop3A_766 : vector<16xf32>
      %parallel_loop3A_768 = arith.mulf %parallel_loop3A_759, %parallel_loop3A_767 : vector<16xf32>
      %parallel_loop3A_769 = arith.addf %parallel_loop3A_653, %parallel_loop3A_768 : vector<16xf32>
      %parallel_loop3A_770 = arith.index_cast %parallel_loop3A_683 : i32 to index
      %parallel_loop3A_771 = arith.constant 96 : index
      %parallel_loop3A_772 = tpu.vector_load %arg7[%parallel_loop3A_770, %parallel_loop3A_771] {strides = array<i32>} : memref<128x128xf32, #tpu.memory_space<vmem>>, vector<1x16xf32>,
      %parallel_loop3A_773 = vector.shape_cast %parallel_loop3A_772 : vector<1x16xf32> to vector<16xf32>
      %parallel_loop3A_774 = arith.index_cast %parallel_loop3A_683 : i32 to index
      %parallel_loop3A_775 = arith.constant 96 : index
      %parallel_loop3A_776 = tpu.vector_load %arg8[%parallel_loop3A_774, %parallel_loop3A_775] {strides = array<i32>} : memref<128x128xf32, #tpu.memory_space<vmem>>, vector<1x16xf32>,
      %parallel_loop3A_777 = vector.shape_cast %parallel_loop3A_776 : vector<1x16xf32> to vector<16xf32>
      %parallel_loop3A_778 = arith.addf %parallel_loop3A_662, %parallel_loop3A_773 : vector<16xf32>
      %parallel_loop3A_779 = vector.broadcast %parallel_loop3A_685 : f32 to vector<16xf32>
      %parallel_loop3A_780 = arith.mulf %parallel_loop3A_777, %parallel_loop3A_779 : vector<16xf32>
      %parallel_loop3A_781 = math.exp %parallel_loop3A_780 : vector<16xf32>
      %parallel_loop3A_782 = arith.mulf %parallel_loop3A_773, %parallel_loop3A_781 : vector<16xf32>
      %parallel_loop3A_783 = arith.addf %parallel_loop3A_667, %parallel_loop3A_782 : vector<16xf32>
      %parallel_loop3A_784 = arith.index_cast %parallel_loop3A_683 : i32 to index
      %parallel_loop3A_785 = arith.constant 112 : index
      %parallel_loop3A_786 = tpu.vector_load %arg7[%parallel_loop3A_784, %parallel_loop3A_785] {strides = array<i32>} : memref<128x128xf32, #tpu.memory_space<vmem>>, vector<1x16xf32>,
      %parallel_loop3A_787 = vector.shape_cast %parallel_loop3A_786 : vector<1x16xf32> to vector<16xf32>
      %parallel_loop3A_788 = arith.index_cast %parallel_loop3A_683 : i32 to index
      %parallel_loop3A_789 = arith.constant 112 : index
      %parallel_loop3A_790 = tpu.vector_load %arg8[%parallel_loop3A_788, %parallel_loop3A_789] {strides = array<i32>} : memref<128x128xf32, #tpu.memory_space<vmem>>, vector<1x16xf32>,
      %parallel_loop3A_791 = vector.shape_cast %parallel_loop3A_790 : vector<1x16xf32> to vector<16xf32>
      %parallel_loop3A_792 = arith.addf %parallel_loop3A_676, %parallel_loop3A_787 : vector<16xf32>
      %parallel_loop3A_793 = vector.broadcast %parallel_loop3A_685 : f32 to vector<16xf32>
      %parallel_loop3A_794 = arith.mulf %parallel_loop3A_791, %parallel_loop3A_793 : vector<16xf32>
      %parallel_loop3A_795 = math.exp %parallel_loop3A_794 : vector<16xf32>
      %parallel_loop3A_796 = arith.mulf %parallel_loop3A_787, %parallel_loop3A_795 : vector<16xf32>
      %parallel_loop3A_797 = arith.addf %parallel_loop3A_681, %parallel_loop3A_796 : vector<16xf32>
      %parallel_loop3A_798 = vector.extract_strided_slice %parallel_loop3A_98 {offsets = [6], sizes = [1], strides = [1]} : vector<16xi32> to vector<1xi32>
      %parallel_loop3A_799 = vector.extract %parallel_loop3A_798[0] : i32 from vector<1xi32>
      %parallel_loop3A_800 = vector.extract_strided_slice %parallel_loop3A_101 {offsets = [6], sizes = [1], strides = [1]} : vector<16xf32> to vector<1xf32>
      %parallel_loop3A_801 = vector.extract %parallel_loop3A_800[0] : f32 from vector<1xf32>
      %parallel_loop3A_802 = arith.index_cast %parallel_loop3A_799 : i32 to index
      %parallel_loop3A_803 = arith.constant 0 : index
      %parallel_loop3A_804 = tpu.vector_load %arg7[%parallel_loop3A_802, %parallel_loop3A_803] {strides = array<i32>} : memref<128x128xf32, #tpu.memory_space<vmem>>, vector<1x16xf32>,
      %parallel_loop3A_805 = vector.shape_cast %parallel_loop3A_804 : vector<1x16xf32> to vector<16xf32>
      %parallel_loop3A_806 = arith.index_cast %parallel_loop3A_799 : i32 to index
      %parallel_loop3A_807 = arith.constant 0 : index
      %parallel_loop3A_808 = tpu.vector_load %arg8[%parallel_loop3A_806, %parallel_loop3A_807] {strides = array<i32>} : memref<128x128xf32, #tpu.memory_space<vmem>>, vector<1x16xf32>,
      %parallel_loop3A_809 = vector.shape_cast %parallel_loop3A_808 : vector<1x16xf32> to vector<16xf32>
      %parallel_loop3A_810 = arith.addf %parallel_loop3A_694, %parallel_loop3A_805 : vector<16xf32>
      %parallel_loop3A_811 = vector.broadcast %parallel_loop3A_801 : f32 to vector<16xf32>
      %parallel_loop3A_812 = arith.mulf %parallel_loop3A_809, %parallel_loop3A_811 : vector<16xf32>
      %parallel_loop3A_813 = math.exp %parallel_loop3A_812 : vector<16xf32>
      %parallel_loop3A_814 = arith.mulf %parallel_loop3A_805, %parallel_loop3A_813 : vector<16xf32>
      %parallel_loop3A_815 = arith.addf %parallel_loop3A_699, %parallel_loop3A_814 : vector<16xf32>
      %parallel_loop3A_816 = arith.index_cast %parallel_loop3A_799 : i32 to index
      %parallel_loop3A_817 = arith.constant 16 : index
      %parallel_loop3A_818 = tpu.vector_load %arg7[%parallel_loop3A_816, %parallel_loop3A_817] {strides = array<i32>} : memref<128x128xf32, #tpu.memory_space<vmem>>, vector<1x16xf32>,
      %parallel_loop3A_819 = vector.shape_cast %parallel_loop3A_818 : vector<1x16xf32> to vector<16xf32>
      %parallel_loop3A_820 = arith.index_cast %parallel_loop3A_799 : i32 to index
      %parallel_loop3A_821 = arith.constant 16 : index
      %parallel_loop3A_822 = tpu.vector_load %arg8[%parallel_loop3A_820, %parallel_loop3A_821] {strides = array<i32>} : memref<128x128xf32, #tpu.memory_space<vmem>>, vector<1x16xf32>,
      %parallel_loop3A_823 = vector.shape_cast %parallel_loop3A_822 : vector<1x16xf32> to vector<16xf32>
      %parallel_loop3A_824 = arith.addf %parallel_loop3A_708, %parallel_loop3A_819 : vector<16xf32>
      %parallel_loop3A_825 = vector.broadcast %parallel_loop3A_801 : f32 to vector<16xf32>
      %parallel_loop3A_826 = arith.mulf %parallel_loop3A_823, %parallel_loop3A_825 : vector<16xf32>
      %parallel_loop3A_827 = math.exp %parallel_loop3A_826 : vector<16xf32>
      %parallel_loop3A_828 = arith.mulf %parallel_loop3A_819, %parallel_loop3A_827 : vector<16xf32>
      %parallel_loop3A_829 = arith.addf %parallel_loop3A_713, %parallel_loop3A_828 : vector<16xf32>
      %parallel_loop3A_830 = arith.index_cast %parallel_loop3A_799 : i32 to index
      %parallel_loop3A_831 = arith.constant 32 : index
      %parallel_loop3A_832 = tpu.vector_load %arg7[%parallel_loop3A_830, %parallel_loop3A_831] {strides = array<i32>} : memref<128x128xf32, #tpu.memory_space<vmem>>, vector<1x16xf32>,
      %parallel_loop3A_833 = vector.shape_cast %parallel_loop3A_832 : vector<1x16xf32> to vector<16xf32>
      %parallel_loop3A_834 = arith.index_cast %parallel_loop3A_799 : i32 to index
      %parallel_loop3A_835 = arith.constant 32 : index
      %parallel_loop3A_836 = tpu.vector_load %arg8[%parallel_loop3A_834, %parallel_loop3A_835] {strides = array<i32>} : memref<128x128xf32, #tpu.memory_space<vmem>>, vector<1x16xf32>,
      %parallel_loop3A_837 = vector.shape_cast %parallel_loop3A_836 : vector<1x16xf32> to vector<16xf32>
      %parallel_loop3A_838 = arith.addf %parallel_loop3A_722, %parallel_loop3A_833 : vector<16xf32>
      %parallel_loop3A_839 = vector.broadcast %parallel_loop3A_801 : f32 to vector<16xf32>
      %parallel_loop3A_840 = arith.mulf %parallel_loop3A_837, %parallel_loop3A_839 : vector<16xf32>
      %parallel_loop3A_841 = math.exp %parallel_loop3A_840 : vector<16xf32>
      %parallel_loop3A_842 = arith.mulf %parallel_loop3A_833, %parallel_loop3A_841 : vector<16xf32>
      %parallel_loop3A_843 = arith.addf %parallel_loop3A_727, %parallel_loop3A_842 : vector<16xf32>
      %parallel_loop3A_844 = arith.index_cast %parallel_loop3A_799 : i32 to index
      %parallel_loop3A_845 = arith.constant 48 : index
      %parallel_loop3A_846 = tpu.vector_load %arg7[%parallel_loop3A_844, %parallel_loop3A_845] {strides = array<i32>} : memref<128x128xf32, #tpu.memory_space<vmem>>, vector<1x16xf32>,
      %parallel_loop3A_847 = vector.shape_cast %parallel_loop3A_846 : vector<1x16xf32> to vector<16xf32>
      %parallel_loop3A_848 = arith.index_cast %parallel_loop3A_799 : i32 to index
      %parallel_loop3A_849 = arith.constant 48 : index
      %parallel_loop3A_850 = tpu.vector_load %arg8[%parallel_loop3A_848, %parallel_loop3A_849] {strides = array<i32>} : memref<128x128xf32, #tpu.memory_space<vmem>>, vector<1x16xf32>,
      %parallel_loop3A_851 = vector.shape_cast %parallel_loop3A_850 : vector<1x16xf32> to vector<16xf32>
      %parallel_loop3A_852 = arith.addf %parallel_loop3A_736, %parallel_loop3A_847 : vector<16xf32>
      %parallel_loop3A_853 = vector.broadcast %parallel_loop3A_801 : f32 to vector<16xf32>
      %parallel_loop3A_854 = arith.mulf %parallel_loop3A_851, %parallel_loop3A_853 : vector<16xf32>
      %parallel_loop3A_855 = math.exp %parallel_loop3A_854 : vector<16xf32>
      %parallel_loop3A_856 = arith.mulf %parallel_loop3A_847, %parallel_loop3A_855 : vector<16xf32>
      %parallel_loop3A_857 = arith.addf %parallel_loop3A_741, %parallel_loop3A_856 : vector<16xf32>
      %parallel_loop3A_858 = arith.index_cast %parallel_loop3A_799 : i32 to index
      %parallel_loop3A_859 = arith.constant 64 : index
      %parallel_loop3A_860 = tpu.vector_load %arg7[%parallel_loop3A_858, %parallel_loop3A_859] {strides = array<i32>} : memref<128x128xf32, #tpu.memory_space<vmem>>, vector<1x16xf32>,
      %parallel_loop3A_861 = vector.shape_cast %parallel_loop3A_860 : vector<1x16xf32> to vector<16xf32>
      %parallel_loop3A_862 = arith.index_cast %parallel_loop3A_799 : i32 to index
      %parallel_loop3A_863 = arith.constant 64 : index
      %parallel_loop3A_864 = tpu.vector_load %arg8[%parallel_loop3A_862, %parallel_loop3A_863] {strides = array<i32>} : memref<128x128xf32, #tpu.memory_space<vmem>>, vector<1x16xf32>,
      %parallel_loop3A_865 = vector.shape_cast %parallel_loop3A_864 : vector<1x16xf32> to vector<16xf32>
      %parallel_loop3A_866 = arith.addf %parallel_loop3A_750, %parallel_loop3A_861 : vector<16xf32>
      %parallel_loop3A_867 = vector.broadcast %parallel_loop3A_801 : f32 to vector<16xf32>
      %parallel_loop3A_868 = arith.mulf %parallel_loop3A_865, %parallel_loop3A_867 : vector<16xf32>
      %parallel_loop3A_869 = math.exp %parallel_loop3A_868 : vector<16xf32>
      %parallel_loop3A_870 = arith.mulf %parallel_loop3A_861, %parallel_loop3A_869 : vector<16xf32>
      %parallel_loop3A_871 = arith.addf %parallel_loop3A_755, %parallel_loop3A_870 : vector<16xf32>
      %parallel_loop3A_872 = arith.index_cast %parallel_loop3A_799 : i32 to index
      %parallel_loop3A_873 = arith.constant 80 : index
      %parallel_loop3A_874 = tpu.vector_load %arg7[%parallel_loop3A_872, %parallel_loop3A_873] {strides = array<i32>} : memref<128x128xf32, #tpu.memory_space<vmem>>, vector<1x16xf32>,
      %parallel_loop3A_875 = vector.shape_cast %parallel_loop3A_874 : vector<1x16xf32> to vector<16xf32>
      %parallel_loop3A_876 = arith.index_cast %parallel_loop3A_799 : i32 to index
      %parallel_loop3A_877 = arith.constant 80 : index
      %parallel_loop3A_878 = tpu.vector_load %arg8[%parallel_loop3A_876, %parallel_loop3A_877] {strides = array<i32>} : memref<128x128xf32, #tpu.memory_space<vmem>>, vector<1x16xf32>,
      %parallel_loop3A_879 = vector.shape_cast %parallel_loop3A_878 : vector<1x16xf32> to vector<16xf32>
      %parallel_loop3A_880 = arith.addf %parallel_loop3A_764, %parallel_loop3A_875 : vector<16xf32>
      %parallel_loop3A_881 = vector.broadcast %parallel_loop3A_801 : f32 to vector<16xf32>
      %parallel_loop3A_882 = arith.mulf %parallel_loop3A_879, %parallel_loop3A_881 : vector<16xf32>
      %parallel_loop3A_883 = math.exp %parallel_loop3A_882 : vector<16xf32>
      %parallel_loop3A_884 = arith.mulf %parallel_loop3A_875, %parallel_loop3A_883 : vector<16xf32>
      %parallel_loop3A_885 = arith.addf %parallel_loop3A_769, %parallel_loop3A_884 : vector<16xf32>
      %parallel_loop3A_886 = arith.index_cast %parallel_loop3A_799 : i32 to index
      %parallel_loop3A_887 = arith.constant 96 : index
      %parallel_loop3A_888 = tpu.vector_load %arg7[%parallel_loop3A_886, %parallel_loop3A_887] {strides = array<i32>} : memref<128x128xf32, #tpu.memory_space<vmem>>, vector<1x16xf32>,
      %parallel_loop3A_889 = vector.shape_cast %parallel_loop3A_888 : vector<1x16xf32> to vector<16xf32>
      %parallel_loop3A_890 = arith.index_cast %parallel_loop3A_799 : i32 to index
      %parallel_loop3A_891 = arith.constant 96 : index
      %parallel_loop3A_892 = tpu.vector_load %arg8[%parallel_loop3A_890, %parallel_loop3A_891] {strides = array<i32>} : memref<128x128xf32, #tpu.memory_space<vmem>>, vector<1x16xf32>,
      %parallel_loop3A_893 = vector.shape_cast %parallel_loop3A_892 : vector<1x16xf32> to vector<16xf32>
      %parallel_loop3A_894 = arith.addf %parallel_loop3A_778, %parallel_loop3A_889 : vector<16xf32>
      %parallel_loop3A_895 = vector.broadcast %parallel_loop3A_801 : f32 to vector<16xf32>
      %parallel_loop3A_896 = arith.mulf %parallel_loop3A_893, %parallel_loop3A_895 : vector<16xf32>
      %parallel_loop3A_897 = math.exp %parallel_loop3A_896 : vector<16xf32>
      %parallel_loop3A_898 = arith.mulf %parallel_loop3A_889, %parallel_loop3A_897 : vector<16xf32>
      %parallel_loop3A_899 = arith.addf %parallel_loop3A_783, %parallel_loop3A_898 : vector<16xf32>
      %parallel_loop3A_900 = arith.index_cast %parallel_loop3A_799 : i32 to index
      %parallel_loop3A_901 = arith.constant 112 : index
      %parallel_loop3A_902 = tpu.vector_load %arg7[%parallel_loop3A_900, %parallel_loop3A_901] {strides = array<i32>} : memref<128x128xf32, #tpu.memory_space<vmem>>, vector<1x16xf32>,
      %parallel_loop3A_903 = vector.shape_cast %parallel_loop3A_902 : vector<1x16xf32> to vector<16xf32>
      %parallel_loop3A_904 = arith.index_cast %parallel_loop3A_799 : i32 to index
      %parallel_loop3A_905 = arith.constant 112 : index
      %parallel_loop3A_906 = tpu.vector_load %arg8[%parallel_loop3A_904, %parallel_loop3A_905] {strides = array<i32>} : memref<128x128xf32, #tpu.memory_space<vmem>>, vector<1x16xf32>,
      %parallel_loop3A_907 = vector.shape_cast %parallel_loop3A_906 : vector<1x16xf32> to vector<16xf32>
      %parallel_loop3A_908 = arith.addf %parallel_loop3A_792, %parallel_loop3A_903 : vector<16xf32>
      %parallel_loop3A_909 = vector.broadcast %parallel_loop3A_801 : f32 to vector<16xf32>
      %parallel_loop3A_910 = arith.mulf %parallel_loop3A_907, %parallel_loop3A_909 : vector<16xf32>
      %parallel_loop3A_911 = math.exp %parallel_loop3A_910 : vector<16xf32>
      %parallel_loop3A_912 = arith.mulf %parallel_loop3A_903, %parallel_loop3A_911 : vector<16xf32>
      %parallel_loop3A_913 = arith.addf %parallel_loop3A_797, %parallel_loop3A_912 : vector<16xf32>
      %parallel_loop3A_914 = vector.extract_strided_slice %parallel_loop3A_98 {offsets = [7], sizes = [1], strides = [1]} : vector<16xi32> to vector<1xi32>
      %parallel_loop3A_915 = vector.extract %parallel_loop3A_914[0] : i32 from vector<1xi32>
      %parallel_loop3A_916 = vector.extract_strided_slice %parallel_loop3A_101 {offsets = [7], sizes = [1], strides = [1]} : vector<16xf32> to vector<1xf32>
      %parallel_loop3A_917 = vector.extract %parallel_loop3A_916[0] : f32 from vector<1xf32>
      %parallel_loop3A_918 = arith.index_cast %parallel_loop3A_915 : i32 to index
      %parallel_loop3A_919 = arith.constant 0 : index
      %parallel_loop3A_920 = tpu.vector_load %arg7[%parallel_loop3A_918, %parallel_loop3A_919] {strides = array<i32>} : memref<128x128xf32, #tpu.memory_space<vmem>>, vector<1x16xf32>,
      %parallel_loop3A_921 = vector.shape_cast %parallel_loop3A_920 : vector<1x16xf32> to vector<16xf32>
      %parallel_loop3A_922 = arith.index_cast %parallel_loop3A_915 : i32 to index
      %parallel_loop3A_923 = arith.constant 0 : index
      %parallel_loop3A_924 = tpu.vector_load %arg8[%parallel_loop3A_922, %parallel_loop3A_923] {strides = array<i32>} : memref<128x128xf32, #tpu.memory_space<vmem>>, vector<1x16xf32>,
      %parallel_loop3A_925 = vector.shape_cast %parallel_loop3A_924 : vector<1x16xf32> to vector<16xf32>
      %parallel_loop3A_926 = arith.addf %parallel_loop3A_810, %parallel_loop3A_921 : vector<16xf32>
      %parallel_loop3A_927 = vector.broadcast %parallel_loop3A_917 : f32 to vector<16xf32>
      %parallel_loop3A_928 = arith.mulf %parallel_loop3A_925, %parallel_loop3A_927 : vector<16xf32>
      %parallel_loop3A_929 = math.exp %parallel_loop3A_928 : vector<16xf32>
      %parallel_loop3A_930 = arith.mulf %parallel_loop3A_921, %parallel_loop3A_929 : vector<16xf32>
      %parallel_loop3A_931 = arith.addf %parallel_loop3A_815, %parallel_loop3A_930 : vector<16xf32>
      %parallel_loop3A_932 = arith.index_cast %parallel_loop3A_915 : i32 to index
      %parallel_loop3A_933 = arith.constant 16 : index
      %parallel_loop3A_934 = tpu.vector_load %arg7[%parallel_loop3A_932, %parallel_loop3A_933] {strides = array<i32>} : memref<128x128xf32, #tpu.memory_space<vmem>>, vector<1x16xf32>,
      %parallel_loop3A_935 = vector.shape_cast %parallel_loop3A_934 : vector<1x16xf32> to vector<16xf32>
      %parallel_loop3A_936 = arith.index_cast %parallel_loop3A_915 : i32 to index
      %parallel_loop3A_937 = arith.constant 16 : index
      %parallel_loop3A_938 = tpu.vector_load %arg8[%parallel_loop3A_936, %parallel_loop3A_937] {strides = array<i32>} : memref<128x128xf32, #tpu.memory_space<vmem>>, vector<1x16xf32>,
      %parallel_loop3A_939 = vector.shape_cast %parallel_loop3A_938 : vector<1x16xf32> to vector<16xf32>
      %parallel_loop3A_940 = arith.addf %parallel_loop3A_824, %parallel_loop3A_935 : vector<16xf32>
      %parallel_loop3A_941 = vector.broadcast %parallel_loop3A_917 : f32 to vector<16xf32>
      %parallel_loop3A_942 = arith.mulf %parallel_loop3A_939, %parallel_loop3A_941 : vector<16xf32>
      %parallel_loop3A_943 = math.exp %parallel_loop3A_942 : vector<16xf32>
      %parallel_loop3A_944 = arith.mulf %parallel_loop3A_935, %parallel_loop3A_943 : vector<16xf32>
      %parallel_loop3A_945 = arith.addf %parallel_loop3A_829, %parallel_loop3A_944 : vector<16xf32>
      %parallel_loop3A_946 = arith.index_cast %parallel_loop3A_915 : i32 to index
      %parallel_loop3A_947 = arith.constant 32 : index
      %parallel_loop3A_948 = tpu.vector_load %arg7[%parallel_loop3A_946, %parallel_loop3A_947] {strides = array<i32>} : memref<128x128xf32, #tpu.memory_space<vmem>>, vector<1x16xf32>,
      %parallel_loop3A_949 = vector.shape_cast %parallel_loop3A_948 : vector<1x16xf32> to vector<16xf32>
      %parallel_loop3A_950 = arith.index_cast %parallel_loop3A_915 : i32 to index
      %parallel_loop3A_951 = arith.constant 32 : index
      %parallel_loop3A_952 = tpu.vector_load %arg8[%parallel_loop3A_950, %parallel_loop3A_951] {strides = array<i32>} : memref<128x128xf32, #tpu.memory_space<vmem>>, vector<1x16xf32>,
      %parallel_loop3A_953 = vector.shape_cast %parallel_loop3A_952 : vector<1x16xf32> to vector<16xf32>
      %parallel_loop3A_954 = arith.addf %parallel_loop3A_838, %parallel_loop3A_949 : vector<16xf32>
      %parallel_loop3A_955 = vector.broadcast %parallel_loop3A_917 : f32 to vector<16xf32>
      %parallel_loop3A_956 = arith.mulf %parallel_loop3A_953, %parallel_loop3A_955 : vector<16xf32>
      %parallel_loop3A_957 = math.exp %parallel_loop3A_956 : vector<16xf32>
      %parallel_loop3A_958 = arith.mulf %parallel_loop3A_949, %parallel_loop3A_957 : vector<16xf32>
      %parallel_loop3A_959 = arith.addf %parallel_loop3A_843, %parallel_loop3A_958 : vector<16xf32>
      %parallel_loop3A_960 = arith.index_cast %parallel_loop3A_915 : i32 to index
      %parallel_loop3A_961 = arith.constant 48 : index
      %parallel_loop3A_962 = tpu.vector_load %arg7[%parallel_loop3A_960, %parallel_loop3A_961] {strides = array<i32>} : memref<128x128xf32, #tpu.memory_space<vmem>>, vector<1x16xf32>,
      %parallel_loop3A_963 = vector.shape_cast %parallel_loop3A_962 : vector<1x16xf32> to vector<16xf32>
      %parallel_loop3A_964 = arith.index_cast %parallel_loop3A_915 : i32 to index
      %parallel_loop3A_965 = arith.constant 48 : index
      %parallel_loop3A_966 = tpu.vector_load %arg8[%parallel_loop3A_964, %parallel_loop3A_965] {strides = array<i32>} : memref<128x128xf32, #tpu.memory_space<vmem>>, vector<1x16xf32>,
      %parallel_loop3A_967 = vector.shape_cast %parallel_loop3A_966 : vector<1x16xf32> to vector<16xf32>
      %parallel_loop3A_968 = arith.addf %parallel_loop3A_852, %parallel_loop3A_963 : vector<16xf32>
      %parallel_loop3A_969 = vector.broadcast %parallel_loop3A_917 : f32 to vector<16xf32>
      %parallel_loop3A_970 = arith.mulf %parallel_loop3A_967, %parallel_loop3A_969 : vector<16xf32>
      %parallel_loop3A_971 = math.exp %parallel_loop3A_970 : vector<16xf32>
      %parallel_loop3A_972 = arith.mulf %parallel_loop3A_963, %parallel_loop3A_971 : vector<16xf32>
      %parallel_loop3A_973 = arith.addf %parallel_loop3A_857, %parallel_loop3A_972 : vector<16xf32>
      %parallel_loop3A_974 = arith.index_cast %parallel_loop3A_915 : i32 to index
      %parallel_loop3A_975 = arith.constant 64 : index
      %parallel_loop3A_976 = tpu.vector_load %arg7[%parallel_loop3A_974, %parallel_loop3A_975] {strides = array<i32>} : memref<128x128xf32, #tpu.memory_space<vmem>>, vector<1x16xf32>,
      %parallel_loop3A_977 = vector.shape_cast %parallel_loop3A_976 : vector<1x16xf32> to vector<16xf32>
      %parallel_loop3A_978 = arith.index_cast %parallel_loop3A_915 : i32 to index
      %parallel_loop3A_979 = arith.constant 64 : index
      %parallel_loop3A_980 = tpu.vector_load %arg8[%parallel_loop3A_978, %parallel_loop3A_979] {strides = array<i32>} : memref<128x128xf32, #tpu.memory_space<vmem>>, vector<1x16xf32>,
      %parallel_loop3A_981 = vector.shape_cast %parallel_loop3A_980 : vector<1x16xf32> to vector<16xf32>
      %parallel_loop3A_982 = arith.addf %parallel_loop3A_866, %parallel_loop3A_977 : vector<16xf32>
      %parallel_loop3A_983 = vector.broadcast %parallel_loop3A_917 : f32 to vector<16xf32>
      %parallel_loop3A_984 = arith.mulf %parallel_loop3A_981, %parallel_loop3A_983 : vector<16xf32>
      %parallel_loop3A_985 = math.exp %parallel_loop3A_984 : vector<16xf32>
      %parallel_loop3A_986 = arith.mulf %parallel_loop3A_977, %parallel_loop3A_985 : vector<16xf32>
      %parallel_loop3A_987 = arith.addf %parallel_loop3A_871, %parallel_loop3A_986 : vector<16xf32>
      %parallel_loop3A_988 = arith.index_cast %parallel_loop3A_915 : i32 to index
      %parallel_loop3A_989 = arith.constant 80 : index
      %parallel_loop3A_990 = tpu.vector_load %arg7[%parallel_loop3A_988, %parallel_loop3A_989] {strides = array<i32>} : memref<128x128xf32, #tpu.memory_space<vmem>>, vector<1x16xf32>,
      %parallel_loop3A_991 = vector.shape_cast %parallel_loop3A_990 : vector<1x16xf32> to vector<16xf32>
      %parallel_loop3A_992 = arith.index_cast %parallel_loop3A_915 : i32 to index
      %parallel_loop3A_993 = arith.constant 80 : index
      %parallel_loop3A_994 = tpu.vector_load %arg8[%parallel_loop3A_992, %parallel_loop3A_993] {strides = array<i32>} : memref<128x128xf32, #tpu.memory_space<vmem>>, vector<1x16xf32>,
      %parallel_loop3A_995 = vector.shape_cast %parallel_loop3A_994 : vector<1x16xf32> to vector<16xf32>
      %parallel_loop3A_996 = arith.addf %parallel_loop3A_880, %parallel_loop3A_991 : vector<16xf32>
      %parallel_loop3A_997 = vector.broadcast %parallel_loop3A_917 : f32 to vector<16xf32>
      %parallel_loop3A_998 = arith.mulf %parallel_loop3A_995, %parallel_loop3A_997 : vector<16xf32>
      %parallel_loop3A_999 = math.exp %parallel_loop3A_998 : vector<16xf32>
      %parallel_loop3A_1000 = arith.mulf %parallel_loop3A_991, %parallel_loop3A_999 : vector<16xf32>
      %parallel_loop3A_1001 = arith.addf %parallel_loop3A_885, %parallel_loop3A_1000 : vector<16xf32>
      %parallel_loop3A_1002 = arith.index_cast %parallel_loop3A_915 : i32 to index
      %parallel_loop3A_1003 = arith.constant 96 : index
      %parallel_loop3A_1004 = tpu.vector_load %arg7[%parallel_loop3A_1002, %parallel_loop3A_1003] {strides = array<i32>} : memref<128x128xf32, #tpu.memory_space<vmem>>, vector<1x16xf32>,
      %parallel_loop3A_1005 = vector.shape_cast %parallel_loop3A_1004 : vector<1x16xf32> to vector<16xf32>
      %parallel_loop3A_1006 = arith.index_cast %parallel_loop3A_915 : i32 to index
      %parallel_loop3A_1007 = arith.constant 96 : index
      %parallel_loop3A_1008 = tpu.vector_load %arg8[%parallel_loop3A_1006, %parallel_loop3A_1007] {strides = array<i32>} : memref<128x128xf32, #tpu.memory_space<vmem>>, vector<1x16xf32>,
      %parallel_loop3A_1009 = vector.shape_cast %parallel_loop3A_1008 : vector<1x16xf32> to vector<16xf32>
      %parallel_loop3A_1010 = arith.addf %parallel_loop3A_894, %parallel_loop3A_1005 : vector<16xf32>
      %parallel_loop3A_1011 = vector.broadcast %parallel_loop3A_917 : f32 to vector<16xf32>
      %parallel_loop3A_1012 = arith.mulf %parallel_loop3A_1009, %parallel_loop3A_1011 : vector<16xf32>
      %parallel_loop3A_1013 = math.exp %parallel_loop3A_1012 : vector<16xf32>
      %parallel_loop3A_1014 = arith.mulf %parallel_loop3A_1005, %parallel_loop3A_1013 : vector<16xf32>
      %parallel_loop3A_1015 = arith.addf %parallel_loop3A_899, %parallel_loop3A_1014 : vector<16xf32>
      %parallel_loop3A_1016 = arith.index_cast %parallel_loop3A_915 : i32 to index
      %parallel_loop3A_1017 = arith.constant 112 : index
      %parallel_loop3A_1018 = tpu.vector_load %arg7[%parallel_loop3A_1016, %parallel_loop3A_1017] {strides = array<i32>} : memref<128x128xf32, #tpu.memory_space<vmem>>, vector<1x16xf32>,
      %parallel_loop3A_1019 = vector.shape_cast %parallel_loop3A_1018 : vector<1x16xf32> to vector<16xf32>
      %parallel_loop3A_1020 = arith.index_cast %parallel_loop3A_915 : i32 to index
      %parallel_loop3A_1021 = arith.constant 112 : index
      %parallel_loop3A_1022 = tpu.vector_load %arg8[%parallel_loop3A_1020, %parallel_loop3A_1021] {strides = array<i32>} : memref<128x128xf32, #tpu.memory_space<vmem>>, vector<1x16xf32>,
      %parallel_loop3A_1023 = vector.shape_cast %parallel_loop3A_1022 : vector<1x16xf32> to vector<16xf32>
      %parallel_loop3A_1024 = arith.addf %parallel_loop3A_908, %parallel_loop3A_1019 : vector<16xf32>
      %parallel_loop3A_1025 = vector.broadcast %parallel_loop3A_917 : f32 to vector<16xf32>
      %parallel_loop3A_1026 = arith.mulf %parallel_loop3A_1023, %parallel_loop3A_1025 : vector<16xf32>
      %parallel_loop3A_1027 = math.exp %parallel_loop3A_1026 : vector<16xf32>
      %parallel_loop3A_1028 = arith.mulf %parallel_loop3A_1019, %parallel_loop3A_1027 : vector<16xf32>
      %parallel_loop3A_1029 = arith.addf %parallel_loop3A_913, %parallel_loop3A_1028 : vector<16xf32>
      %parallel_loop3A_1030 = vector.extract_strided_slice %parallel_loop3A_98 {offsets = [8], sizes = [1], strides = [1]} : vector<16xi32> to vector<1xi32>
      %parallel_loop3A_1031 = vector.extract %parallel_loop3A_1030[0] : i32 from vector<1xi32>
      %parallel_loop3A_1032 = vector.extract_strided_slice %parallel_loop3A_101 {offsets = [8], sizes = [1], strides = [1]} : vector<16xf32> to vector<1xf32>
      %parallel_loop3A_1033 = vector.extract %parallel_loop3A_1032[0] : f32 from vector<1xf32>
      %parallel_loop3A_1034 = arith.index_cast %parallel_loop3A_1031 : i32 to index
      %parallel_loop3A_1035 = arith.constant 0 : index
      %parallel_loop3A_1036 = tpu.vector_load %arg7[%parallel_loop3A_1034, %parallel_loop3A_1035] {strides = array<i32>} : memref<128x128xf32, #tpu.memory_space<vmem>>, vector<1x16xf32>,
      %parallel_loop3A_1037 = vector.shape_cast %parallel_loop3A_1036 : vector<1x16xf32> to vector<16xf32>
      %parallel_loop3A_1038 = arith.index_cast %parallel_loop3A_1031 : i32 to index
      %parallel_loop3A_1039 = arith.constant 0 : index
      %parallel_loop3A_1040 = tpu.vector_load %arg8[%parallel_loop3A_1038, %parallel_loop3A_1039] {strides = array<i32>} : memref<128x128xf32, #tpu.memory_space<vmem>>, vector<1x16xf32>,
      %parallel_loop3A_1041 = vector.shape_cast %parallel_loop3A_1040 : vector<1x16xf32> to vector<16xf32>
      %parallel_loop3A_1042 = arith.addf %parallel_loop3A_926, %parallel_loop3A_1037 : vector<16xf32>
      %parallel_loop3A_1043 = vector.broadcast %parallel_loop3A_1033 : f32 to vector<16xf32>
      %parallel_loop3A_1044 = arith.mulf %parallel_loop3A_1041, %parallel_loop3A_1043 : vector<16xf32>
      %parallel_loop3A_1045 = math.exp %parallel_loop3A_1044 : vector<16xf32>
      %parallel_loop3A_1046 = arith.mulf %parallel_loop3A_1037, %parallel_loop3A_1045 : vector<16xf32>
      %parallel_loop3A_1047 = arith.addf %parallel_loop3A_931, %parallel_loop3A_1046 : vector<16xf32>
      %parallel_loop3A_1048 = arith.index_cast %parallel_loop3A_1031 : i32 to index
      %parallel_loop3A_1049 = arith.constant 16 : index
      %parallel_loop3A_1050 = tpu.vector_load %arg7[%parallel_loop3A_1048, %parallel_loop3A_1049] {strides = array<i32>} : memref<128x128xf32, #tpu.memory_space<vmem>>, vector<1x16xf32>,
      %parallel_loop3A_1051 = vector.shape_cast %parallel_loop3A_1050 : vector<1x16xf32> to vector<16xf32>
      %parallel_loop3A_1052 = arith.index_cast %parallel_loop3A_1031 : i32 to index
      %parallel_loop3A_1053 = arith.constant 16 : index
      %parallel_loop3A_1054 = tpu.vector_load %arg8[%parallel_loop3A_1052, %parallel_loop3A_1053] {strides = array<i32>} : memref<128x128xf32, #tpu.memory_space<vmem>>, vector<1x16xf32>,
      %parallel_loop3A_1055 = vector.shape_cast %parallel_loop3A_1054 : vector<1x16xf32> to vector<16xf32>
      %parallel_loop3A_1056 = arith.addf %parallel_loop3A_940, %parallel_loop3A_1051 : vector<16xf32>
      %parallel_loop3A_1057 = vector.broadcast %parallel_loop3A_1033 : f32 to vector<16xf32>
      %parallel_loop3A_1058 = arith.mulf %parallel_loop3A_1055, %parallel_loop3A_1057 : vector<16xf32>
      %parallel_loop3A_1059 = math.exp %parallel_loop3A_1058 : vector<16xf32>
      %parallel_loop3A_1060 = arith.mulf %parallel_loop3A_1051, %parallel_loop3A_1059 : vector<16xf32>
      %parallel_loop3A_1061 = arith.addf %parallel_loop3A_945, %parallel_loop3A_1060 : vector<16xf32>
      %parallel_loop3A_1062 = arith.index_cast %parallel_loop3A_1031 : i32 to index
      %parallel_loop3A_1063 = arith.constant 32 : index
      %parallel_loop3A_1064 = tpu.vector_load %arg7[%parallel_loop3A_1062, %parallel_loop3A_1063] {strides = array<i32>} : memref<128x128xf32, #tpu.memory_space<vmem>>, vector<1x16xf32>,
      %parallel_loop3A_1065 = vector.shape_cast %parallel_loop3A_1064 : vector<1x16xf32> to vector<16xf32>
      %parallel_loop3A_1066 = arith.index_cast %parallel_loop3A_1031 : i32 to index
      %parallel_loop3A_1067 = arith.constant 32 : index
      %parallel_loop3A_1068 = tpu.vector_load %arg8[%parallel_loop3A_1066, %parallel_loop3A_1067] {strides = array<i32>} : memref<128x128xf32, #tpu.memory_space<vmem>>, vector<1x16xf32>,
      %parallel_loop3A_1069 = vector.shape_cast %parallel_loop3A_1068 : vector<1x16xf32> to vector<16xf32>
      %parallel_loop3A_1070 = arith.addf %parallel_loop3A_954, %parallel_loop3A_1065 : vector<16xf32>
      %parallel_loop3A_1071 = vector.broadcast %parallel_loop3A_1033 : f32 to vector<16xf32>
      %parallel_loop3A_1072 = arith.mulf %parallel_loop3A_1069, %parallel_loop3A_1071 : vector<16xf32>
      %parallel_loop3A_1073 = math.exp %parallel_loop3A_1072 : vector<16xf32>
      %parallel_loop3A_1074 = arith.mulf %parallel_loop3A_1065, %parallel_loop3A_1073 : vector<16xf32>
      %parallel_loop3A_1075 = arith.addf %parallel_loop3A_959, %parallel_loop3A_1074 : vector<16xf32>
      %parallel_loop3A_1076 = arith.index_cast %parallel_loop3A_1031 : i32 to index
      %parallel_loop3A_1077 = arith.constant 48 : index
      %parallel_loop3A_1078 = tpu.vector_load %arg7[%parallel_loop3A_1076, %parallel_loop3A_1077] {strides = array<i32>} : memref<128x128xf32, #tpu.memory_space<vmem>>, vector<1x16xf32>,
      %parallel_loop3A_1079 = vector.shape_cast %parallel_loop3A_1078 : vector<1x16xf32> to vector<16xf32>
      %parallel_loop3A_1080 = arith.index_cast %parallel_loop3A_1031 : i32 to index
      %parallel_loop3A_1081 = arith.constant 48 : index
      %parallel_loop3A_1082 = tpu.vector_load %arg8[%parallel_loop3A_1080, %parallel_loop3A_1081] {strides = array<i32>} : memref<128x128xf32, #tpu.memory_space<vmem>>, vector<1x16xf32>,
      %parallel_loop3A_1083 = vector.shape_cast %parallel_loop3A_1082 : vector<1x16xf32> to vector<16xf32>
      %parallel_loop3A_1084 = arith.addf %parallel_loop3A_968, %parallel_loop3A_1079 : vector<16xf32>
      %parallel_loop3A_1085 = vector.broadcast %parallel_loop3A_1033 : f32 to vector<16xf32>
      %parallel_loop3A_1086 = arith.mulf %parallel_loop3A_1083, %parallel_loop3A_1085 : vector<16xf32>
      %parallel_loop3A_1087 = math.exp %parallel_loop3A_1086 : vector<16xf32>
      %parallel_loop3A_1088 = arith.mulf %parallel_loop3A_1079, %parallel_loop3A_1087 : vector<16xf32>
      %parallel_loop3A_1089 = arith.addf %parallel_loop3A_973, %parallel_loop3A_1088 : vector<16xf32>
      %parallel_loop3A_1090 = arith.index_cast %parallel_loop3A_1031 : i32 to index
      %parallel_loop3A_1091 = arith.constant 64 : index
      %parallel_loop3A_1092 = tpu.vector_load %arg7[%parallel_loop3A_1090, %parallel_loop3A_1091] {strides = array<i32>} : memref<128x128xf32, #tpu.memory_space<vmem>>, vector<1x16xf32>,
      %parallel_loop3A_1093 = vector.shape_cast %parallel_loop3A_1092 : vector<1x16xf32> to vector<16xf32>
      %parallel_loop3A_1094 = arith.index_cast %parallel_loop3A_1031 : i32 to index
      %parallel_loop3A_1095 = arith.constant 64 : index
      %parallel_loop3A_1096 = tpu.vector_load %arg8[%parallel_loop3A_1094, %parallel_loop3A_1095] {strides = array<i32>} : memref<128x128xf32, #tpu.memory_space<vmem>>, vector<1x16xf32>,
      %parallel_loop3A_1097 = vector.shape_cast %parallel_loop3A_1096 : vector<1x16xf32> to vector<16xf32>
      %parallel_loop3A_1098 = arith.addf %parallel_loop3A_982, %parallel_loop3A_1093 : vector<16xf32>
      %parallel_loop3A_1099 = vector.broadcast %parallel_loop3A_1033 : f32 to vector<16xf32>
      %parallel_loop3A_1100 = arith.mulf %parallel_loop3A_1097, %parallel_loop3A_1099 : vector<16xf32>
      %parallel_loop3A_1101 = math.exp %parallel_loop3A_1100 : vector<16xf32>
      %parallel_loop3A_1102 = arith.mulf %parallel_loop3A_1093, %parallel_loop3A_1101 : vector<16xf32>
      %parallel_loop3A_1103 = arith.addf %parallel_loop3A_987, %parallel_loop3A_1102 : vector<16xf32>
      %parallel_loop3A_1104 = arith.index_cast %parallel_loop3A_1031 : i32 to index
      %parallel_loop3A_1105 = arith.constant 80 : index
      %parallel_loop3A_1106 = tpu.vector_load %arg7[%parallel_loop3A_1104, %parallel_loop3A_1105] {strides = array<i32>} : memref<128x128xf32, #tpu.memory_space<vmem>>, vector<1x16xf32>,
      %parallel_loop3A_1107 = vector.shape_cast %parallel_loop3A_1106 : vector<1x16xf32> to vector<16xf32>
      %parallel_loop3A_1108 = arith.index_cast %parallel_loop3A_1031 : i32 to index
      %parallel_loop3A_1109 = arith.constant 80 : index
      %parallel_loop3A_1110 = tpu.vector_load %arg8[%parallel_loop3A_1108, %parallel_loop3A_1109] {strides = array<i32>} : memref<128x128xf32, #tpu.memory_space<vmem>>, vector<1x16xf32>,
      %parallel_loop3A_1111 = vector.shape_cast %parallel_loop3A_1110 : vector<1x16xf32> to vector<16xf32>
      %parallel_loop3A_1112 = arith.addf %parallel_loop3A_996, %parallel_loop3A_1107 : vector<16xf32>
      %parallel_loop3A_1113 = vector.broadcast %parallel_loop3A_1033 : f32 to vector<16xf32>
      %parallel_loop3A_1114 = arith.mulf %parallel_loop3A_1111, %parallel_loop3A_1113 : vector<16xf32>
      %parallel_loop3A_1115 = math.exp %parallel_loop3A_1114 : vector<16xf32>
      %parallel_loop3A_1116 = arith.mulf %parallel_loop3A_1107, %parallel_loop3A_1115 : vector<16xf32>
      %parallel_loop3A_1117 = arith.addf %parallel_loop3A_1001, %parallel_loop3A_1116 : vector<16xf32>
      %parallel_loop3A_1118 = arith.index_cast %parallel_loop3A_1031 : i32 to index
      %parallel_loop3A_1119 = arith.constant 96 : index
      %parallel_loop3A_1120 = tpu.vector_load %arg7[%parallel_loop3A_1118, %parallel_loop3A_1119] {strides = array<i32>} : memref<128x128xf32, #tpu.memory_space<vmem>>, vector<1x16xf32>,
      %parallel_loop3A_1121 = vector.shape_cast %parallel_loop3A_1120 : vector<1x16xf32> to vector<16xf32>
      %parallel_loop3A_1122 = arith.index_cast %parallel_loop3A_1031 : i32 to index
      %parallel_loop3A_1123 = arith.constant 96 : index
      %parallel_loop3A_1124 = tpu.vector_load %arg8[%parallel_loop3A_1122, %parallel_loop3A_1123] {strides = array<i32>} : memref<128x128xf32, #tpu.memory_space<vmem>>, vector<1x16xf32>,
      %parallel_loop3A_1125 = vector.shape_cast %parallel_loop3A_1124 : vector<1x16xf32> to vector<16xf32>
      %parallel_loop3A_1126 = arith.addf %parallel_loop3A_1010, %parallel_loop3A_1121 : vector<16xf32>
      %parallel_loop3A_1127 = vector.broadcast %parallel_loop3A_1033 : f32 to vector<16xf32>
      %parallel_loop3A_1128 = arith.mulf %parallel_loop3A_1125, %parallel_loop3A_1127 : vector<16xf32>
      %parallel_loop3A_1129 = math.exp %parallel_loop3A_1128 : vector<16xf32>
      %parallel_loop3A_1130 = arith.mulf %parallel_loop3A_1121, %parallel_loop3A_1129 : vector<16xf32>
      %parallel_loop3A_1131 = arith.addf %parallel_loop3A_1015, %parallel_loop3A_1130 : vector<16xf32>
      %parallel_loop3A_1132 = arith.index_cast %parallel_loop3A_1031 : i32 to index
      %parallel_loop3A_1133 = arith.constant 112 : index
      %parallel_loop3A_1134 = tpu.vector_load %arg7[%parallel_loop3A_1132, %parallel_loop3A_1133] {strides = array<i32>} : memref<128x128xf32, #tpu.memory_space<vmem>>, vector<1x16xf32>,
      %parallel_loop3A_1135 = vector.shape_cast %parallel_loop3A_1134 : vector<1x16xf32> to vector<16xf32>
      %parallel_loop3A_1136 = arith.index_cast %parallel_loop3A_1031 : i32 to index
      %parallel_loop3A_1137 = arith.constant 112 : index
      %parallel_loop3A_1138 = tpu.vector_load %arg8[%parallel_loop3A_1136, %parallel_loop3A_1137] {strides = array<i32>} : memref<128x128xf32, #tpu.memory_space<vmem>>, vector<1x16xf32>,
      %parallel_loop3A_1139 = vector.shape_cast %parallel_loop3A_1138 : vector<1x16xf32> to vector<16xf32>
      %parallel_loop3A_1140 = arith.addf %parallel_loop3A_1024, %parallel_loop3A_1135 : vector<16xf32>
      %parallel_loop3A_1141 = vector.broadcast %parallel_loop3A_1033 : f32 to vector<16xf32>
      %parallel_loop3A_1142 = arith.mulf %parallel_loop3A_1139, %parallel_loop3A_1141 : vector<16xf32>
      %parallel_loop3A_1143 = math.exp %parallel_loop3A_1142 : vector<16xf32>
      %parallel_loop3A_1144 = arith.mulf %parallel_loop3A_1135, %parallel_loop3A_1143 : vector<16xf32>
      %parallel_loop3A_1145 = arith.addf %parallel_loop3A_1029, %parallel_loop3A_1144 : vector<16xf32>
      %parallel_loop3A_1146 = vector.extract_strided_slice %parallel_loop3A_98 {offsets = [9], sizes = [1], strides = [1]} : vector<16xi32> to vector<1xi32>
      %parallel_loop3A_1147 = vector.extract %parallel_loop3A_1146[0] : i32 from vector<1xi32>
      %parallel_loop3A_1148 = vector.extract_strided_slice %parallel_loop3A_101 {offsets = [9], sizes = [1], strides = [1]} : vector<16xf32> to vector<1xf32>
      %parallel_loop3A_1149 = vector.extract %parallel_loop3A_1148[0] : f32 from vector<1xf32>
      %parallel_loop3A_1150 = arith.index_cast %parallel_loop3A_1147 : i32 to index
      %parallel_loop3A_1151 = arith.constant 0 : index
      %parallel_loop3A_1152 = tpu.vector_load %arg7[%parallel_loop3A_1150, %parallel_loop3A_1151] {strides = array<i32>} : memref<128x128xf32, #tpu.memory_space<vmem>>, vector<1x16xf32>,
      %parallel_loop3A_1153 = vector.shape_cast %parallel_loop3A_1152 : vector<1x16xf32> to vector<16xf32>
      %parallel_loop3A_1154 = arith.index_cast %parallel_loop3A_1147 : i32 to index
      %parallel_loop3A_1155 = arith.constant 0 : index
      %parallel_loop3A_1156 = tpu.vector_load %arg8[%parallel_loop3A_1154, %parallel_loop3A_1155] {strides = array<i32>} : memref<128x128xf32, #tpu.memory_space<vmem>>, vector<1x16xf32>,
      %parallel_loop3A_1157 = vector.shape_cast %parallel_loop3A_1156 : vector<1x16xf32> to vector<16xf32>
      %parallel_loop3A_1158 = arith.addf %parallel_loop3A_1042, %parallel_loop3A_1153 : vector<16xf32>
      %parallel_loop3A_1159 = vector.broadcast %parallel_loop3A_1149 : f32 to vector<16xf32>
      %parallel_loop3A_1160 = arith.mulf %parallel_loop3A_1157, %parallel_loop3A_1159 : vector<16xf32>
      %parallel_loop3A_1161 = math.exp %parallel_loop3A_1160 : vector<16xf32>
      %parallel_loop3A_1162 = arith.mulf %parallel_loop3A_1153, %parallel_loop3A_1161 : vector<16xf32>
      %parallel_loop3A_1163 = arith.addf %parallel_loop3A_1047, %parallel_loop3A_1162 : vector<16xf32>
      %parallel_loop3A_1164 = arith.index_cast %parallel_loop3A_1147 : i32 to index
      %parallel_loop3A_1165 = arith.constant 16 : index
      %parallel_loop3A_1166 = tpu.vector_load %arg7[%parallel_loop3A_1164, %parallel_loop3A_1165] {strides = array<i32>} : memref<128x128xf32, #tpu.memory_space<vmem>>, vector<1x16xf32>,
      %parallel_loop3A_1167 = vector.shape_cast %parallel_loop3A_1166 : vector<1x16xf32> to vector<16xf32>
      %parallel_loop3A_1168 = arith.index_cast %parallel_loop3A_1147 : i32 to index
      %parallel_loop3A_1169 = arith.constant 16 : index
      %parallel_loop3A_1170 = tpu.vector_load %arg8[%parallel_loop3A_1168, %parallel_loop3A_1169] {strides = array<i32>} : memref<128x128xf32, #tpu.memory_space<vmem>>, vector<1x16xf32>,
      %parallel_loop3A_1171 = vector.shape_cast %parallel_loop3A_1170 : vector<1x16xf32> to vector<16xf32>
      %parallel_loop3A_1172 = arith.addf %parallel_loop3A_1056, %parallel_loop3A_1167 : vector<16xf32>
      %parallel_loop3A_1173 = vector.broadcast %parallel_loop3A_1149 : f32 to vector<16xf32>
      %parallel_loop3A_1174 = arith.mulf %parallel_loop3A_1171, %parallel_loop3A_1173 : vector<16xf32>
      %parallel_loop3A_1175 = math.exp %parallel_loop3A_1174 : vector<16xf32>
      %parallel_loop3A_1176 = arith.mulf %parallel_loop3A_1167, %parallel_loop3A_1175 : vector<16xf32>
      %parallel_loop3A_1177 = arith.addf %parallel_loop3A_1061, %parallel_loop3A_1176 : vector<16xf32>
      %parallel_loop3A_1178 = arith.index_cast %parallel_loop3A_1147 : i32 to index
      %parallel_loop3A_1179 = arith.constant 32 : index
      %parallel_loop3A_1180 = tpu.vector_load %arg7[%parallel_loop3A_1178, %parallel_loop3A_1179] {strides = array<i32>} : memref<128x128xf32, #tpu.memory_space<vmem>>, vector<1x16xf32>,
      %parallel_loop3A_1181 = vector.shape_cast %parallel_loop3A_1180 : vector<1x16xf32> to vector<16xf32>
      %parallel_loop3A_1182 = arith.index_cast %parallel_loop3A_1147 : i32 to index
      %parallel_loop3A_1183 = arith.constant 32 : index
      %parallel_loop3A_1184 = tpu.vector_load %arg8[%parallel_loop3A_1182, %parallel_loop3A_1183] {strides = array<i32>} : memref<128x128xf32, #tpu.memory_space<vmem>>, vector<1x16xf32>,
      %parallel_loop3A_1185 = vector.shape_cast %parallel_loop3A_1184 : vector<1x16xf32> to vector<16xf32>
      %parallel_loop3A_1186 = arith.addf %parallel_loop3A_1070, %parallel_loop3A_1181 : vector<16xf32>
      %parallel_loop3A_1187 = vector.broadcast %parallel_loop3A_1149 : f32 to vector<16xf32>
      %parallel_loop3A_1188 = arith.mulf %parallel_loop3A_1185, %parallel_loop3A_1187 : vector<16xf32>
      %parallel_loop3A_1189 = math.exp %parallel_loop3A_1188 : vector<16xf32>
      %parallel_loop3A_1190 = arith.mulf %parallel_loop3A_1181, %parallel_loop3A_1189 : vector<16xf32>
      %parallel_loop3A_1191 = arith.addf %parallel_loop3A_1075, %parallel_loop3A_1190 : vector<16xf32>
      %parallel_loop3A_1192 = arith.index_cast %parallel_loop3A_1147 : i32 to index
      %parallel_loop3A_1193 = arith.constant 48 : index
      %parallel_loop3A_1194 = tpu.vector_load %arg7[%parallel_loop3A_1192, %parallel_loop3A_1193] {strides = array<i32>} : memref<128x128xf32, #tpu.memory_space<vmem>>, vector<1x16xf32>,
      %parallel_loop3A_1195 = vector.shape_cast %parallel_loop3A_1194 : vector<1x16xf32> to vector<16xf32>
      %parallel_loop3A_1196 = arith.index_cast %parallel_loop3A_1147 : i32 to index
      %parallel_loop3A_1197 = arith.constant 48 : index
      %parallel_loop3A_1198 = tpu.vector_load %arg8[%parallel_loop3A_1196, %parallel_loop3A_1197] {strides = array<i32>} : memref<128x128xf32, #tpu.memory_space<vmem>>, vector<1x16xf32>,
      %parallel_loop3A_1199 = vector.shape_cast %parallel_loop3A_1198 : vector<1x16xf32> to vector<16xf32>
      %parallel_loop3A_1200 = arith.addf %parallel_loop3A_1084, %parallel_loop3A_1195 : vector<16xf32>
      %parallel_loop3A_1201 = vector.broadcast %parallel_loop3A_1149 : f32 to vector<16xf32>
      %parallel_loop3A_1202 = arith.mulf %parallel_loop3A_1199, %parallel_loop3A_1201 : vector<16xf32>
      %parallel_loop3A_1203 = math.exp %parallel_loop3A_1202 : vector<16xf32>
      %parallel_loop3A_1204 = arith.mulf %parallel_loop3A_1195, %parallel_loop3A_1203 : vector<16xf32>
      %parallel_loop3A_1205 = arith.addf %parallel_loop3A_1089, %parallel_loop3A_1204 : vector<16xf32>
      %parallel_loop3A_1206 = arith.index_cast %parallel_loop3A_1147 : i32 to index
      %parallel_loop3A_1207 = arith.constant 64 : index
      %parallel_loop3A_1208 = tpu.vector_load %arg7[%parallel_loop3A_1206, %parallel_loop3A_1207] {strides = array<i32>} : memref<128x128xf32, #tpu.memory_space<vmem>>, vector<1x16xf32>,
      %parallel_loop3A_1209 = vector.shape_cast %parallel_loop3A_1208 : vector<1x16xf32> to vector<16xf32>
      %parallel_loop3A_1210 = arith.index_cast %parallel_loop3A_1147 : i32 to index
      %parallel_loop3A_1211 = arith.constant 64 : index
      %parallel_loop3A_1212 = tpu.vector_load %arg8[%parallel_loop3A_1210, %parallel_loop3A_1211] {strides = array<i32>} : memref<128x128xf32, #tpu.memory_space<vmem>>, vector<1x16xf32>,
      %parallel_loop3A_1213 = vector.shape_cast %parallel_loop3A_1212 : vector<1x16xf32> to vector<16xf32>
      %parallel_loop3A_1214 = arith.addf %parallel_loop3A_1098, %parallel_loop3A_1209 : vector<16xf32>
      %parallel_loop3A_1215 = vector.broadcast %parallel_loop3A_1149 : f32 to vector<16xf32>
      %parallel_loop3A_1216 = arith.mulf %parallel_loop3A_1213, %parallel_loop3A_1215 : vector<16xf32>
      %parallel_loop3A_1217 = math.exp %parallel_loop3A_1216 : vector<16xf32>
      %parallel_loop3A_1218 = arith.mulf %parallel_loop3A_1209, %parallel_loop3A_1217 : vector<16xf32>
      %parallel_loop3A_1219 = arith.addf %parallel_loop3A_1103, %parallel_loop3A_1218 : vector<16xf32>
      %parallel_loop3A_1220 = arith.index_cast %parallel_loop3A_1147 : i32 to index
      %parallel_loop3A_1221 = arith.constant 80 : index
      %parallel_loop3A_1222 = tpu.vector_load %arg7[%parallel_loop3A_1220, %parallel_loop3A_1221] {strides = array<i32>} : memref<128x128xf32, #tpu.memory_space<vmem>>, vector<1x16xf32>,
      %parallel_loop3A_1223 = vector.shape_cast %parallel_loop3A_1222 : vector<1x16xf32> to vector<16xf32>
      %parallel_loop3A_1224 = arith.index_cast %parallel_loop3A_1147 : i32 to index
      %parallel_loop3A_1225 = arith.constant 80 : index
      %parallel_loop3A_1226 = tpu.vector_load %arg8[%parallel_loop3A_1224, %parallel_loop3A_1225] {strides = array<i32>} : memref<128x128xf32, #tpu.memory_space<vmem>>, vector<1x16xf32>,
      %parallel_loop3A_1227 = vector.shape_cast %parallel_loop3A_1226 : vector<1x16xf32> to vector<16xf32>
      %parallel_loop3A_1228 = arith.addf %parallel_loop3A_1112, %parallel_loop3A_1223 : vector<16xf32>
      %parallel_loop3A_1229 = vector.broadcast %parallel_loop3A_1149 : f32 to vector<16xf32>
      %parallel_loop3A_1230 = arith.mulf %parallel_loop3A_1227, %parallel_loop3A_1229 : vector<16xf32>
      %parallel_loop3A_1231 = math.exp %parallel_loop3A_1230 : vector<16xf32>
      %parallel_loop3A_1232 = arith.mulf %parallel_loop3A_1223, %parallel_loop3A_1231 : vector<16xf32>
      %parallel_loop3A_1233 = arith.addf %parallel_loop3A_1117, %parallel_loop3A_1232 : vector<16xf32>
      %parallel_loop3A_1234 = arith.index_cast %parallel_loop3A_1147 : i32 to index
      %parallel_loop3A_1235 = arith.constant 96 : index
      %parallel_loop3A_1236 = tpu.vector_load %arg7[%parallel_loop3A_1234, %parallel_loop3A_1235] {strides = array<i32>} : memref<128x128xf32, #tpu.memory_space<vmem>>, vector<1x16xf32>,
      %parallel_loop3A_1237 = vector.shape_cast %parallel_loop3A_1236 : vector<1x16xf32> to vector<16xf32>
      %parallel_loop3A_1238 = arith.index_cast %parallel_loop3A_1147 : i32 to index
      %parallel_loop3A_1239 = arith.constant 96 : index
      %parallel_loop3A_1240 = tpu.vector_load %arg8[%parallel_loop3A_1238, %parallel_loop3A_1239] {strides = array<i32>} : memref<128x128xf32, #tpu.memory_space<vmem>>, vector<1x16xf32>,
      %parallel_loop3A_1241 = vector.shape_cast %parallel_loop3A_1240 : vector<1x16xf32> to vector<16xf32>
      %parallel_loop3A_1242 = arith.addf %parallel_loop3A_1126, %parallel_loop3A_1237 : vector<16xf32>
      %parallel_loop3A_1243 = vector.broadcast %parallel_loop3A_1149 : f32 to vector<16xf32>
      %parallel_loop3A_1244 = arith.mulf %parallel_loop3A_1241, %parallel_loop3A_1243 : vector<16xf32>
      %parallel_loop3A_1245 = math.exp %parallel_loop3A_1244 : vector<16xf32>
      %parallel_loop3A_1246 = arith.mulf %parallel_loop3A_1237, %parallel_loop3A_1245 : vector<16xf32>
      %parallel_loop3A_1247 = arith.addf %parallel_loop3A_1131, %parallel_loop3A_1246 : vector<16xf32>
      %parallel_loop3A_1248 = arith.index_cast %parallel_loop3A_1147 : i32 to index
      %parallel_loop3A_1249 = arith.constant 112 : index
      %parallel_loop3A_1250 = tpu.vector_load %arg7[%parallel_loop3A_1248, %parallel_loop3A_1249] {strides = array<i32>} : memref<128x128xf32, #tpu.memory_space<vmem>>, vector<1x16xf32>,
      %parallel_loop3A_1251 = vector.shape_cast %parallel_loop3A_1250 : vector<1x16xf32> to vector<16xf32>
      %parallel_loop3A_1252 = arith.index_cast %parallel_loop3A_1147 : i32 to index
      %parallel_loop3A_1253 = arith.constant 112 : index
      %parallel_loop3A_1254 = tpu.vector_load %arg8[%parallel_loop3A_1252, %parallel_loop3A_1253] {strides = array<i32>} : memref<128x128xf32, #tpu.memory_space<vmem>>, vector<1x16xf32>,
      %parallel_loop3A_1255 = vector.shape_cast %parallel_loop3A_1254 : vector<1x16xf32> to vector<16xf32>
      %parallel_loop3A_1256 = arith.addf %parallel_loop3A_1140, %parallel_loop3A_1251 : vector<16xf32>
      %parallel_loop3A_1257 = vector.broadcast %parallel_loop3A_1149 : f32 to vector<16xf32>
      %parallel_loop3A_1258 = arith.mulf %parallel_loop3A_1255, %parallel_loop3A_1257 : vector<16xf32>
      %parallel_loop3A_1259 = math.exp %parallel_loop3A_1258 : vector<16xf32>
      %parallel_loop3A_1260 = arith.mulf %parallel_loop3A_1251, %parallel_loop3A_1259 : vector<16xf32>
      %parallel_loop3A_1261 = arith.addf %parallel_loop3A_1145, %parallel_loop3A_1260 : vector<16xf32>
      %parallel_loop3A_1262 = vector.extract_strided_slice %parallel_loop3A_98 {offsets = [10], sizes = [1], strides = [1]} : vector<16xi32> to vector<1xi32>
      %parallel_loop3A_1263 = vector.extract %parallel_loop3A_1262[0] : i32 from vector<1xi32>
      %parallel_loop3A_1264 = vector.extract_strided_slice %parallel_loop3A_101 {offsets = [10], sizes = [1], strides = [1]} : vector<16xf32> to vector<1xf32>
      %parallel_loop3A_1265 = vector.extract %parallel_loop3A_1264[0] : f32 from vector<1xf32>
      %parallel_loop3A_1266 = arith.index_cast %parallel_loop3A_1263 : i32 to index
      %parallel_loop3A_1267 = arith.constant 0 : index
      %parallel_loop3A_1268 = tpu.vector_load %arg7[%parallel_loop3A_1266, %parallel_loop3A_1267] {strides = array<i32>} : memref<128x128xf32, #tpu.memory_space<vmem>>, vector<1x16xf32>,
      %parallel_loop3A_1269 = vector.shape_cast %parallel_loop3A_1268 : vector<1x16xf32> to vector<16xf32>
      %parallel_loop3A_1270 = arith.index_cast %parallel_loop3A_1263 : i32 to index
      %parallel_loop3A_1271 = arith.constant 0 : index
      %parallel_loop3A_1272 = tpu.vector_load %arg8[%parallel_loop3A_1270, %parallel_loop3A_1271] {strides = array<i32>} : memref<128x128xf32, #tpu.memory_space<vmem>>, vector<1x16xf32>,
      %parallel_loop3A_1273 = vector.shape_cast %parallel_loop3A_1272 : vector<1x16xf32> to vector<16xf32>
      %parallel_loop3A_1274 = arith.addf %parallel_loop3A_1158, %parallel_loop3A_1269 : vector<16xf32>
      %parallel_loop3A_1275 = vector.broadcast %parallel_loop3A_1265 : f32 to vector<16xf32>
      %parallel_loop3A_1276 = arith.mulf %parallel_loop3A_1273, %parallel_loop3A_1275 : vector<16xf32>
      %parallel_loop3A_1277 = math.exp %parallel_loop3A_1276 : vector<16xf32>
      %parallel_loop3A_1278 = arith.mulf %parallel_loop3A_1269, %parallel_loop3A_1277 : vector<16xf32>
      %parallel_loop3A_1279 = arith.addf %parallel_loop3A_1163, %parallel_loop3A_1278 : vector<16xf32>
      %parallel_loop3A_1280 = arith.index_cast %parallel_loop3A_1263 : i32 to index
      %parallel_loop3A_1281 = arith.constant 16 : index
      %parallel_loop3A_1282 = tpu.vector_load %arg7[%parallel_loop3A_1280, %parallel_loop3A_1281] {strides = array<i32>} : memref<128x128xf32, #tpu.memory_space<vmem>>, vector<1x16xf32>,
      %parallel_loop3A_1283 = vector.shape_cast %parallel_loop3A_1282 : vector<1x16xf32> to vector<16xf32>
      %parallel_loop3A_1284 = arith.index_cast %parallel_loop3A_1263 : i32 to index
      %parallel_loop3A_1285 = arith.constant 16 : index
      %parallel_loop3A_1286 = tpu.vector_load %arg8[%parallel_loop3A_1284, %parallel_loop3A_1285] {strides = array<i32>} : memref<128x128xf32, #tpu.memory_space<vmem>>, vector<1x16xf32>,
      %parallel_loop3A_1287 = vector.shape_cast %parallel_loop3A_1286 : vector<1x16xf32> to vector<16xf32>
      %parallel_loop3A_1288 = arith.addf %parallel_loop3A_1172, %parallel_loop3A_1283 : vector<16xf32>
      %parallel_loop3A_1289 = vector.broadcast %parallel_loop3A_1265 : f32 to vector<16xf32>
      %parallel_loop3A_1290 = arith.mulf %parallel_loop3A_1287, %parallel_loop3A_1289 : vector<16xf32>
      %parallel_loop3A_1291 = math.exp %parallel_loop3A_1290 : vector<16xf32>
      %parallel_loop3A_1292 = arith.mulf %parallel_loop3A_1283, %parallel_loop3A_1291 : vector<16xf32>
      %parallel_loop3A_1293 = arith.addf %parallel_loop3A_1177, %parallel_loop3A_1292 : vector<16xf32>
      %parallel_loop3A_1294 = arith.index_cast %parallel_loop3A_1263 : i32 to index
      %parallel_loop3A_1295 = arith.constant 32 : index
      %parallel_loop3A_1296 = tpu.vector_load %arg7[%parallel_loop3A_1294, %parallel_loop3A_1295] {strides = array<i32>} : memref<128x128xf32, #tpu.memory_space<vmem>>, vector<1x16xf32>,
      %parallel_loop3A_1297 = vector.shape_cast %parallel_loop3A_1296 : vector<1x16xf32> to vector<16xf32>
      %parallel_loop3A_1298 = arith.index_cast %parallel_loop3A_1263 : i32 to index
      %parallel_loop3A_1299 = arith.constant 32 : index
      %parallel_loop3A_1300 = tpu.vector_load %arg8[%parallel_loop3A_1298, %parallel_loop3A_1299] {strides = array<i32>} : memref<128x128xf32, #tpu.memory_space<vmem>>, vector<1x16xf32>,
      %parallel_loop3A_1301 = vector.shape_cast %parallel_loop3A_1300 : vector<1x16xf32> to vector<16xf32>
      %parallel_loop3A_1302 = arith.addf %parallel_loop3A_1186, %parallel_loop3A_1297 : vector<16xf32>
      %parallel_loop3A_1303 = vector.broadcast %parallel_loop3A_1265 : f32 to vector<16xf32>
      %parallel_loop3A_1304 = arith.mulf %parallel_loop3A_1301, %parallel_loop3A_1303 : vector<16xf32>
      %parallel_loop3A_1305 = math.exp %parallel_loop3A_1304 : vector<16xf32>
      %parallel_loop3A_1306 = arith.mulf %parallel_loop3A_1297, %parallel_loop3A_1305 : vector<16xf32>
      %parallel_loop3A_1307 = arith.addf %parallel_loop3A_1191, %parallel_loop3A_1306 : vector<16xf32>
      %parallel_loop3A_1308 = arith.index_cast %parallel_loop3A_1263 : i32 to index
      %parallel_loop3A_1309 = arith.constant 48 : index
      %parallel_loop3A_1310 = tpu.vector_load %arg7[%parallel_loop3A_1308, %parallel_loop3A_1309] {strides = array<i32>} : memref<128x128xf32, #tpu.memory_space<vmem>>, vector<1x16xf32>,
      %parallel_loop3A_1311 = vector.shape_cast %parallel_loop3A_1310 : vector<1x16xf32> to vector<16xf32>
      %parallel_loop3A_1312 = arith.index_cast %parallel_loop3A_1263 : i32 to index
      %parallel_loop3A_1313 = arith.constant 48 : index
      %parallel_loop3A_1314 = tpu.vector_load %arg8[%parallel_loop3A_1312, %parallel_loop3A_1313] {strides = array<i32>} : memref<128x128xf32, #tpu.memory_space<vmem>>, vector<1x16xf32>,
      %parallel_loop3A_1315 = vector.shape_cast %parallel_loop3A_1314 : vector<1x16xf32> to vector<16xf32>
      %parallel_loop3A_1316 = arith.addf %parallel_loop3A_1200, %parallel_loop3A_1311 : vector<16xf32>
      %parallel_loop3A_1317 = vector.broadcast %parallel_loop3A_1265 : f32 to vector<16xf32>
      %parallel_loop3A_1318 = arith.mulf %parallel_loop3A_1315, %parallel_loop3A_1317 : vector<16xf32>
      %parallel_loop3A_1319 = math.exp %parallel_loop3A_1318 : vector<16xf32>
      %parallel_loop3A_1320 = arith.mulf %parallel_loop3A_1311, %parallel_loop3A_1319 : vector<16xf32>
      %parallel_loop3A_1321 = arith.addf %parallel_loop3A_1205, %parallel_loop3A_1320 : vector<16xf32>
      %parallel_loop3A_1322 = arith.index_cast %parallel_loop3A_1263 : i32 to index
      %parallel_loop3A_1323 = arith.constant 64 : index
      %parallel_loop3A_1324 = tpu.vector_load %arg7[%parallel_loop3A_1322, %parallel_loop3A_1323] {strides = array<i32>} : memref<128x128xf32, #tpu.memory_space<vmem>>, vector<1x16xf32>,
      %parallel_loop3A_1325 = vector.shape_cast %parallel_loop3A_1324 : vector<1x16xf32> to vector<16xf32>
      %parallel_loop3A_1326 = arith.index_cast %parallel_loop3A_1263 : i32 to index
      %parallel_loop3A_1327 = arith.constant 64 : index
      %parallel_loop3A_1328 = tpu.vector_load %arg8[%parallel_loop3A_1326, %parallel_loop3A_1327] {strides = array<i32>} : memref<128x128xf32, #tpu.memory_space<vmem>>, vector<1x16xf32>,
      %parallel_loop3A_1329 = vector.shape_cast %parallel_loop3A_1328 : vector<1x16xf32> to vector<16xf32>
      %parallel_loop3A_1330 = arith.addf %parallel_loop3A_1214, %parallel_loop3A_1325 : vector<16xf32>
      %parallel_loop3A_1331 = vector.broadcast %parallel_loop3A_1265 : f32 to vector<16xf32>
      %parallel_loop3A_1332 = arith.mulf %parallel_loop3A_1329, %parallel_loop3A_1331 : vector<16xf32>
      %parallel_loop3A_1333 = math.exp %parallel_loop3A_1332 : vector<16xf32>
      %parallel_loop3A_1334 = arith.mulf %parallel_loop3A_1325, %parallel_loop3A_1333 : vector<16xf32>
      %parallel_loop3A_1335 = arith.addf %parallel_loop3A_1219, %parallel_loop3A_1334 : vector<16xf32>
      %parallel_loop3A_1336 = arith.index_cast %parallel_loop3A_1263 : i32 to index
      %parallel_loop3A_1337 = arith.constant 80 : index
      %parallel_loop3A_1338 = tpu.vector_load %arg7[%parallel_loop3A_1336, %parallel_loop3A_1337] {strides = array<i32>} : memref<128x128xf32, #tpu.memory_space<vmem>>, vector<1x16xf32>,
      %parallel_loop3A_1339 = vector.shape_cast %parallel_loop3A_1338 : vector<1x16xf32> to vector<16xf32>
      %parallel_loop3A_1340 = arith.index_cast %parallel_loop3A_1263 : i32 to index
      %parallel_loop3A_1341 = arith.constant 80 : index
      %parallel_loop3A_1342 = tpu.vector_load %arg8[%parallel_loop3A_1340, %parallel_loop3A_1341] {strides = array<i32>} : memref<128x128xf32, #tpu.memory_space<vmem>>, vector<1x16xf32>,
      %parallel_loop3A_1343 = vector.shape_cast %parallel_loop3A_1342 : vector<1x16xf32> to vector<16xf32>
      %parallel_loop3A_1344 = arith.addf %parallel_loop3A_1228, %parallel_loop3A_1339 : vector<16xf32>
      %parallel_loop3A_1345 = vector.broadcast %parallel_loop3A_1265 : f32 to vector<16xf32>
      %parallel_loop3A_1346 = arith.mulf %parallel_loop3A_1343, %parallel_loop3A_1345 : vector<16xf32>
      %parallel_loop3A_1347 = math.exp %parallel_loop3A_1346 : vector<16xf32>
      %parallel_loop3A_1348 = arith.mulf %parallel_loop3A_1339, %parallel_loop3A_1347 : vector<16xf32>
      %parallel_loop3A_1349 = arith.addf %parallel_loop3A_1233, %parallel_loop3A_1348 : vector<16xf32>
      %parallel_loop3A_1350 = arith.index_cast %parallel_loop3A_1263 : i32 to index
      %parallel_loop3A_1351 = arith.constant 96 : index
      %parallel_loop3A_1352 = tpu.vector_load %arg7[%parallel_loop3A_1350, %parallel_loop3A_1351] {strides = array<i32>} : memref<128x128xf32, #tpu.memory_space<vmem>>, vector<1x16xf32>,
      %parallel_loop3A_1353 = vector.shape_cast %parallel_loop3A_1352 : vector<1x16xf32> to vector<16xf32>
      %parallel_loop3A_1354 = arith.index_cast %parallel_loop3A_1263 : i32 to index
      %parallel_loop3A_1355 = arith.constant 96 : index
      %parallel_loop3A_1356 = tpu.vector_load %arg8[%parallel_loop3A_1354, %parallel_loop3A_1355] {strides = array<i32>} : memref<128x128xf32, #tpu.memory_space<vmem>>, vector<1x16xf32>,
      %parallel_loop3A_1357 = vector.shape_cast %parallel_loop3A_1356 : vector<1x16xf32> to vector<16xf32>
      %parallel_loop3A_1358 = arith.addf %parallel_loop3A_1242, %parallel_loop3A_1353 : vector<16xf32>
      %parallel_loop3A_1359 = vector.broadcast %parallel_loop3A_1265 : f32 to vector<16xf32>
      %parallel_loop3A_1360 = arith.mulf %parallel_loop3A_1357, %parallel_loop3A_1359 : vector<16xf32>
      %parallel_loop3A_1361 = math.exp %parallel_loop3A_1360 : vector<16xf32>
      %parallel_loop3A_1362 = arith.mulf %parallel_loop3A_1353, %parallel_loop3A_1361 : vector<16xf32>
      %parallel_loop3A_1363 = arith.addf %parallel_loop3A_1247, %parallel_loop3A_1362 : vector<16xf32>
      %parallel_loop3A_1364 = arith.index_cast %parallel_loop3A_1263 : i32 to index
      %parallel_loop3A_1365 = arith.constant 112 : index
      %parallel_loop3A_1366 = tpu.vector_load %arg7[%parallel_loop3A_1364, %parallel_loop3A_1365] {strides = array<i32>} : memref<128x128xf32, #tpu.memory_space<vmem>>, vector<1x16xf32>,
      %parallel_loop3A_1367 = vector.shape_cast %parallel_loop3A_1366 : vector<1x16xf32> to vector<16xf32>
      %parallel_loop3A_1368 = arith.index_cast %parallel_loop3A_1263 : i32 to index
      %parallel_loop3A_1369 = arith.constant 112 : index
      %parallel_loop3A_1370 = tpu.vector_load %arg8[%parallel_loop3A_1368, %parallel_loop3A_1369] {strides = array<i32>} : memref<128x128xf32, #tpu.memory_space<vmem>>, vector<1x16xf32>,
      %parallel_loop3A_1371 = vector.shape_cast %parallel_loop3A_1370 : vector<1x16xf32> to vector<16xf32>
      %parallel_loop3A_1372 = arith.addf %parallel_loop3A_1256, %parallel_loop3A_1367 : vector<16xf32>
      %parallel_loop3A_1373 = vector.broadcast %parallel_loop3A_1265 : f32 to vector<16xf32>
      %parallel_loop3A_1374 = arith.mulf %parallel_loop3A_1371, %parallel_loop3A_1373 : vector<16xf32>
      %parallel_loop3A_1375 = math.exp %parallel_loop3A_1374 : vector<16xf32>
      %parallel_loop3A_1376 = arith.mulf %parallel_loop3A_1367, %parallel_loop3A_1375 : vector<16xf32>
      %parallel_loop3A_1377 = arith.addf %parallel_loop3A_1261, %parallel_loop3A_1376 : vector<16xf32>
      %parallel_loop3A_1378 = vector.extract_strided_slice %parallel_loop3A_98 {offsets = [11], sizes = [1], strides = [1]} : vector<16xi32> to vector<1xi32>
      %parallel_loop3A_1379 = vector.extract %parallel_loop3A_1378[0] : i32 from vector<1xi32>
      %parallel_loop3A_1380 = vector.extract_strided_slice %parallel_loop3A_101 {offsets = [11], sizes = [1], strides = [1]} : vector<16xf32> to vector<1xf32>
      %parallel_loop3A_1381 = vector.extract %parallel_loop3A_1380[0] : f32 from vector<1xf32>
      %parallel_loop3A_1382 = arith.index_cast %parallel_loop3A_1379 : i32 to index
      %parallel_loop3A_1383 = arith.constant 0 : index
      %parallel_loop3A_1384 = tpu.vector_load %arg7[%parallel_loop3A_1382, %parallel_loop3A_1383] {strides = array<i32>} : memref<128x128xf32, #tpu.memory_space<vmem>>, vector<1x16xf32>,
      %parallel_loop3A_1385 = vector.shape_cast %parallel_loop3A_1384 : vector<1x16xf32> to vector<16xf32>
      %parallel_loop3A_1386 = arith.index_cast %parallel_loop3A_1379 : i32 to index
      %parallel_loop3A_1387 = arith.constant 0 : index
      %parallel_loop3A_1388 = tpu.vector_load %arg8[%parallel_loop3A_1386, %parallel_loop3A_1387] {strides = array<i32>} : memref<128x128xf32, #tpu.memory_space<vmem>>, vector<1x16xf32>,
      %parallel_loop3A_1389 = vector.shape_cast %parallel_loop3A_1388 : vector<1x16xf32> to vector<16xf32>
      %parallel_loop3A_1390 = arith.addf %parallel_loop3A_1274, %parallel_loop3A_1385 : vector<16xf32>
      %parallel_loop3A_1391 = vector.broadcast %parallel_loop3A_1381 : f32 to vector<16xf32>
      %parallel_loop3A_1392 = arith.mulf %parallel_loop3A_1389, %parallel_loop3A_1391 : vector<16xf32>
      %parallel_loop3A_1393 = math.exp %parallel_loop3A_1392 : vector<16xf32>
      %parallel_loop3A_1394 = arith.mulf %parallel_loop3A_1385, %parallel_loop3A_1393 : vector<16xf32>
      %parallel_loop3A_1395 = arith.addf %parallel_loop3A_1279, %parallel_loop3A_1394 : vector<16xf32>
      %parallel_loop3A_1396 = arith.index_cast %parallel_loop3A_1379 : i32 to index
      %parallel_loop3A_1397 = arith.constant 16 : index
      %parallel_loop3A_1398 = tpu.vector_load %arg7[%parallel_loop3A_1396, %parallel_loop3A_1397] {strides = array<i32>} : memref<128x128xf32, #tpu.memory_space<vmem>>, vector<1x16xf32>,
      %parallel_loop3A_1399 = vector.shape_cast %parallel_loop3A_1398 : vector<1x16xf32> to vector<16xf32>
      %parallel_loop3A_1400 = arith.index_cast %parallel_loop3A_1379 : i32 to index
      %parallel_loop3A_1401 = arith.constant 16 : index
      %parallel_loop3A_1402 = tpu.vector_load %arg8[%parallel_loop3A_1400, %parallel_loop3A_1401] {strides = array<i32>} : memref<128x128xf32, #tpu.memory_space<vmem>>, vector<1x16xf32>,
      %parallel_loop3A_1403 = vector.shape_cast %parallel_loop3A_1402 : vector<1x16xf32> to vector<16xf32>
      %parallel_loop3A_1404 = arith.addf %parallel_loop3A_1288, %parallel_loop3A_1399 : vector<16xf32>
      %parallel_loop3A_1405 = vector.broadcast %parallel_loop3A_1381 : f32 to vector<16xf32>
      %parallel_loop3A_1406 = arith.mulf %parallel_loop3A_1403, %parallel_loop3A_1405 : vector<16xf32>
      %parallel_loop3A_1407 = math.exp %parallel_loop3A_1406 : vector<16xf32>
      %parallel_loop3A_1408 = arith.mulf %parallel_loop3A_1399, %parallel_loop3A_1407 : vector<16xf32>
      %parallel_loop3A_1409 = arith.addf %parallel_loop3A_1293, %parallel_loop3A_1408 : vector<16xf32>
      %parallel_loop3A_1410 = arith.index_cast %parallel_loop3A_1379 : i32 to index
      %parallel_loop3A_1411 = arith.constant 32 : index
      %parallel_loop3A_1412 = tpu.vector_load %arg7[%parallel_loop3A_1410, %parallel_loop3A_1411] {strides = array<i32>} : memref<128x128xf32, #tpu.memory_space<vmem>>, vector<1x16xf32>,
      %parallel_loop3A_1413 = vector.shape_cast %parallel_loop3A_1412 : vector<1x16xf32> to vector<16xf32>
      %parallel_loop3A_1414 = arith.index_cast %parallel_loop3A_1379 : i32 to index
      %parallel_loop3A_1415 = arith.constant 32 : index
      %parallel_loop3A_1416 = tpu.vector_load %arg8[%parallel_loop3A_1414, %parallel_loop3A_1415] {strides = array<i32>} : memref<128x128xf32, #tpu.memory_space<vmem>>, vector<1x16xf32>,
      %parallel_loop3A_1417 = vector.shape_cast %parallel_loop3A_1416 : vector<1x16xf32> to vector<16xf32>
      %parallel_loop3A_1418 = arith.addf %parallel_loop3A_1302, %parallel_loop3A_1413 : vector<16xf32>
      %parallel_loop3A_1419 = vector.broadcast %parallel_loop3A_1381 : f32 to vector<16xf32>
      %parallel_loop3A_1420 = arith.mulf %parallel_loop3A_1417, %parallel_loop3A_1419 : vector<16xf32>
      %parallel_loop3A_1421 = math.exp %parallel_loop3A_1420 : vector<16xf32>
      %parallel_loop3A_1422 = arith.mulf %parallel_loop3A_1413, %parallel_loop3A_1421 : vector<16xf32>
      %parallel_loop3A_1423 = arith.addf %parallel_loop3A_1307, %parallel_loop3A_1422 : vector<16xf32>
      %parallel_loop3A_1424 = arith.index_cast %parallel_loop3A_1379 : i32 to index
      %parallel_loop3A_1425 = arith.constant 48 : index
      %parallel_loop3A_1426 = tpu.vector_load %arg7[%parallel_loop3A_1424, %parallel_loop3A_1425] {strides = array<i32>} : memref<128x128xf32, #tpu.memory_space<vmem>>, vector<1x16xf32>,
      %parallel_loop3A_1427 = vector.shape_cast %parallel_loop3A_1426 : vector<1x16xf32> to vector<16xf32>
      %parallel_loop3A_1428 = arith.index_cast %parallel_loop3A_1379 : i32 to index
      %parallel_loop3A_1429 = arith.constant 48 : index
      %parallel_loop3A_1430 = tpu.vector_load %arg8[%parallel_loop3A_1428, %parallel_loop3A_1429] {strides = array<i32>} : memref<128x128xf32, #tpu.memory_space<vmem>>, vector<1x16xf32>,
      %parallel_loop3A_1431 = vector.shape_cast %parallel_loop3A_1430 : vector<1x16xf32> to vector<16xf32>
      %parallel_loop3A_1432 = arith.addf %parallel_loop3A_1316, %parallel_loop3A_1427 : vector<16xf32>
      %parallel_loop3A_1433 = vector.broadcast %parallel_loop3A_1381 : f32 to vector<16xf32>
      %parallel_loop3A_1434 = arith.mulf %parallel_loop3A_1431, %parallel_loop3A_1433 : vector<16xf32>
      %parallel_loop3A_1435 = math.exp %parallel_loop3A_1434 : vector<16xf32>
      %parallel_loop3A_1436 = arith.mulf %parallel_loop3A_1427, %parallel_loop3A_1435 : vector<16xf32>
      %parallel_loop3A_1437 = arith.addf %parallel_loop3A_1321, %parallel_loop3A_1436 : vector<16xf32>
      %parallel_loop3A_1438 = arith.index_cast %parallel_loop3A_1379 : i32 to index
      %parallel_loop3A_1439 = arith.constant 64 : index
      %parallel_loop3A_1440 = tpu.vector_load %arg7[%parallel_loop3A_1438, %parallel_loop3A_1439] {strides = array<i32>} : memref<128x128xf32, #tpu.memory_space<vmem>>, vector<1x16xf32>,
      %parallel_loop3A_1441 = vector.shape_cast %parallel_loop3A_1440 : vector<1x16xf32> to vector<16xf32>
      %parallel_loop3A_1442 = arith.index_cast %parallel_loop3A_1379 : i32 to index
      %parallel_loop3A_1443 = arith.constant 64 : index
      %parallel_loop3A_1444 = tpu.vector_load %arg8[%parallel_loop3A_1442, %parallel_loop3A_1443] {strides = array<i32>} : memref<128x128xf32, #tpu.memory_space<vmem>>, vector<1x16xf32>,
      %parallel_loop3A_1445 = vector.shape_cast %parallel_loop3A_1444 : vector<1x16xf32> to vector<16xf32>
      %parallel_loop3A_1446 = arith.addf %parallel_loop3A_1330, %parallel_loop3A_1441 : vector<16xf32>
      %parallel_loop3A_1447 = vector.broadcast %parallel_loop3A_1381 : f32 to vector<16xf32>
      %parallel_loop3A_1448 = arith.mulf %parallel_loop3A_1445, %parallel_loop3A_1447 : vector<16xf32>
      %parallel_loop3A_1449 = math.exp %parallel_loop3A_1448 : vector<16xf32>
      %parallel_loop3A_1450 = arith.mulf %parallel_loop3A_1441, %parallel_loop3A_1449 : vector<16xf32>
      %parallel_loop3A_1451 = arith.addf %parallel_loop3A_1335, %parallel_loop3A_1450 : vector<16xf32>
      %parallel_loop3A_1452 = arith.index_cast %parallel_loop3A_1379 : i32 to index
      %parallel_loop3A_1453 = arith.constant 80 : index
      %parallel_loop3A_1454 = tpu.vector_load %arg7[%parallel_loop3A_1452, %parallel_loop3A_1453] {strides = array<i32>} : memref<128x128xf32, #tpu.memory_space<vmem>>, vector<1x16xf32>,
      %parallel_loop3A_1455 = vector.shape_cast %parallel_loop3A_1454 : vector<1x16xf32> to vector<16xf32>
      %parallel_loop3A_1456 = arith.index_cast %parallel_loop3A_1379 : i32 to index
      %parallel_loop3A_1457 = arith.constant 80 : index
      %parallel_loop3A_1458 = tpu.vector_load %arg8[%parallel_loop3A_1456, %parallel_loop3A_1457] {strides = array<i32>} : memref<128x128xf32, #tpu.memory_space<vmem>>, vector<1x16xf32>,
      %parallel_loop3A_1459 = vector.shape_cast %parallel_loop3A_1458 : vector<1x16xf32> to vector<16xf32>
      %parallel_loop3A_1460 = arith.addf %parallel_loop3A_1344, %parallel_loop3A_1455 : vector<16xf32>
      %parallel_loop3A_1461 = vector.broadcast %parallel_loop3A_1381 : f32 to vector<16xf32>
      %parallel_loop3A_1462 = arith.mulf %parallel_loop3A_1459, %parallel_loop3A_1461 : vector<16xf32>
      %parallel_loop3A_1463 = math.exp %parallel_loop3A_1462 : vector<16xf32>
      %parallel_loop3A_1464 = arith.mulf %parallel_loop3A_1455, %parallel_loop3A_1463 : vector<16xf32>
      %parallel_loop3A_1465 = arith.addf %parallel_loop3A_1349, %parallel_loop3A_1464 : vector<16xf32>
      %parallel_loop3A_1466 = arith.index_cast %parallel_loop3A_1379 : i32 to index
      %parallel_loop3A_1467 = arith.constant 96 : index
      %parallel_loop3A_1468 = tpu.vector_load %arg7[%parallel_loop3A_1466, %parallel_loop3A_1467] {strides = array<i32>} : memref<128x128xf32, #tpu.memory_space<vmem>>, vector<1x16xf32>,
      %parallel_loop3A_1469 = vector.shape_cast %parallel_loop3A_1468 : vector<1x16xf32> to vector<16xf32>
      %parallel_loop3A_1470 = arith.index_cast %parallel_loop3A_1379 : i32 to index
      %parallel_loop3A_1471 = arith.constant 96 : index
      %parallel_loop3A_1472 = tpu.vector_load %arg8[%parallel_loop3A_1470, %parallel_loop3A_1471] {strides = array<i32>} : memref<128x128xf32, #tpu.memory_space<vmem>>, vector<1x16xf32>,
      %parallel_loop3A_1473 = vector.shape_cast %parallel_loop3A_1472 : vector<1x16xf32> to vector<16xf32>
      %parallel_loop3A_1474 = arith.addf %parallel_loop3A_1358, %parallel_loop3A_1469 : vector<16xf32>
      %parallel_loop3A_1475 = vector.broadcast %parallel_loop3A_1381 : f32 to vector<16xf32>
      %parallel_loop3A_1476 = arith.mulf %parallel_loop3A_1473, %parallel_loop3A_1475 : vector<16xf32>
      %parallel_loop3A_1477 = math.exp %parallel_loop3A_1476 : vector<16xf32>
      %parallel_loop3A_1478 = arith.mulf %parallel_loop3A_1469, %parallel_loop3A_1477 : vector<16xf32>
      %parallel_loop3A_1479 = arith.addf %parallel_loop3A_1363, %parallel_loop3A_1478 : vector<16xf32>
      %parallel_loop3A_1480 = arith.index_cast %parallel_loop3A_1379 : i32 to index
      %parallel_loop3A_1481 = arith.constant 112 : index
      %parallel_loop3A_1482 = tpu.vector_load %arg7[%parallel_loop3A_1480, %parallel_loop3A_1481] {strides = array<i32>} : memref<128x128xf32, #tpu.memory_space<vmem>>, vector<1x16xf32>,
      %parallel_loop3A_1483 = vector.shape_cast %parallel_loop3A_1482 : vector<1x16xf32> to vector<16xf32>
      %parallel_loop3A_1484 = arith.index_cast %parallel_loop3A_1379 : i32 to index
      %parallel_loop3A_1485 = arith.constant 112 : index
      %parallel_loop3A_1486 = tpu.vector_load %arg8[%parallel_loop3A_1484, %parallel_loop3A_1485] {strides = array<i32>} : memref<128x128xf32, #tpu.memory_space<vmem>>, vector<1x16xf32>,
      %parallel_loop3A_1487 = vector.shape_cast %parallel_loop3A_1486 : vector<1x16xf32> to vector<16xf32>
      %parallel_loop3A_1488 = arith.addf %parallel_loop3A_1372, %parallel_loop3A_1483 : vector<16xf32>
      %parallel_loop3A_1489 = vector.broadcast %parallel_loop3A_1381 : f32 to vector<16xf32>
      %parallel_loop3A_1490 = arith.mulf %parallel_loop3A_1487, %parallel_loop3A_1489 : vector<16xf32>
      %parallel_loop3A_1491 = math.exp %parallel_loop3A_1490 : vector<16xf32>
      %parallel_loop3A_1492 = arith.mulf %parallel_loop3A_1483, %parallel_loop3A_1491 : vector<16xf32>
      %parallel_loop3A_1493 = arith.addf %parallel_loop3A_1377, %parallel_loop3A_1492 : vector<16xf32>
      %parallel_loop3A_1494 = vector.extract_strided_slice %parallel_loop3A_98 {offsets = [12], sizes = [1], strides = [1]} : vector<16xi32> to vector<1xi32>
      %parallel_loop3A_1495 = vector.extract %parallel_loop3A_1494[0] : i32 from vector<1xi32>
      %parallel_loop3A_1496 = vector.extract_strided_slice %parallel_loop3A_101 {offsets = [12], sizes = [1], strides = [1]} : vector<16xf32> to vector<1xf32>
      %parallel_loop3A_1497 = vector.extract %parallel_loop3A_1496[0] : f32 from vector<1xf32>
      %parallel_loop3A_1498 = arith.index_cast %parallel_loop3A_1495 : i32 to index
      %parallel_loop3A_1499 = arith.constant 0 : index
      %parallel_loop3A_1500 = tpu.vector_load %arg7[%parallel_loop3A_1498, %parallel_loop3A_1499] {strides = array<i32>} : memref<128x128xf32, #tpu.memory_space<vmem>>, vector<1x16xf32>,
      %parallel_loop3A_1501 = vector.shape_cast %parallel_loop3A_1500 : vector<1x16xf32> to vector<16xf32>
      %parallel_loop3A_1502 = arith.index_cast %parallel_loop3A_1495 : i32 to index
      %parallel_loop3A_1503 = arith.constant 0 : index
      %parallel_loop3A_1504 = tpu.vector_load %arg8[%parallel_loop3A_1502, %parallel_loop3A_1503] {strides = array<i32>} : memref<128x128xf32, #tpu.memory_space<vmem>>, vector<1x16xf32>,
      %parallel_loop3A_1505 = vector.shape_cast %parallel_loop3A_1504 : vector<1x16xf32> to vector<16xf32>
      %parallel_loop3A_1506 = arith.addf %parallel_loop3A_1390, %parallel_loop3A_1501 : vector<16xf32>
      %parallel_loop3A_1507 = vector.broadcast %parallel_loop3A_1497 : f32 to vector<16xf32>
      %parallel_loop3A_1508 = arith.mulf %parallel_loop3A_1505, %parallel_loop3A_1507 : vector<16xf32>
      %parallel_loop3A_1509 = math.exp %parallel_loop3A_1508 : vector<16xf32>
      %parallel_loop3A_1510 = arith.mulf %parallel_loop3A_1501, %parallel_loop3A_1509 : vector<16xf32>
      %parallel_loop3A_1511 = arith.addf %parallel_loop3A_1395, %parallel_loop3A_1510 : vector<16xf32>
      %parallel_loop3A_1512 = arith.index_cast %parallel_loop3A_1495 : i32 to index
      %parallel_loop3A_1513 = arith.constant 16 : index
      %parallel_loop3A_1514 = tpu.vector_load %arg7[%parallel_loop3A_1512, %parallel_loop3A_1513] {strides = array<i32>} : memref<128x128xf32, #tpu.memory_space<vmem>>, vector<1x16xf32>,
      %parallel_loop3A_1515 = vector.shape_cast %parallel_loop3A_1514 : vector<1x16xf32> to vector<16xf32>
      %parallel_loop3A_1516 = arith.index_cast %parallel_loop3A_1495 : i32 to index
      %parallel_loop3A_1517 = arith.constant 16 : index
      %parallel_loop3A_1518 = tpu.vector_load %arg8[%parallel_loop3A_1516, %parallel_loop3A_1517] {strides = array<i32>} : memref<128x128xf32, #tpu.memory_space<vmem>>, vector<1x16xf32>,
      %parallel_loop3A_1519 = vector.shape_cast %parallel_loop3A_1518 : vector<1x16xf32> to vector<16xf32>
      %parallel_loop3A_1520 = arith.addf %parallel_loop3A_1404, %parallel_loop3A_1515 : vector<16xf32>
      %parallel_loop3A_1521 = vector.broadcast %parallel_loop3A_1497 : f32 to vector<16xf32>
      %parallel_loop3A_1522 = arith.mulf %parallel_loop3A_1519, %parallel_loop3A_1521 : vector<16xf32>
      %parallel_loop3A_1523 = math.exp %parallel_loop3A_1522 : vector<16xf32>
      %parallel_loop3A_1524 = arith.mulf %parallel_loop3A_1515, %parallel_loop3A_1523 : vector<16xf32>
      %parallel_loop3A_1525 = arith.addf %parallel_loop3A_1409, %parallel_loop3A_1524 : vector<16xf32>
      %parallel_loop3A_1526 = arith.index_cast %parallel_loop3A_1495 : i32 to index
      %parallel_loop3A_1527 = arith.constant 32 : index
      %parallel_loop3A_1528 = tpu.vector_load %arg7[%parallel_loop3A_1526, %parallel_loop3A_1527] {strides = array<i32>} : memref<128x128xf32, #tpu.memory_space<vmem>>, vector<1x16xf32>,
      %parallel_loop3A_1529 = vector.shape_cast %parallel_loop3A_1528 : vector<1x16xf32> to vector<16xf32>
      %parallel_loop3A_1530 = arith.index_cast %parallel_loop3A_1495 : i32 to index
      %parallel_loop3A_1531 = arith.constant 32 : index
      %parallel_loop3A_1532 = tpu.vector_load %arg8[%parallel_loop3A_1530, %parallel_loop3A_1531] {strides = array<i32>} : memref<128x128xf32, #tpu.memory_space<vmem>>, vector<1x16xf32>,
      %parallel_loop3A_1533 = vector.shape_cast %parallel_loop3A_1532 : vector<1x16xf32> to vector<16xf32>
      %parallel_loop3A_1534 = arith.addf %parallel_loop3A_1418, %parallel_loop3A_1529 : vector<16xf32>
      %parallel_loop3A_1535 = vector.broadcast %parallel_loop3A_1497 : f32 to vector<16xf32>
      %parallel_loop3A_1536 = arith.mulf %parallel_loop3A_1533, %parallel_loop3A_1535 : vector<16xf32>
      %parallel_loop3A_1537 = math.exp %parallel_loop3A_1536 : vector<16xf32>
      %parallel_loop3A_1538 = arith.mulf %parallel_loop3A_1529, %parallel_loop3A_1537 : vector<16xf32>
      %parallel_loop3A_1539 = arith.addf %parallel_loop3A_1423, %parallel_loop3A_1538 : vector<16xf32>
      %parallel_loop3A_1540 = arith.index_cast %parallel_loop3A_1495 : i32 to index
      %parallel_loop3A_1541 = arith.constant 48 : index
      %parallel_loop3A_1542 = tpu.vector_load %arg7[%parallel_loop3A_1540, %parallel_loop3A_1541] {strides = array<i32>} : memref<128x128xf32, #tpu.memory_space<vmem>>, vector<1x16xf32>,
      %parallel_loop3A_1543 = vector.shape_cast %parallel_loop3A_1542 : vector<1x16xf32> to vector<16xf32>
      %parallel_loop3A_1544 = arith.index_cast %parallel_loop3A_1495 : i32 to index
      %parallel_loop3A_1545 = arith.constant 48 : index
      %parallel_loop3A_1546 = tpu.vector_load %arg8[%parallel_loop3A_1544, %parallel_loop3A_1545] {strides = array<i32>} : memref<128x128xf32, #tpu.memory_space<vmem>>, vector<1x16xf32>,
      %parallel_loop3A_1547 = vector.shape_cast %parallel_loop3A_1546 : vector<1x16xf32> to vector<16xf32>
      %parallel_loop3A_1548 = arith.addf %parallel_loop3A_1432, %parallel_loop3A_1543 : vector<16xf32>
      %parallel_loop3A_1549 = vector.broadcast %parallel_loop3A_1497 : f32 to vector<16xf32>
      %parallel_loop3A_1550 = arith.mulf %parallel_loop3A_1547, %parallel_loop3A_1549 : vector<16xf32>
      %parallel_loop3A_1551 = math.exp %parallel_loop3A_1550 : vector<16xf32>
      %parallel_loop3A_1552 = arith.mulf %parallel_loop3A_1543, %parallel_loop3A_1551 : vector<16xf32>
      %parallel_loop3A_1553 = arith.addf %parallel_loop3A_1437, %parallel_loop3A_1552 : vector<16xf32>
      %parallel_loop3A_1554 = arith.index_cast %parallel_loop3A_1495 : i32 to index
      %parallel_loop3A_1555 = arith.constant 64 : index
      %parallel_loop3A_1556 = tpu.vector_load %arg7[%parallel_loop3A_1554, %parallel_loop3A_1555] {strides = array<i32>} : memref<128x128xf32, #tpu.memory_space<vmem>>, vector<1x16xf32>,
      %parallel_loop3A_1557 = vector.shape_cast %parallel_loop3A_1556 : vector<1x16xf32> to vector<16xf32>
      %parallel_loop3A_1558 = arith.index_cast %parallel_loop3A_1495 : i32 to index
      %parallel_loop3A_1559 = arith.constant 64 : index
      %parallel_loop3A_1560 = tpu.vector_load %arg8[%parallel_loop3A_1558, %parallel_loop3A_1559] {strides = array<i32>} : memref<128x128xf32, #tpu.memory_space<vmem>>, vector<1x16xf32>,
      %parallel_loop3A_1561 = vector.shape_cast %parallel_loop3A_1560 : vector<1x16xf32> to vector<16xf32>
      %parallel_loop3A_1562 = arith.addf %parallel_loop3A_1446, %parallel_loop3A_1557 : vector<16xf32>
      %parallel_loop3A_1563 = vector.broadcast %parallel_loop3A_1497 : f32 to vector<16xf32>
      %parallel_loop3A_1564 = arith.mulf %parallel_loop3A_1561, %parallel_loop3A_1563 : vector<16xf32>
      %parallel_loop3A_1565 = math.exp %parallel_loop3A_1564 : vector<16xf32>
      %parallel_loop3A_1566 = arith.mulf %parallel_loop3A_1557, %parallel_loop3A_1565 : vector<16xf32>
      %parallel_loop3A_1567 = arith.addf %parallel_loop3A_1451, %parallel_loop3A_1566 : vector<16xf32>
      %parallel_loop3A_1568 = arith.index_cast %parallel_loop3A_1495 : i32 to index
      %parallel_loop3A_1569 = arith.constant 80 : index
      %parallel_loop3A_1570 = tpu.vector_load %arg7[%parallel_loop3A_1568, %parallel_loop3A_1569] {strides = array<i32>} : memref<128x128xf32, #tpu.memory_space<vmem>>, vector<1x16xf32>,
      %parallel_loop3A_1571 = vector.shape_cast %parallel_loop3A_1570 : vector<1x16xf32> to vector<16xf32>
      %parallel_loop3A_1572 = arith.index_cast %parallel_loop3A_1495 : i32 to index
      %parallel_loop3A_1573 = arith.constant 80 : index
      %parallel_loop3A_1574 = tpu.vector_load %arg8[%parallel_loop3A_1572, %parallel_loop3A_1573] {strides = array<i32>} : memref<128x128xf32, #tpu.memory_space<vmem>>, vector<1x16xf32>,
      %parallel_loop3A_1575 = vector.shape_cast %parallel_loop3A_1574 : vector<1x16xf32> to vector<16xf32>
      %parallel_loop3A_1576 = arith.addf %parallel_loop3A_1460, %parallel_loop3A_1571 : vector<16xf32>
      %parallel_loop3A_1577 = vector.broadcast %parallel_loop3A_1497 : f32 to vector<16xf32>
      %parallel_loop3A_1578 = arith.mulf %parallel_loop3A_1575, %parallel_loop3A_1577 : vector<16xf32>
      %parallel_loop3A_1579 = math.exp %parallel_loop3A_1578 : vector<16xf32>
      %parallel_loop3A_1580 = arith.mulf %parallel_loop3A_1571, %parallel_loop3A_1579 : vector<16xf32>
      %parallel_loop3A_1581 = arith.addf %parallel_loop3A_1465, %parallel_loop3A_1580 : vector<16xf32>
      %parallel_loop3A_1582 = arith.index_cast %parallel_loop3A_1495 : i32 to index
      %parallel_loop3A_1583 = arith.constant 96 : index
      %parallel_loop3A_1584 = tpu.vector_load %arg7[%parallel_loop3A_1582, %parallel_loop3A_1583] {strides = array<i32>} : memref<128x128xf32, #tpu.memory_space<vmem>>, vector<1x16xf32>,
      %parallel_loop3A_1585 = vector.shape_cast %parallel_loop3A_1584 : vector<1x16xf32> to vector<16xf32>
      %parallel_loop3A_1586 = arith.index_cast %parallel_loop3A_1495 : i32 to index
      %parallel_loop3A_1587 = arith.constant 96 : index
      %parallel_loop3A_1588 = tpu.vector_load %arg8[%parallel_loop3A_1586, %parallel_loop3A_1587] {strides = array<i32>} : memref<128x128xf32, #tpu.memory_space<vmem>>, vector<1x16xf32>,
      %parallel_loop3A_1589 = vector.shape_cast %parallel_loop3A_1588 : vector<1x16xf32> to vector<16xf32>
      %parallel_loop3A_1590 = arith.addf %parallel_loop3A_1474, %parallel_loop3A_1585 : vector<16xf32>
      %parallel_loop3A_1591 = vector.broadcast %parallel_loop3A_1497 : f32 to vector<16xf32>
      %parallel_loop3A_1592 = arith.mulf %parallel_loop3A_1589, %parallel_loop3A_1591 : vector<16xf32>
      %parallel_loop3A_1593 = math.exp %parallel_loop3A_1592 : vector<16xf32>
      %parallel_loop3A_1594 = arith.mulf %parallel_loop3A_1585, %parallel_loop3A_1593 : vector<16xf32>
      %parallel_loop3A_1595 = arith.addf %parallel_loop3A_1479, %parallel_loop3A_1594 : vector<16xf32>
      %parallel_loop3A_1596 = arith.index_cast %parallel_loop3A_1495 : i32 to index
      %parallel_loop3A_1597 = arith.constant 112 : index
      %parallel_loop3A_1598 = tpu.vector_load %arg7[%parallel_loop3A_1596, %parallel_loop3A_1597] {strides = array<i32>} : memref<128x128xf32, #tpu.memory_space<vmem>>, vector<1x16xf32>,
      %parallel_loop3A_1599 = vector.shape_cast %parallel_loop3A_1598 : vector<1x16xf32> to vector<16xf32>
      %parallel_loop3A_1600 = arith.index_cast %parallel_loop3A_1495 : i32 to index
      %parallel_loop3A_1601 = arith.constant 112 : index
      %parallel_loop3A_1602 = tpu.vector_load %arg8[%parallel_loop3A_1600, %parallel_loop3A_1601] {strides = array<i32>} : memref<128x128xf32, #tpu.memory_space<vmem>>, vector<1x16xf32>,
      %parallel_loop3A_1603 = vector.shape_cast %parallel_loop3A_1602 : vector<1x16xf32> to vector<16xf32>
      %parallel_loop3A_1604 = arith.addf %parallel_loop3A_1488, %parallel_loop3A_1599 : vector<16xf32>
      %parallel_loop3A_1605 = vector.broadcast %parallel_loop3A_1497 : f32 to vector<16xf32>
      %parallel_loop3A_1606 = arith.mulf %parallel_loop3A_1603, %parallel_loop3A_1605 : vector<16xf32>
      %parallel_loop3A_1607 = math.exp %parallel_loop3A_1606 : vector<16xf32>
      %parallel_loop3A_1608 = arith.mulf %parallel_loop3A_1599, %parallel_loop3A_1607 : vector<16xf32>
      %parallel_loop3A_1609 = arith.addf %parallel_loop3A_1493, %parallel_loop3A_1608 : vector<16xf32>
      %parallel_loop3A_1610 = vector.extract_strided_slice %parallel_loop3A_98 {offsets = [13], sizes = [1], strides = [1]} : vector<16xi32> to vector<1xi32>
      %parallel_loop3A_1611 = vector.extract %parallel_loop3A_1610[0] : i32 from vector<1xi32>
      %parallel_loop3A_1612 = vector.extract_strided_slice %parallel_loop3A_101 {offsets = [13], sizes = [1], strides = [1]} : vector<16xf32> to vector<1xf32>
      %parallel_loop3A_1613 = vector.extract %parallel_loop3A_1612[0] : f32 from vector<1xf32>
      %parallel_loop3A_1614 = arith.index_cast %parallel_loop3A_1611 : i32 to index
      %parallel_loop3A_1615 = arith.constant 0 : index
      %parallel_loop3A_1616 = tpu.vector_load %arg7[%parallel_loop3A_1614, %parallel_loop3A_1615] {strides = array<i32>} : memref<128x128xf32, #tpu.memory_space<vmem>>, vector<1x16xf32>,
      %parallel_loop3A_1617 = vector.shape_cast %parallel_loop3A_1616 : vector<1x16xf32> to vector<16xf32>
      %parallel_loop3A_1618 = arith.index_cast %parallel_loop3A_1611 : i32 to index
      %parallel_loop3A_1619 = arith.constant 0 : index
      %parallel_loop3A_1620 = tpu.vector_load %arg8[%parallel_loop3A_1618, %parallel_loop3A_1619] {strides = array<i32>} : memref<128x128xf32, #tpu.memory_space<vmem>>, vector<1x16xf32>,
      %parallel_loop3A_1621 = vector.shape_cast %parallel_loop3A_1620 : vector<1x16xf32> to vector<16xf32>
      %parallel_loop3A_1622 = arith.addf %parallel_loop3A_1506, %parallel_loop3A_1617 : vector<16xf32>
      %parallel_loop3A_1623 = vector.broadcast %parallel_loop3A_1613 : f32 to vector<16xf32>
      %parallel_loop3A_1624 = arith.mulf %parallel_loop3A_1621, %parallel_loop3A_1623 : vector<16xf32>
      %parallel_loop3A_1625 = math.exp %parallel_loop3A_1624 : vector<16xf32>
      %parallel_loop3A_1626 = arith.mulf %parallel_loop3A_1617, %parallel_loop3A_1625 : vector<16xf32>
      %parallel_loop3A_1627 = arith.addf %parallel_loop3A_1511, %parallel_loop3A_1626 : vector<16xf32>
      %parallel_loop3A_1628 = arith.index_cast %parallel_loop3A_1611 : i32 to index
      %parallel_loop3A_1629 = arith.constant 16 : index
      %parallel_loop3A_1630 = tpu.vector_load %arg7[%parallel_loop3A_1628, %parallel_loop3A_1629] {strides = array<i32>} : memref<128x128xf32, #tpu.memory_space<vmem>>, vector<1x16xf32>,
      %parallel_loop3A_1631 = vector.shape_cast %parallel_loop3A_1630 : vector<1x16xf32> to vector<16xf32>
      %parallel_loop3A_1632 = arith.index_cast %parallel_loop3A_1611 : i32 to index
      %parallel_loop3A_1633 = arith.constant 16 : index
      %parallel_loop3A_1634 = tpu.vector_load %arg8[%parallel_loop3A_1632, %parallel_loop3A_1633] {strides = array<i32>} : memref<128x128xf32, #tpu.memory_space<vmem>>, vector<1x16xf32>,
      %parallel_loop3A_1635 = vector.shape_cast %parallel_loop3A_1634 : vector<1x16xf32> to vector<16xf32>
      %parallel_loop3A_1636 = arith.addf %parallel_loop3A_1520, %parallel_loop3A_1631 : vector<16xf32>
      %parallel_loop3A_1637 = vector.broadcast %parallel_loop3A_1613 : f32 to vector<16xf32>
      %parallel_loop3A_1638 = arith.mulf %parallel_loop3A_1635, %parallel_loop3A_1637 : vector<16xf32>
      %parallel_loop3A_1639 = math.exp %parallel_loop3A_1638 : vector<16xf32>
      %parallel_loop3A_1640 = arith.mulf %parallel_loop3A_1631, %parallel_loop3A_1639 : vector<16xf32>
      %parallel_loop3A_1641 = arith.addf %parallel_loop3A_1525, %parallel_loop3A_1640 : vector<16xf32>
      %parallel_loop3A_1642 = arith.index_cast %parallel_loop3A_1611 : i32 to index
      %parallel_loop3A_1643 = arith.constant 32 : index
      %parallel_loop3A_1644 = tpu.vector_load %arg7[%parallel_loop3A_1642, %parallel_loop3A_1643] {strides = array<i32>} : memref<128x128xf32, #tpu.memory_space<vmem>>, vector<1x16xf32>,
      %parallel_loop3A_1645 = vector.shape_cast %parallel_loop3A_1644 : vector<1x16xf32> to vector<16xf32>
      %parallel_loop3A_1646 = arith.index_cast %parallel_loop3A_1611 : i32 to index
      %parallel_loop3A_1647 = arith.constant 32 : index
      %parallel_loop3A_1648 = tpu.vector_load %arg8[%parallel_loop3A_1646, %parallel_loop3A_1647] {strides = array<i32>} : memref<128x128xf32, #tpu.memory_space<vmem>>, vector<1x16xf32>,
      %parallel_loop3A_1649 = vector.shape_cast %parallel_loop3A_1648 : vector<1x16xf32> to vector<16xf32>
      %parallel_loop3A_1650 = arith.addf %parallel_loop3A_1534, %parallel_loop3A_1645 : vector<16xf32>
      %parallel_loop3A_1651 = vector.broadcast %parallel_loop3A_1613 : f32 to vector<16xf32>
      %parallel_loop3A_1652 = arith.mulf %parallel_loop3A_1649, %parallel_loop3A_1651 : vector<16xf32>
      %parallel_loop3A_1653 = math.exp %parallel_loop3A_1652 : vector<16xf32>
      %parallel_loop3A_1654 = arith.mulf %parallel_loop3A_1645, %parallel_loop3A_1653 : vector<16xf32>
      %parallel_loop3A_1655 = arith.addf %parallel_loop3A_1539, %parallel_loop3A_1654 : vector<16xf32>
      %parallel_loop3A_1656 = arith.index_cast %parallel_loop3A_1611 : i32 to index
      %parallel_loop3A_1657 = arith.constant 48 : index
      %parallel_loop3A_1658 = tpu.vector_load %arg7[%parallel_loop3A_1656, %parallel_loop3A_1657] {strides = array<i32>} : memref<128x128xf32, #tpu.memory_space<vmem>>, vector<1x16xf32>,
      %parallel_loop3A_1659 = vector.shape_cast %parallel_loop3A_1658 : vector<1x16xf32> to vector<16xf32>
      %parallel_loop3A_1660 = arith.index_cast %parallel_loop3A_1611 : i32 to index
      %parallel_loop3A_1661 = arith.constant 48 : index
      %parallel_loop3A_1662 = tpu.vector_load %arg8[%parallel_loop3A_1660, %parallel_loop3A_1661] {strides = array<i32>} : memref<128x128xf32, #tpu.memory_space<vmem>>, vector<1x16xf32>,
      %parallel_loop3A_1663 = vector.shape_cast %parallel_loop3A_1662 : vector<1x16xf32> to vector<16xf32>
      %parallel_loop3A_1664 = arith.addf %parallel_loop3A_1548, %parallel_loop3A_1659 : vector<16xf32>
      %parallel_loop3A_1665 = vector.broadcast %parallel_loop3A_1613 : f32 to vector<16xf32>
      %parallel_loop3A_1666 = arith.mulf %parallel_loop3A_1663, %parallel_loop3A_1665 : vector<16xf32>
      %parallel_loop3A_1667 = math.exp %parallel_loop3A_1666 : vector<16xf32>
      %parallel_loop3A_1668 = arith.mulf %parallel_loop3A_1659, %parallel_loop3A_1667 : vector<16xf32>
      %parallel_loop3A_1669 = arith.addf %parallel_loop3A_1553, %parallel_loop3A_1668 : vector<16xf32>
      %parallel_loop3A_1670 = arith.index_cast %parallel_loop3A_1611 : i32 to index
      %parallel_loop3A_1671 = arith.constant 64 : index
      %parallel_loop3A_1672 = tpu.vector_load %arg7[%parallel_loop3A_1670, %parallel_loop3A_1671] {strides = array<i32>} : memref<128x128xf32, #tpu.memory_space<vmem>>, vector<1x16xf32>,
      %parallel_loop3A_1673 = vector.shape_cast %parallel_loop3A_1672 : vector<1x16xf32> to vector<16xf32>
      %parallel_loop3A_1674 = arith.index_cast %parallel_loop3A_1611 : i32 to index
      %parallel_loop3A_1675 = arith.constant 64 : index
      %parallel_loop3A_1676 = tpu.vector_load %arg8[%parallel_loop3A_1674, %parallel_loop3A_1675] {strides = array<i32>} : memref<128x128xf32, #tpu.memory_space<vmem>>, vector<1x16xf32>,
      %parallel_loop3A_1677 = vector.shape_cast %parallel_loop3A_1676 : vector<1x16xf32> to vector<16xf32>
      %parallel_loop3A_1678 = arith.addf %parallel_loop3A_1562, %parallel_loop3A_1673 : vector<16xf32>
      %parallel_loop3A_1679 = vector.broadcast %parallel_loop3A_1613 : f32 to vector<16xf32>
      %parallel_loop3A_1680 = arith.mulf %parallel_loop3A_1677, %parallel_loop3A_1679 : vector<16xf32>
      %parallel_loop3A_1681 = math.exp %parallel_loop3A_1680 : vector<16xf32>
      %parallel_loop3A_1682 = arith.mulf %parallel_loop3A_1673, %parallel_loop3A_1681 : vector<16xf32>
      %parallel_loop3A_1683 = arith.addf %parallel_loop3A_1567, %parallel_loop3A_1682 : vector<16xf32>
      %parallel_loop3A_1684 = arith.index_cast %parallel_loop3A_1611 : i32 to index
      %parallel_loop3A_1685 = arith.constant 80 : index
      %parallel_loop3A_1686 = tpu.vector_load %arg7[%parallel_loop3A_1684, %parallel_loop3A_1685] {strides = array<i32>} : memref<128x128xf32, #tpu.memory_space<vmem>>, vector<1x16xf32>,
      %parallel_loop3A_1687 = vector.shape_cast %parallel_loop3A_1686 : vector<1x16xf32> to vector<16xf32>
      %parallel_loop3A_1688 = arith.index_cast %parallel_loop3A_1611 : i32 to index
      %parallel_loop3A_1689 = arith.constant 80 : index
      %parallel_loop3A_1690 = tpu.vector_load %arg8[%parallel_loop3A_1688, %parallel_loop3A_1689] {strides = array<i32>} : memref<128x128xf32, #tpu.memory_space<vmem>>, vector<1x16xf32>,
      %parallel_loop3A_1691 = vector.shape_cast %parallel_loop3A_1690 : vector<1x16xf32> to vector<16xf32>
      %parallel_loop3A_1692 = arith.addf %parallel_loop3A_1576, %parallel_loop3A_1687 : vector<16xf32>
      %parallel_loop3A_1693 = vector.broadcast %parallel_loop3A_1613 : f32 to vector<16xf32>
      %parallel_loop3A_1694 = arith.mulf %parallel_loop3A_1691, %parallel_loop3A_1693 : vector<16xf32>
      %parallel_loop3A_1695 = math.exp %parallel_loop3A_1694 : vector<16xf32>
      %parallel_loop3A_1696 = arith.mulf %parallel_loop3A_1687, %parallel_loop3A_1695 : vector<16xf32>
      %parallel_loop3A_1697 = arith.addf %parallel_loop3A_1581, %parallel_loop3A_1696 : vector<16xf32>
      %parallel_loop3A_1698 = arith.index_cast %parallel_loop3A_1611 : i32 to index
      %parallel_loop3A_1699 = arith.constant 96 : index
      %parallel_loop3A_1700 = tpu.vector_load %arg7[%parallel_loop3A_1698, %parallel_loop3A_1699] {strides = array<i32>} : memref<128x128xf32, #tpu.memory_space<vmem>>, vector<1x16xf32>,
      %parallel_loop3A_1701 = vector.shape_cast %parallel_loop3A_1700 : vector<1x16xf32> to vector<16xf32>
      %parallel_loop3A_1702 = arith.index_cast %parallel_loop3A_1611 : i32 to index
      %parallel_loop3A_1703 = arith.constant 96 : index
      %parallel_loop3A_1704 = tpu.vector_load %arg8[%parallel_loop3A_1702, %parallel_loop3A_1703] {strides = array<i32>} : memref<128x128xf32, #tpu.memory_space<vmem>>, vector<1x16xf32>,
      %parallel_loop3A_1705 = vector.shape_cast %parallel_loop3A_1704 : vector<1x16xf32> to vector<16xf32>
      %parallel_loop3A_1706 = arith.addf %parallel_loop3A_1590, %parallel_loop3A_1701 : vector<16xf32>
      %parallel_loop3A_1707 = vector.broadcast %parallel_loop3A_1613 : f32 to vector<16xf32>
      %parallel_loop3A_1708 = arith.mulf %parallel_loop3A_1705, %parallel_loop3A_1707 : vector<16xf32>
      %parallel_loop3A_1709 = math.exp %parallel_loop3A_1708 : vector<16xf32>
      %parallel_loop3A_1710 = arith.mulf %parallel_loop3A_1701, %parallel_loop3A_1709 : vector<16xf32>
      %parallel_loop3A_1711 = arith.addf %parallel_loop3A_1595, %parallel_loop3A_1710 : vector<16xf32>
      %parallel_loop3A_1712 = arith.index_cast %parallel_loop3A_1611 : i32 to index
      %parallel_loop3A_1713 = arith.constant 112 : index
      %parallel_loop3A_1714 = tpu.vector_load %arg7[%parallel_loop3A_1712, %parallel_loop3A_1713] {strides = array<i32>} : memref<128x128xf32, #tpu.memory_space<vmem>>, vector<1x16xf32>,
      %parallel_loop3A_1715 = vector.shape_cast %parallel_loop3A_1714 : vector<1x16xf32> to vector<16xf32>
      %parallel_loop3A_1716 = arith.index_cast %parallel_loop3A_1611 : i32 to index
      %parallel_loop3A_1717 = arith.constant 112 : index
      %parallel_loop3A_1718 = tpu.vector_load %arg8[%parallel_loop3A_1716, %parallel_loop3A_1717] {strides = array<i32>} : memref<128x128xf32, #tpu.memory_space<vmem>>, vector<1x16xf32>,
      %parallel_loop3A_1719 = vector.shape_cast %parallel_loop3A_1718 : vector<1x16xf32> to vector<16xf32>
      %parallel_loop3A_1720 = arith.addf %parallel_loop3A_1604, %parallel_loop3A_1715 : vector<16xf32>
      %parallel_loop3A_1721 = vector.broadcast %parallel_loop3A_1613 : f32 to vector<16xf32>
      %parallel_loop3A_1722 = arith.mulf %parallel_loop3A_1719, %parallel_loop3A_1721 : vector<16xf32>
      %parallel_loop3A_1723 = math.exp %parallel_loop3A_1722 : vector<16xf32>
      %parallel_loop3A_1724 = arith.mulf %parallel_loop3A_1715, %parallel_loop3A_1723 : vector<16xf32>
      %parallel_loop3A_1725 = arith.addf %parallel_loop3A_1609, %parallel_loop3A_1724 : vector<16xf32>
      %parallel_loop3A_1726 = vector.extract_strided_slice %parallel_loop3A_98 {offsets = [14], sizes = [1], strides = [1]} : vector<16xi32> to vector<1xi32>
      %parallel_loop3A_1727 = vector.extract %parallel_loop3A_1726[0] : i32 from vector<1xi32>
      %parallel_loop3A_1728 = vector.extract_strided_slice %parallel_loop3A_101 {offsets = [14], sizes = [1], strides = [1]} : vector<16xf32> to vector<1xf32>
      %parallel_loop3A_1729 = vector.extract %parallel_loop3A_1728[0] : f32 from vector<1xf32>
      %parallel_loop3A_1730 = arith.index_cast %parallel_loop3A_1727 : i32 to index
      %parallel_loop3A_1731 = arith.constant 0 : index
      %parallel_loop3A_1732 = tpu.vector_load %arg7[%parallel_loop3A_1730, %parallel_loop3A_1731] {strides = array<i32>} : memref<128x128xf32, #tpu.memory_space<vmem>>, vector<1x16xf32>,
      %parallel_loop3A_1733 = vector.shape_cast %parallel_loop3A_1732 : vector<1x16xf32> to vector<16xf32>
      %parallel_loop3A_1734 = arith.index_cast %parallel_loop3A_1727 : i32 to index
      %parallel_loop3A_1735 = arith.constant 0 : index
      %parallel_loop3A_1736 = tpu.vector_load %arg8[%parallel_loop3A_1734, %parallel_loop3A_1735] {strides = array<i32>} : memref<128x128xf32, #tpu.memory_space<vmem>>, vector<1x16xf32>,
      %parallel_loop3A_1737 = vector.shape_cast %parallel_loop3A_1736 : vector<1x16xf32> to vector<16xf32>
      %parallel_loop3A_1738 = arith.addf %parallel_loop3A_1622, %parallel_loop3A_1733 : vector<16xf32>
      %parallel_loop3A_1739 = vector.broadcast %parallel_loop3A_1729 : f32 to vector<16xf32>
      %parallel_loop3A_1740 = arith.mulf %parallel_loop3A_1737, %parallel_loop3A_1739 : vector<16xf32>
      %parallel_loop3A_1741 = math.exp %parallel_loop3A_1740 : vector<16xf32>
      %parallel_loop3A_1742 = arith.mulf %parallel_loop3A_1733, %parallel_loop3A_1741 : vector<16xf32>
      %parallel_loop3A_1743 = arith.addf %parallel_loop3A_1627, %parallel_loop3A_1742 : vector<16xf32>
      %parallel_loop3A_1744 = arith.index_cast %parallel_loop3A_1727 : i32 to index
      %parallel_loop3A_1745 = arith.constant 16 : index
      %parallel_loop3A_1746 = tpu.vector_load %arg7[%parallel_loop3A_1744, %parallel_loop3A_1745] {strides = array<i32>} : memref<128x128xf32, #tpu.memory_space<vmem>>, vector<1x16xf32>,
      %parallel_loop3A_1747 = vector.shape_cast %parallel_loop3A_1746 : vector<1x16xf32> to vector<16xf32>
      %parallel_loop3A_1748 = arith.index_cast %parallel_loop3A_1727 : i32 to index
      %parallel_loop3A_1749 = arith.constant 16 : index
      %parallel_loop3A_1750 = tpu.vector_load %arg8[%parallel_loop3A_1748, %parallel_loop3A_1749] {strides = array<i32>} : memref<128x128xf32, #tpu.memory_space<vmem>>, vector<1x16xf32>,
      %parallel_loop3A_1751 = vector.shape_cast %parallel_loop3A_1750 : vector<1x16xf32> to vector<16xf32>
      %parallel_loop3A_1752 = arith.addf %parallel_loop3A_1636, %parallel_loop3A_1747 : vector<16xf32>
      %parallel_loop3A_1753 = vector.broadcast %parallel_loop3A_1729 : f32 to vector<16xf32>
      %parallel_loop3A_1754 = arith.mulf %parallel_loop3A_1751, %parallel_loop3A_1753 : vector<16xf32>
      %parallel_loop3A_1755 = math.exp %parallel_loop3A_1754 : vector<16xf32>
      %parallel_loop3A_1756 = arith.mulf %parallel_loop3A_1747, %parallel_loop3A_1755 : vector<16xf32>
      %parallel_loop3A_1757 = arith.addf %parallel_loop3A_1641, %parallel_loop3A_1756 : vector<16xf32>
      %parallel_loop3A_1758 = arith.index_cast %parallel_loop3A_1727 : i32 to index
      %parallel_loop3A_1759 = arith.constant 32 : index
      %parallel_loop3A_1760 = tpu.vector_load %arg7[%parallel_loop3A_1758, %parallel_loop3A_1759] {strides = array<i32>} : memref<128x128xf32, #tpu.memory_space<vmem>>, vector<1x16xf32>,
      %parallel_loop3A_1761 = vector.shape_cast %parallel_loop3A_1760 : vector<1x16xf32> to vector<16xf32>
      %parallel_loop3A_1762 = arith.index_cast %parallel_loop3A_1727 : i32 to index
      %parallel_loop3A_1763 = arith.constant 32 : index
      %parallel_loop3A_1764 = tpu.vector_load %arg8[%parallel_loop3A_1762, %parallel_loop3A_1763] {strides = array<i32>} : memref<128x128xf32, #tpu.memory_space<vmem>>, vector<1x16xf32>,
      %parallel_loop3A_1765 = vector.shape_cast %parallel_loop3A_1764 : vector<1x16xf32> to vector<16xf32>
      %parallel_loop3A_1766 = arith.addf %parallel_loop3A_1650, %parallel_loop3A_1761 : vector<16xf32>
      %parallel_loop3A_1767 = vector.broadcast %parallel_loop3A_1729 : f32 to vector<16xf32>
      %parallel_loop3A_1768 = arith.mulf %parallel_loop3A_1765, %parallel_loop3A_1767 : vector<16xf32>
      %parallel_loop3A_1769 = math.exp %parallel_loop3A_1768 : vector<16xf32>
      %parallel_loop3A_1770 = arith.mulf %parallel_loop3A_1761, %parallel_loop3A_1769 : vector<16xf32>
      %parallel_loop3A_1771 = arith.addf %parallel_loop3A_1655, %parallel_loop3A_1770 : vector<16xf32>
      %parallel_loop3A_1772 = arith.index_cast %parallel_loop3A_1727 : i32 to index
      %parallel_loop3A_1773 = arith.constant 48 : index
      %parallel_loop3A_1774 = tpu.vector_load %arg7[%parallel_loop3A_1772, %parallel_loop3A_1773] {strides = array<i32>} : memref<128x128xf32, #tpu.memory_space<vmem>>, vector<1x16xf32>,
      %parallel_loop3A_1775 = vector.shape_cast %parallel_loop3A_1774 : vector<1x16xf32> to vector<16xf32>
      %parallel_loop3A_1776 = arith.index_cast %parallel_loop3A_1727 : i32 to index
      %parallel_loop3A_1777 = arith.constant 48 : index
      %parallel_loop3A_1778 = tpu.vector_load %arg8[%parallel_loop3A_1776, %parallel_loop3A_1777] {strides = array<i32>} : memref<128x128xf32, #tpu.memory_space<vmem>>, vector<1x16xf32>,
      %parallel_loop3A_1779 = vector.shape_cast %parallel_loop3A_1778 : vector<1x16xf32> to vector<16xf32>
      %parallel_loop3A_1780 = arith.addf %parallel_loop3A_1664, %parallel_loop3A_1775 : vector<16xf32>
      %parallel_loop3A_1781 = vector.broadcast %parallel_loop3A_1729 : f32 to vector<16xf32>
      %parallel_loop3A_1782 = arith.mulf %parallel_loop3A_1779, %parallel_loop3A_1781 : vector<16xf32>
      %parallel_loop3A_1783 = math.exp %parallel_loop3A_1782 : vector<16xf32>
      %parallel_loop3A_1784 = arith.mulf %parallel_loop3A_1775, %parallel_loop3A_1783 : vector<16xf32>
      %parallel_loop3A_1785 = arith.addf %parallel_loop3A_1669, %parallel_loop3A_1784 : vector<16xf32>
      %parallel_loop3A_1786 = arith.index_cast %parallel_loop3A_1727 : i32 to index
      %parallel_loop3A_1787 = arith.constant 64 : index
      %parallel_loop3A_1788 = tpu.vector_load %arg7[%parallel_loop3A_1786, %parallel_loop3A_1787] {strides = array<i32>} : memref<128x128xf32, #tpu.memory_space<vmem>>, vector<1x16xf32>,
      %parallel_loop3A_1789 = vector.shape_cast %parallel_loop3A_1788 : vector<1x16xf32> to vector<16xf32>
      %parallel_loop3A_1790 = arith.index_cast %parallel_loop3A_1727 : i32 to index
      %parallel_loop3A_1791 = arith.constant 64 : index
      %parallel_loop3A_1792 = tpu.vector_load %arg8[%parallel_loop3A_1790, %parallel_loop3A_1791] {strides = array<i32>} : memref<128x128xf32, #tpu.memory_space<vmem>>, vector<1x16xf32>,
      %parallel_loop3A_1793 = vector.shape_cast %parallel_loop3A_1792 : vector<1x16xf32> to vector<16xf32>
      %parallel_loop3A_1794 = arith.addf %parallel_loop3A_1678, %parallel_loop3A_1789 : vector<16xf32>
      %parallel_loop3A_1795 = vector.broadcast %parallel_loop3A_1729 : f32 to vector<16xf32>
      %parallel_loop3A_1796 = arith.mulf %parallel_loop3A_1793, %parallel_loop3A_1795 : vector<16xf32>
      %parallel_loop3A_1797 = math.exp %parallel_loop3A_1796 : vector<16xf32>
      %parallel_loop3A_1798 = arith.mulf %parallel_loop3A_1789, %parallel_loop3A_1797 : vector<16xf32>
      %parallel_loop3A_1799 = arith.addf %parallel_loop3A_1683, %parallel_loop3A_1798 : vector<16xf32>
      %parallel_loop3A_1800 = arith.index_cast %parallel_loop3A_1727 : i32 to index
      %parallel_loop3A_1801 = arith.constant 80 : index
      %parallel_loop3A_1802 = tpu.vector_load %arg7[%parallel_loop3A_1800, %parallel_loop3A_1801] {strides = array<i32>} : memref<128x128xf32, #tpu.memory_space<vmem>>, vector<1x16xf32>,
      %parallel_loop3A_1803 = vector.shape_cast %parallel_loop3A_1802 : vector<1x16xf32> to vector<16xf32>
      %parallel_loop3A_1804 = arith.index_cast %parallel_loop3A_1727 : i32 to index
      %parallel_loop3A_1805 = arith.constant 80 : index
      %parallel_loop3A_1806 = tpu.vector_load %arg8[%parallel_loop3A_1804, %parallel_loop3A_1805] {strides = array<i32>} : memref<128x128xf32, #tpu.memory_space<vmem>>, vector<1x16xf32>,
      %parallel_loop3A_1807 = vector.shape_cast %parallel_loop3A_1806 : vector<1x16xf32> to vector<16xf32>
      %parallel_loop3A_1808 = arith.addf %parallel_loop3A_1692, %parallel_loop3A_1803 : vector<16xf32>
      %parallel_loop3A_1809 = vector.broadcast %parallel_loop3A_1729 : f32 to vector<16xf32>
      %parallel_loop3A_1810 = arith.mulf %parallel_loop3A_1807, %parallel_loop3A_1809 : vector<16xf32>
      %parallel_loop3A_1811 = math.exp %parallel_loop3A_1810 : vector<16xf32>
      %parallel_loop3A_1812 = arith.mulf %parallel_loop3A_1803, %parallel_loop3A_1811 : vector<16xf32>
      %parallel_loop3A_1813 = arith.addf %parallel_loop3A_1697, %parallel_loop3A_1812 : vector<16xf32>
      %parallel_loop3A_1814 = arith.index_cast %parallel_loop3A_1727 : i32 to index
      %parallel_loop3A_1815 = arith.constant 96 : index
      %parallel_loop3A_1816 = tpu.vector_load %arg7[%parallel_loop3A_1814, %parallel_loop3A_1815] {strides = array<i32>} : memref<128x128xf32, #tpu.memory_space<vmem>>, vector<1x16xf32>,
      %parallel_loop3A_1817 = vector.shape_cast %parallel_loop3A_1816 : vector<1x16xf32> to vector<16xf32>
      %parallel_loop3A_1818 = arith.index_cast %parallel_loop3A_1727 : i32 to index
      %parallel_loop3A_1819 = arith.constant 96 : index
      %parallel_loop3A_1820 = tpu.vector_load %arg8[%parallel_loop3A_1818, %parallel_loop3A_1819] {strides = array<i32>} : memref<128x128xf32, #tpu.memory_space<vmem>>, vector<1x16xf32>,
      %parallel_loop3A_1821 = vector.shape_cast %parallel_loop3A_1820 : vector<1x16xf32> to vector<16xf32>
      %parallel_loop3A_1822 = arith.addf %parallel_loop3A_1706, %parallel_loop3A_1817 : vector<16xf32>
      %parallel_loop3A_1823 = vector.broadcast %parallel_loop3A_1729 : f32 to vector<16xf32>
      %parallel_loop3A_1824 = arith.mulf %parallel_loop3A_1821, %parallel_loop3A_1823 : vector<16xf32>
      %parallel_loop3A_1825 = math.exp %parallel_loop3A_1824 : vector<16xf32>
      %parallel_loop3A_1826 = arith.mulf %parallel_loop3A_1817, %parallel_loop3A_1825 : vector<16xf32>
      %parallel_loop3A_1827 = arith.addf %parallel_loop3A_1711, %parallel_loop3A_1826 : vector<16xf32>
      %parallel_loop3A_1828 = arith.index_cast %parallel_loop3A_1727 : i32 to index
      %parallel_loop3A_1829 = arith.constant 112 : index
      %parallel_loop3A_1830 = tpu.vector_load %arg7[%parallel_loop3A_1828, %parallel_loop3A_1829] {strides = array<i32>} : memref<128x128xf32, #tpu.memory_space<vmem>>, vector<1x16xf32>,
      %parallel_loop3A_1831 = vector.shape_cast %parallel_loop3A_1830 : vector<1x16xf32> to vector<16xf32>
      %parallel_loop3A_1832 = arith.index_cast %parallel_loop3A_1727 : i32 to index
      %parallel_loop3A_1833 = arith.constant 112 : index
      %parallel_loop3A_1834 = tpu.vector_load %arg8[%parallel_loop3A_1832, %parallel_loop3A_1833] {strides = array<i32>} : memref<128x128xf32, #tpu.memory_space<vmem>>, vector<1x16xf32>,
      %parallel_loop3A_1835 = vector.shape_cast %parallel_loop3A_1834 : vector<1x16xf32> to vector<16xf32>
      %parallel_loop3A_1836 = arith.addf %parallel_loop3A_1720, %parallel_loop3A_1831 : vector<16xf32>
      %parallel_loop3A_1837 = vector.broadcast %parallel_loop3A_1729 : f32 to vector<16xf32>
      %parallel_loop3A_1838 = arith.mulf %parallel_loop3A_1835, %parallel_loop3A_1837 : vector<16xf32>
      %parallel_loop3A_1839 = math.exp %parallel_loop3A_1838 : vector<16xf32>
      %parallel_loop3A_1840 = arith.mulf %parallel_loop3A_1831, %parallel_loop3A_1839 : vector<16xf32>
      %parallel_loop3A_1841 = arith.addf %parallel_loop3A_1725, %parallel_loop3A_1840 : vector<16xf32>
      %parallel_loop3A_1842 = vector.extract_strided_slice %parallel_loop3A_98 {offsets = [15], sizes = [1], strides = [1]} : vector<16xi32> to vector<1xi32>
      %parallel_loop3A_1843 = vector.extract %parallel_loop3A_1842[0] : i32 from vector<1xi32>
      %parallel_loop3A_1844 = vector.extract_strided_slice %parallel_loop3A_101 {offsets = [15], sizes = [1], strides = [1]} : vector<16xf32> to vector<1xf32>
      %parallel_loop3A_1845 = vector.extract %parallel_loop3A_1844[0] : f32 from vector<1xf32>
      %parallel_loop3A_1846 = arith.index_cast %parallel_loop3A_1843 : i32 to index
      %parallel_loop3A_1847 = arith.constant 0 : index
      %parallel_loop3A_1848 = tpu.vector_load %arg7[%parallel_loop3A_1846, %parallel_loop3A_1847] {strides = array<i32>} : memref<128x128xf32, #tpu.memory_space<vmem>>, vector<1x16xf32>,
      %parallel_loop3A_1849 = vector.shape_cast %parallel_loop3A_1848 : vector<1x16xf32> to vector<16xf32>
      %parallel_loop3A_1850 = arith.index_cast %parallel_loop3A_1843 : i32 to index
      %parallel_loop3A_1851 = arith.constant 0 : index
      %parallel_loop3A_1852 = tpu.vector_load %arg8[%parallel_loop3A_1850, %parallel_loop3A_1851] {strides = array<i32>} : memref<128x128xf32, #tpu.memory_space<vmem>>, vector<1x16xf32>,
      %parallel_loop3A_1853 = vector.shape_cast %parallel_loop3A_1852 : vector<1x16xf32> to vector<16xf32>
      %parallel_loop3A_1854 = arith.addf %parallel_loop3A_1738, %parallel_loop3A_1849 : vector<16xf32>
      %parallel_loop3A_1855 = vector.broadcast %parallel_loop3A_1845 : f32 to vector<16xf32>
      %parallel_loop3A_1856 = arith.mulf %parallel_loop3A_1853, %parallel_loop3A_1855 : vector<16xf32>
      %parallel_loop3A_1857 = math.exp %parallel_loop3A_1856 : vector<16xf32>
      %parallel_loop3A_1858 = arith.mulf %parallel_loop3A_1849, %parallel_loop3A_1857 : vector<16xf32>
      %parallel_loop3A_1859 = arith.addf %parallel_loop3A_1743, %parallel_loop3A_1858 : vector<16xf32>
      %parallel_loop3A_1860 = arith.index_cast %parallel_loop3A_1843 : i32 to index
      %parallel_loop3A_1861 = arith.constant 16 : index
      %parallel_loop3A_1862 = tpu.vector_load %arg7[%parallel_loop3A_1860, %parallel_loop3A_1861] {strides = array<i32>} : memref<128x128xf32, #tpu.memory_space<vmem>>, vector<1x16xf32>,
      %parallel_loop3A_1863 = vector.shape_cast %parallel_loop3A_1862 : vector<1x16xf32> to vector<16xf32>
      %parallel_loop3A_1864 = arith.index_cast %parallel_loop3A_1843 : i32 to index
      %parallel_loop3A_1865 = arith.constant 16 : index
      %parallel_loop3A_1866 = tpu.vector_load %arg8[%parallel_loop3A_1864, %parallel_loop3A_1865] {strides = array<i32>} : memref<128x128xf32, #tpu.memory_space<vmem>>, vector<1x16xf32>,
      %parallel_loop3A_1867 = vector.shape_cast %parallel_loop3A_1866 : vector<1x16xf32> to vector<16xf32>
      %parallel_loop3A_1868 = arith.addf %parallel_loop3A_1752, %parallel_loop3A_1863 : vector<16xf32>
      %parallel_loop3A_1869 = vector.broadcast %parallel_loop3A_1845 : f32 to vector<16xf32>
      %parallel_loop3A_1870 = arith.mulf %parallel_loop3A_1867, %parallel_loop3A_1869 : vector<16xf32>
      %parallel_loop3A_1871 = math.exp %parallel_loop3A_1870 : vector<16xf32>
      %parallel_loop3A_1872 = arith.mulf %parallel_loop3A_1863, %parallel_loop3A_1871 : vector<16xf32>
      %parallel_loop3A_1873 = arith.addf %parallel_loop3A_1757, %parallel_loop3A_1872 : vector<16xf32>
      %parallel_loop3A_1874 = arith.index_cast %parallel_loop3A_1843 : i32 to index
      %parallel_loop3A_1875 = arith.constant 32 : index
      %parallel_loop3A_1876 = tpu.vector_load %arg7[%parallel_loop3A_1874, %parallel_loop3A_1875] {strides = array<i32>} : memref<128x128xf32, #tpu.memory_space<vmem>>, vector<1x16xf32>,
      %parallel_loop3A_1877 = vector.shape_cast %parallel_loop3A_1876 : vector<1x16xf32> to vector<16xf32>
      %parallel_loop3A_1878 = arith.index_cast %parallel_loop3A_1843 : i32 to index
      %parallel_loop3A_1879 = arith.constant 32 : index
      %parallel_loop3A_1880 = tpu.vector_load %arg8[%parallel_loop3A_1878, %parallel_loop3A_1879] {strides = array<i32>} : memref<128x128xf32, #tpu.memory_space<vmem>>, vector<1x16xf32>,
      %parallel_loop3A_1881 = vector.shape_cast %parallel_loop3A_1880 : vector<1x16xf32> to vector<16xf32>
      %parallel_loop3A_1882 = arith.addf %parallel_loop3A_1766, %parallel_loop3A_1877 : vector<16xf32>
      %parallel_loop3A_1883 = vector.broadcast %parallel_loop3A_1845 : f32 to vector<16xf32>
      %parallel_loop3A_1884 = arith.mulf %parallel_loop3A_1881, %parallel_loop3A_1883 : vector<16xf32>
      %parallel_loop3A_1885 = math.exp %parallel_loop3A_1884 : vector<16xf32>
      %parallel_loop3A_1886 = arith.mulf %parallel_loop3A_1877, %parallel_loop3A_1885 : vector<16xf32>
      %parallel_loop3A_1887 = arith.addf %parallel_loop3A_1771, %parallel_loop3A_1886 : vector<16xf32>
      %parallel_loop3A_1888 = arith.index_cast %parallel_loop3A_1843 : i32 to index
      %parallel_loop3A_1889 = arith.constant 48 : index
      %parallel_loop3A_1890 = tpu.vector_load %arg7[%parallel_loop3A_1888, %parallel_loop3A_1889] {strides = array<i32>} : memref<128x128xf32, #tpu.memory_space<vmem>>, vector<1x16xf32>,
      %parallel_loop3A_1891 = vector.shape_cast %parallel_loop3A_1890 : vector<1x16xf32> to vector<16xf32>
      %parallel_loop3A_1892 = arith.index_cast %parallel_loop3A_1843 : i32 to index
      %parallel_loop3A_1893 = arith.constant 48 : index
      %parallel_loop3A_1894 = tpu.vector_load %arg8[%parallel_loop3A_1892, %parallel_loop3A_1893] {strides = array<i32>} : memref<128x128xf32, #tpu.memory_space<vmem>>, vector<1x16xf32>,
      %parallel_loop3A_1895 = vector.shape_cast %parallel_loop3A_1894 : vector<1x16xf32> to vector<16xf32>
      %parallel_loop3A_1896 = arith.addf %parallel_loop3A_1780, %parallel_loop3A_1891 : vector<16xf32>
      %parallel_loop3A_1897 = vector.broadcast %parallel_loop3A_1845 : f32 to vector<16xf32>
      %parallel_loop3A_1898 = arith.mulf %parallel_loop3A_1895, %parallel_loop3A_1897 : vector<16xf32>
      %parallel_loop3A_1899 = math.exp %parallel_loop3A_1898 : vector<16xf32>
      %parallel_loop3A_1900 = arith.mulf %parallel_loop3A_1891, %parallel_loop3A_1899 : vector<16xf32>
      %parallel_loop3A_1901 = arith.addf %parallel_loop3A_1785, %parallel_loop3A_1900 : vector<16xf32>
      %parallel_loop3A_1902 = arith.index_cast %parallel_loop3A_1843 : i32 to index
      %parallel_loop3A_1903 = arith.constant 64 : index
      %parallel_loop3A_1904 = tpu.vector_load %arg7[%parallel_loop3A_1902, %parallel_loop3A_1903] {strides = array<i32>} : memref<128x128xf32, #tpu.memory_space<vmem>>, vector<1x16xf32>,
      %parallel_loop3A_1905 = vector.shape_cast %parallel_loop3A_1904 : vector<1x16xf32> to vector<16xf32>
      %parallel_loop3A_1906 = arith.index_cast %parallel_loop3A_1843 : i32 to index
      %parallel_loop3A_1907 = arith.constant 64 : index
      %parallel_loop3A_1908 = tpu.vector_load %arg8[%parallel_loop3A_1906, %parallel_loop3A_1907] {strides = array<i32>} : memref<128x128xf32, #tpu.memory_space<vmem>>, vector<1x16xf32>,
      %parallel_loop3A_1909 = vector.shape_cast %parallel_loop3A_1908 : vector<1x16xf32> to vector<16xf32>
      %parallel_loop3A_1910 = arith.addf %parallel_loop3A_1794, %parallel_loop3A_1905 : vector<16xf32>
      %parallel_loop3A_1911 = vector.broadcast %parallel_loop3A_1845 : f32 to vector<16xf32>
      %parallel_loop3A_1912 = arith.mulf %parallel_loop3A_1909, %parallel_loop3A_1911 : vector<16xf32>
      %parallel_loop3A_1913 = math.exp %parallel_loop3A_1912 : vector<16xf32>
      %parallel_loop3A_1914 = arith.mulf %parallel_loop3A_1905, %parallel_loop3A_1913 : vector<16xf32>
      %parallel_loop3A_1915 = arith.addf %parallel_loop3A_1799, %parallel_loop3A_1914 : vector<16xf32>
      %parallel_loop3A_1916 = arith.index_cast %parallel_loop3A_1843 : i32 to index
      %parallel_loop3A_1917 = arith.constant 80 : index
      %parallel_loop3A_1918 = tpu.vector_load %arg7[%parallel_loop3A_1916, %parallel_loop3A_1917] {strides = array<i32>} : memref<128x128xf32, #tpu.memory_space<vmem>>, vector<1x16xf32>,
      %parallel_loop3A_1919 = vector.shape_cast %parallel_loop3A_1918 : vector<1x16xf32> to vector<16xf32>
      %parallel_loop3A_1920 = arith.index_cast %parallel_loop3A_1843 : i32 to index
      %parallel_loop3A_1921 = arith.constant 80 : index
      %parallel_loop3A_1922 = tpu.vector_load %arg8[%parallel_loop3A_1920, %parallel_loop3A_1921] {strides = array<i32>} : memref<128x128xf32, #tpu.memory_space<vmem>>, vector<1x16xf32>,
      %parallel_loop3A_1923 = vector.shape_cast %parallel_loop3A_1922 : vector<1x16xf32> to vector<16xf32>
      %parallel_loop3A_1924 = arith.addf %parallel_loop3A_1808, %parallel_loop3A_1919 : vector<16xf32>
      %parallel_loop3A_1925 = vector.broadcast %parallel_loop3A_1845 : f32 to vector<16xf32>
      %parallel_loop3A_1926 = arith.mulf %parallel_loop3A_1923, %parallel_loop3A_1925 : vector<16xf32>
      %parallel_loop3A_1927 = math.exp %parallel_loop3A_1926 : vector<16xf32>
      %parallel_loop3A_1928 = arith.mulf %parallel_loop3A_1919, %parallel_loop3A_1927 : vector<16xf32>
      %parallel_loop3A_1929 = arith.addf %parallel_loop3A_1813, %parallel_loop3A_1928 : vector<16xf32>
      %parallel_loop3A_1930 = arith.index_cast %parallel_loop3A_1843 : i32 to index
      %parallel_loop3A_1931 = arith.constant 96 : index
      %parallel_loop3A_1932 = tpu.vector_load %arg7[%parallel_loop3A_1930, %parallel_loop3A_1931] {strides = array<i32>} : memref<128x128xf32, #tpu.memory_space<vmem>>, vector<1x16xf32>,
      %parallel_loop3A_1933 = vector.shape_cast %parallel_loop3A_1932 : vector<1x16xf32> to vector<16xf32>
      %parallel_loop3A_1934 = arith.index_cast %parallel_loop3A_1843 : i32 to index
      %parallel_loop3A_1935 = arith.constant 96 : index
      %parallel_loop3A_1936 = tpu.vector_load %arg8[%parallel_loop3A_1934, %parallel_loop3A_1935] {strides = array<i32>} : memref<128x128xf32, #tpu.memory_space<vmem>>, vector<1x16xf32>,
      %parallel_loop3A_1937 = vector.shape_cast %parallel_loop3A_1936 : vector<1x16xf32> to vector<16xf32>
      %parallel_loop3A_1938 = arith.addf %parallel_loop3A_1822, %parallel_loop3A_1933 : vector<16xf32>
      %parallel_loop3A_1939 = vector.broadcast %parallel_loop3A_1845 : f32 to vector<16xf32>
      %parallel_loop3A_1940 = arith.mulf %parallel_loop3A_1937, %parallel_loop3A_1939 : vector<16xf32>
      %parallel_loop3A_1941 = math.exp %parallel_loop3A_1940 : vector<16xf32>
      %parallel_loop3A_1942 = arith.mulf %parallel_loop3A_1933, %parallel_loop3A_1941 : vector<16xf32>
      %parallel_loop3A_1943 = arith.addf %parallel_loop3A_1827, %parallel_loop3A_1942 : vector<16xf32>
      %parallel_loop3A_1944 = arith.index_cast %parallel_loop3A_1843 : i32 to index
      %parallel_loop3A_1945 = arith.constant 112 : index
      %parallel_loop3A_1946 = tpu.vector_load %arg7[%parallel_loop3A_1944, %parallel_loop3A_1945] {strides = array<i32>} : memref<128x128xf32, #tpu.memory_space<vmem>>, vector<1x16xf32>,
      %parallel_loop3A_1947 = vector.shape_cast %parallel_loop3A_1946 : vector<1x16xf32> to vector<16xf32>
      %parallel_loop3A_1948 = arith.index_cast %parallel_loop3A_1843 : i32 to index
      %parallel_loop3A_1949 = arith.constant 112 : index
      %parallel_loop3A_1950 = tpu.vector_load %arg8[%parallel_loop3A_1948, %parallel_loop3A_1949] {strides = array<i32>} : memref<128x128xf32, #tpu.memory_space<vmem>>, vector<1x16xf32>,
      %parallel_loop3A_1951 = vector.shape_cast %parallel_loop3A_1950 : vector<1x16xf32> to vector<16xf32>
      %parallel_loop3A_1952 = arith.addf %parallel_loop3A_1836, %parallel_loop3A_1947 : vector<16xf32>
      %parallel_loop3A_1953 = vector.broadcast %parallel_loop3A_1845 : f32 to vector<16xf32>
      %parallel_loop3A_1954 = arith.mulf %parallel_loop3A_1951, %parallel_loop3A_1953 : vector<16xf32>
      %parallel_loop3A_1955 = math.exp %parallel_loop3A_1954 : vector<16xf32>
      %parallel_loop3A_1956 = arith.mulf %parallel_loop3A_1947, %parallel_loop3A_1955 : vector<16xf32>
      %parallel_loop3A_1957 = arith.addf %parallel_loop3A_1841, %parallel_loop3A_1956 : vector<16xf32>
      scf.yield %parallel_loop3A_1854, %parallel_loop3A_1868, %parallel_loop3A_1882, %parallel_loop3A_1896, %parallel_loop3A_1910, %parallel_loop3A_1924, %parallel_loop3A_1938, %parallel_loop3A_1952, %parallel_loop3A_1859, %parallel_loop3A_1873, %parallel_loop3A_1887, %parallel_loop3A_1901, %parallel_loop3A_1915, %parallel_loop3A_1929, %parallel_loop3A_1943, %parallel_loop3A_1957 : vector<16xf32>, vector<16xf32>, vector<16xf32>, vector<16xf32>, vector<16xf32>, vector<16xf32>, vector<16xf32>, vector<16xf32>, vector<16xf32>, vector<16xf32>, vector<16xf32>, vector<16xf32>, vector<16xf32>, vector<16xf32>, vector<16xf32>, vector<16xf32>
    } {sc.loop_unroll_factor = 1 : i64, sc.parallel_access}
    %sub3A = arith.subf %parallel_loop3A_40#0, %parallel_loop3A_40#8 : vector<16xf32>
    %swap3A = arith.constant 0 : index
    %swap3A_41 = tpu.vector_load %arg11[%swap3A] {strides = array<i32>} : memref<128xf32, #tpu.memory_space<vmem>>, vector<16xf32>,
    %swap3A_42 = vector.shape_cast %swap3A_41 : vector<16xf32> to vector<16xf32>
    %swap3A_43 = vector.shape_cast %sub3A : vector<16xf32> to vector<16xf32>
    tpu.vector_store %arg11[%swap3A], %swap3A_43 {strides = array<i32>} : memref<128xf32, #tpu.memory_space<vmem>>, vector<16xf32>,
    %sub3A_44 = arith.subf %parallel_loop3A_40#1, %parallel_loop3A_40#9 : vector<16xf32>
    %swap3A_45 = arith.constant 16 : index
    %swap3A_46 = tpu.vector_load %arg11[%swap3A_45] {strides = array<i32>} : memref<128xf32, #tpu.memory_space<vmem>>, vector<16xf32>,
    %swap3A_47 = vector.shape_cast %swap3A_46 : vector<16xf32> to vector<16xf32>
    %swap3A_48 = vector.shape_cast %sub3A_44 : vector<16xf32> to vector<16xf32>
    tpu.vector_store %arg11[%swap3A_45], %swap3A_48 {strides = array<i32>} : memref<128xf32, #tpu.memory_space<vmem>>, vector<16xf32>,
    %sub3A_49 = arith.subf %parallel_loop3A_40#2, %parallel_loop3A_40#10 : vector<16xf32>
    %swap3A_50 = arith.constant 32 : index
    %swap3A_51 = tpu.vector_load %arg11[%swap3A_50] {strides = array<i32>} : memref<128xf32, #tpu.memory_space<vmem>>, vector<16xf32>,
    %swap3A_52 = vector.shape_cast %swap3A_51 : vector<16xf32> to vector<16xf32>
    %swap3A_53 = vector.shape_cast %sub3A_49 : vector<16xf32> to vector<16xf32>
    tpu.vector_store %arg11[%swap3A_50], %swap3A_53 {strides = array<i32>} : memref<128xf32, #tpu.memory_space<vmem>>, vector<16xf32>,
    %sub3A_54 = arith.subf %parallel_loop3A_40#3, %parallel_loop3A_40#11 : vector<16xf32>
    %swap3A_55 = arith.constant 48 : index
    %swap3A_56 = tpu.vector_load %arg11[%swap3A_55] {strides = array<i32>} : memref<128xf32, #tpu.memory_space<vmem>>, vector<16xf32>,
    %swap3A_57 = vector.shape_cast %swap3A_56 : vector<16xf32> to vector<16xf32>
    %swap3A_58 = vector.shape_cast %sub3A_54 : vector<16xf32> to vector<16xf32>
    tpu.vector_store %arg11[%swap3A_55], %swap3A_58 {strides = array<i32>} : memref<128xf32, #tpu.memory_space<vmem>>, vector<16xf32>,
    %sub3A_59 = arith.subf %parallel_loop3A_40#4, %parallel_loop3A_40#12 : vector<16xf32>
    %swap3A_60 = arith.constant 64 : index
    %swap3A_61 = tpu.vector_load %arg11[%swap3A_60] {strides = array<i32>} : memref<128xf32, #tpu.memory_space<vmem>>, vector<16xf32>,
    %swap3A_62 = vector.shape_cast %swap3A_61 : vector<16xf32> to vector<16xf32>
    %swap3A_63 = vector.shape_cast %sub3A_59 : vector<16xf32> to vector<16xf32>
    tpu.vector_store %arg11[%swap3A_60], %swap3A_63 {strides = array<i32>} : memref<128xf32, #tpu.memory_space<vmem>>, vector<16xf32>,
    %sub3A_64 = arith.subf %parallel_loop3A_40#5, %parallel_loop3A_40#13 : vector<16xf32>
    %swap3A_65 = arith.constant 80 : index
    %swap3A_66 = tpu.vector_load %arg11[%swap3A_65] {strides = array<i32>} : memref<128xf32, #tpu.memory_space<vmem>>, vector<16xf32>,
    %swap3A_67 = vector.shape_cast %swap3A_66 : vector<16xf32> to vector<16xf32>
    %swap3A_68 = vector.shape_cast %sub3A_64 : vector<16xf32> to vector<16xf32>
    tpu.vector_store %arg11[%swap3A_65], %swap3A_68 {strides = array<i32>} : memref<128xf32, #tpu.memory_space<vmem>>, vector<16xf32>,
    %sub3A_69 = arith.subf %parallel_loop3A_40#6, %parallel_loop3A_40#14 : vector<16xf32>
    %swap3A_70 = arith.constant 96 : index
    %swap3A_71 = tpu.vector_load %arg11[%swap3A_70] {strides = array<i32>} : memref<128xf32, #tpu.memory_space<vmem>>, vector<16xf32>,
    %swap3A_72 = vector.shape_cast %swap3A_71 : vector<16xf32> to vector<16xf32>
    %swap3A_73 = vector.shape_cast %sub3A_69 : vector<16xf32> to vector<16xf32>
    tpu.vector_store %arg11[%swap3A_70], %swap3A_73 {strides = array<i32>} : memref<128xf32, #tpu.memory_space<vmem>>, vector<16xf32>,
    %sub3A_74 = arith.subf %parallel_loop3A_40#7, %parallel_loop3A_40#15 : vector<16xf32>
    %swap3A_75 = arith.constant 112 : index
    %swap3A_76 = tpu.vector_load %arg11[%swap3A_75] {strides = array<i32>} : memref<128xf32, #tpu.memory_space<vmem>>, vector<16xf32>,
    %swap3A_77 = vector.shape_cast %swap3A_76 : vector<16xf32> to vector<16xf32>
    %swap3A_78 = vector.shape_cast %sub3A_74 : vector<16xf32> to vector<16xf32>
    tpu.vector_store %arg11[%swap3A_75], %swap3A_78 {strides = array<i32>} : memref<128xf32, #tpu.memory_space<vmem>>, vector<16xf32>,
    "tpu.region"() ({
      %run_scoped3A = tpu.sem_alloc : memref<!tpu.dma_semaphore, #tpu.memory_space<semaphore_mem>>
      %dma_start3A_79 = arith.constant 0 : i32
      %dma_start3A_80 = tpu.memref_slice %arg6[%add3A, %dma_start3A_79] : memref<32x128xf32, #tpu.memory_space<hbm>> -> memref<1x128xf32, #tpu.memory_space<hbm>>
      %dma_start3A_81 = tpu.memref_squeeze %dma_start3A_80 : memref<1x128xf32, #tpu.memory_space<hbm>> -> memref<128xf32, #tpu.memory_space<hbm>>
      %dma_start3A_82 = arith.constant 0 : i32
      %dma_start3A_83 = tpu.memref_slice %arg6[%add3A, %dma_start3A_82] : memref<32x128xf32, #tpu.memory_space<hbm>> -> memref<1x128xf32, #tpu.memory_space<hbm>>
      %dma_start3A_84 = tpu.memref_squeeze %dma_start3A_83 : memref<1x128xf32, #tpu.memory_space<hbm>> -> memref<128xf32, #tpu.memory_space<hbm>>
      tpu.enqueue_dma source(%arg11 : memref<128xf32, #tpu.memory_space<vmem>>) target(%dma_start3A_84 : memref<128xf32, #tpu.memory_space<hbm>>) target_semaphore(%run_scoped3A : memref<!tpu.dma_semaphore, #tpu.memory_space<semaphore_mem>>)
      %dma_wait3A_85 = arith.constant 0 : i32
      %dma_wait3A_86 = tpu.memref_slice %arg6[%add3A, %dma_wait3A_85] : memref<32x128xf32, #tpu.memory_space<hbm>> -> memref<1x128xf32, #tpu.memory_space<hbm>>
      %dma_wait3A_87 = tpu.memref_squeeze %dma_wait3A_86 : memref<1x128xf32, #tpu.memory_space<hbm>> -> memref<128xf32, #tpu.memory_space<hbm>>
      %dma_wait3A_88 = arith.constant 0 : i32
      %dma_wait3A_89 = tpu.memref_slice %arg6[%add3A, %dma_wait3A_88] : memref<32x128xf32, #tpu.memory_space<hbm>> -> memref<1x128xf32, #tpu.memory_space<hbm>>
      %dma_wait3A_90 = tpu.memref_squeeze %dma_wait3A_89 : memref<1x128xf32, #tpu.memory_space<hbm>> -> memref<128xf32, #tpu.memory_space<hbm>>
      tpu.wait_dma2 semaphore(%run_scoped3A : memref<!tpu.dma_semaphore, #tpu.memory_space<semaphore_mem>>) src(%arg11 : memref<128xf32, #tpu.memory_space<vmem>>) dst(%dma_wait3A_90 : memref<128xf32, #tpu.memory_space<hbm>>)
      tpu.yield
    }) : () -> ()
    return
  }
}

module attributes {stable_mosaic.version = 14 : i64} {
  func.func @_prep_body(%arg0: memref<128x128xf32, #tpu.memory_space<vmem>>, %arg1: memref<128x128xf32, #tpu.memory_space<vmem>>, %arg2: memref<1x128xf32, #tpu.memory_space<vmem>>, %arg3: memref<16x128xf32, #tpu.memory_space<vmem>>, %arg4: memref<16x4096xf32, #tpu.memory_space<vmem>>, %arg5: memref<128x128xf32, #tpu.memory_space<vmem>>, %arg6: memref<128x128xf32, #tpu.memory_space<vmem>>, %arg7: memref<128x128xbf16, #tpu.memory_space<vmem>>, %arg8: memref<128x128xbf16, #tpu.memory_space<vmem>>, %arg9: memref<16x128xf32, #tpu.memory_space<vmem>>, %arg10: memref<16x4096xf32, #tpu.memory_space<vmem>>) attributes {dimension_semantics = [], scalar_prefetch = 0 : i64, scratch_operands = 0 : i64, tpu.core_type = #tpu.core_type<tc>} {
    %get3A = arith.constant 0 : index
    %get3A_0 = arith.constant 0 : index
    %get3A_1 = vector.load %arg0[%get3A, %get3A_0] : memref<128x128xf32, #tpu.memory_space<vmem>>, vector<128x128xf32>
    %custom_jvp_call3A = arith.constant 0.000000e+00 : f32
    %max3A = vector.broadcast %custom_jvp_call3A : f32 to vector<128x128xf32>
    %max3A_2 = arith.maximumf %get3A_1, %max3A : vector<128x128xf32>
    %sub3A = vector.broadcast %custom_jvp_call3A : f32 to vector<128x128xf32>
    %sub3A_3 = arith.subf %get3A_1, %sub3A : vector<128x128xf32>
    %ne3A = arith.cmpf one, %sub3A_3, %sub3A_3 : vector<128x128xf32>
    %add3A = vector.broadcast %custom_jvp_call3A : f32 to vector<128x128xf32>
    %add3A_4 = arith.addf %get3A_1, %add3A : vector<128x128xf32>
    %abs3A = math.absf %sub3A_3 : vector<128x128xf32>
    %neg3A = arith.constant 0.000000e+00 : f32
    %neg3A_5 = vector.broadcast %neg3A : f32 to vector<128x128xf32>
    %neg3A_6 = arith.subf %neg3A_5, %abs3A : vector<128x128xf32>
    %exp3A = math.exp %neg3A_6 : vector<128x128xf32>
    %log1p3A = math.log1p %exp3A : vector<128x128xf32>
    %add3A_7 = arith.addf %max3A_2, %log1p3A : vector<128x128xf32>
    %select_n3A = arith.select %ne3A, %add3A_4, %add3A_7 : vector<128x128xi1>, vector<128x128xf32>
    %get3A_8 = arith.constant 0 : index
    %get3A_9 = arith.constant 0 : index
    %get3A_10 = vector.load %arg1[%get3A_8, %get3A_9] : memref<128x128xf32, #tpu.memory_space<vmem>>, vector<128x128xf32>
    %custom_jvp_call3A_11 = arith.constant 0.000000e+00 : f32
    %max3A_12 = vector.broadcast %custom_jvp_call3A_11 : f32 to vector<128x128xf32>
    %max3A_13 = arith.maximumf %get3A_10, %max3A_12 : vector<128x128xf32>
    %sub3A_14 = vector.broadcast %custom_jvp_call3A_11 : f32 to vector<128x128xf32>
    %sub3A_15 = arith.subf %get3A_10, %sub3A_14 : vector<128x128xf32>
    %ne3A_16 = arith.cmpf one, %sub3A_15, %sub3A_15 : vector<128x128xf32>
    %add3A_17 = vector.broadcast %custom_jvp_call3A_11 : f32 to vector<128x128xf32>
    %add3A_18 = arith.addf %get3A_10, %add3A_17 : vector<128x128xf32>
    %abs3A_19 = math.absf %sub3A_15 : vector<128x128xf32>
    %neg3A_20 = arith.constant 0.000000e+00 : f32
    %neg3A_21 = vector.broadcast %neg3A_20 : f32 to vector<128x128xf32>
    %neg3A_22 = arith.subf %neg3A_21, %abs3A_19 : vector<128x128xf32>
    %exp3A_23 = math.exp %neg3A_22 : vector<128x128xf32>
    %log1p3A_24 = math.log1p %exp3A_23 : vector<128x128xf32>
    %add3A_25 = arith.addf %max3A_13, %log1p3A_24 : vector<128x128xf32>
    %select_n3A_26 = arith.select %ne3A_16, %add3A_18, %add3A_25 : vector<128x128xi1>, vector<128x128xf32>
    %transpose3A = tpu.transpose %select_n3A, [1, 0] : vector<128x128xf32> -> vector<128x128xf32>
    %swap3A = arith.constant 0 : index
    %swap3A_27 = arith.constant 0 : index
    %swap3A_28 = vector.load %arg5[%swap3A, %swap3A_27] : memref<128x128xf32, #tpu.memory_space<vmem>>, vector<128x128xf32>
    tpu.vector_store %arg5[%swap3A, %swap3A_27], %transpose3A {strides = array<i32>} : memref<128x128xf32, #tpu.memory_space<vmem>>, vector<128x128xf32>,
    %transpose3A_29 = tpu.transpose %select_n3A_26, [1, 0] : vector<128x128xf32> -> vector<128x128xf32>
    %swap3A_30 = arith.constant 0 : index
    %swap3A_31 = arith.constant 0 : index
    %swap3A_32 = vector.load %arg6[%swap3A_30, %swap3A_31] : memref<128x128xf32, #tpu.memory_space<vmem>>, vector<128x128xf32>
    tpu.vector_store %arg6[%swap3A_30, %swap3A_31], %transpose3A_29 {strides = array<i32>} : memref<128x128xf32, #tpu.memory_space<vmem>>, vector<128x128xf32>,
    %get3A_33 = arith.constant 0 : index
    %get3A_34 = arith.constant 0 : index
    %get3A_35 = vector.load %arg5[%get3A_33, %get3A_34] : memref<128x128xf32, #tpu.memory_space<vmem>>, vector<128x128xf32>
    %convert_element_type3A = arith.truncf %get3A_35 : vector<128x128xf32> to vector<128x128xbf16>
    %swap3A_36 = arith.constant 0 : index
    %swap3A_37 = arith.constant 0 : index
    %swap3A_38 = vector.load %arg7[%swap3A_36, %swap3A_37] : memref<128x128xbf16, #tpu.memory_space<vmem>>, vector<128x128xbf16>
    tpu.vector_store %arg7[%swap3A_36, %swap3A_37], %convert_element_type3A {strides = array<i32>} : memref<128x128xbf16, #tpu.memory_space<vmem>>, vector<128x128xbf16>,
    %get3A_39 = arith.constant 0 : index
    %get3A_40 = arith.constant 0 : index
    %get3A_41 = vector.load %arg6[%get3A_39, %get3A_40] : memref<128x128xf32, #tpu.memory_space<vmem>>, vector<128x128xf32>
    %convert_element_type3A_42 = arith.truncf %get3A_41 : vector<128x128xf32> to vector<128x128xbf16>
    %swap3A_43 = arith.constant 0 : index
    %swap3A_44 = arith.constant 0 : index
    %swap3A_45 = vector.load %arg8[%swap3A_43, %swap3A_44] : memref<128x128xbf16, #tpu.memory_space<vmem>>, vector<128x128xbf16>
    tpu.vector_store %arg8[%swap3A_43, %swap3A_44], %convert_element_type3A_42 {strides = array<i32>} : memref<128x128xbf16, #tpu.memory_space<vmem>>, vector<128x128xbf16>,
    %get3A_46 = arith.constant 0 : index
    %get3A_47 = arith.constant 0 : index
    %get3A_48 = vector.load %arg3[%get3A_46, %get3A_47] : memref<16x128xf32, #tpu.memory_space<vmem>>, vector<16x1xf32>
    %get3A_49 = arith.constant 0 : index
    %get3A_50 = arith.constant 0 : index
    %get3A_51 = vector.load %arg2[%get3A_49, %get3A_50] : memref<1x128xf32, #tpu.memory_space<vmem>>, vector<1x128xf32>
    %get3A_52 = vector.shape_cast %get3A_51 : vector<1x128xf32> to vector<128xf32>
    %custom_jvp_call3A_53 = arith.constant 0.000000e+00 : f32
    %max3A_54 = vector.broadcast %custom_jvp_call3A_53 : f32 to vector<128xf32>
    %max3A_55 = arith.maximumf %get3A_52, %max3A_54 : vector<128xf32>
    %sub3A_56 = vector.broadcast %custom_jvp_call3A_53 : f32 to vector<128xf32>
    %sub3A_57 = arith.subf %get3A_52, %sub3A_56 : vector<128xf32>
    %ne3A_58 = arith.cmpf one, %sub3A_57, %sub3A_57 : vector<128xf32>
    %add3A_59 = vector.broadcast %custom_jvp_call3A_53 : f32 to vector<128xf32>
    %add3A_60 = arith.addf %get3A_52, %add3A_59 : vector<128xf32>
    %abs3A_61 = math.absf %sub3A_57 : vector<128xf32>
    %neg3A_62 = arith.constant 0.000000e+00 : f32
    %neg3A_63 = vector.broadcast %neg3A_62 : f32 to vector<128xf32>
    %neg3A_64 = arith.subf %neg3A_63, %abs3A_61 : vector<128xf32>
    %exp3A_65 = math.exp %neg3A_64 : vector<128xf32>
    %log1p3A_66 = math.log1p %exp3A_65 : vector<128xf32>
    %add3A_67 = arith.addf %max3A_55, %log1p3A_66 : vector<128xf32>
    %select_n3A_68 = arith.select %ne3A_58, %add3A_60, %add3A_67 : vector<128xi1>, vector<128xf32>
    %broadcast_in_dim3A = vector.shape_cast %select_n3A_68 : vector<128xf32> to vector<1x128xf32>
    %mul3A = vector.broadcast %broadcast_in_dim3A : vector<1x128xf32> to vector<16x128xf32>
    %mul3A_69 = vector.broadcast %get3A_48 : vector<16x1xf32> to vector<16x128xf32>
    %mul3A_70 = arith.mulf %mul3A, %mul3A_69 : vector<16x128xf32>
    %swap3A_71 = arith.constant 0 : index
    %swap3A_72 = arith.constant 0 : index
    %swap3A_73 = vector.load %arg9[%swap3A_71, %swap3A_72] : memref<16x128xf32, #tpu.memory_space<vmem>>, vector<16x128xf32>
    tpu.vector_store %arg9[%swap3A_71, %swap3A_72], %mul3A_70 {strides = array<i32>} : memref<16x128xf32, #tpu.memory_space<vmem>>, vector<16x128xf32>,
    %get3A_74 = arith.constant 0 : index
    %get3A_75 = arith.constant 0 : index
    %get3A_76 = vector.load %arg4[%get3A_74, %get3A_75] : memref<16x4096xf32, #tpu.memory_space<vmem>>, vector<16x4096xf32>
    %sub3A_77 = vector.broadcast %get3A_48 : vector<16x1xf32> to vector<16x4096xf32>
    %sub3A_78 = arith.subf %get3A_76, %sub3A_77 : vector<16x4096xf32>
    %swap3A_79 = arith.constant 0 : index
    %swap3A_80 = arith.constant 0 : index
    %swap3A_81 = vector.load %arg10[%swap3A_79, %swap3A_80] : memref<16x4096xf32, #tpu.memory_space<vmem>>, vector<16x4096xf32>
    tpu.vector_store %arg10[%swap3A_79, %swap3A_80], %sub3A_78 {strides = array<i32>} : memref<16x4096xf32, #tpu.memory_space<vmem>>, vector<16x4096xf32>,
    return
  }
}

module attributes {stable_mosaic.version = 14 : i64} {
  func.func @_tc_body(%arg0: i32, %arg1: i32, %arg2: memref<1x1x1x1024xf32, #tpu.memory_space<vmem>>, %arg3: memref<1x1x1x1024xi32, #tpu.memory_space<vmem>>, %arg4: memref<1x1x128xf32, #tpu.memory_space<vmem>>, %arg5: memref<128x128xbf16, #tpu.memory_space<vmem>>, %arg6: memref<128x128xbf16, #tpu.memory_space<vmem>>, %arg7: memref<1x1x128xf32, #tpu.memory_space<vmem>>) attributes {dimension_semantics = [#tpu.dimension_semantics<arbitrary>, #tpu.dimension_semantics<arbitrary>], iteration_bounds = array<i64: 16, 2>, scalar_prefetch = 0 : i64, scratch_operands = 0 : i64, tpu.core_type = #tpu.core_type<tc>, window_params = [{transform_indices = @transform_0, window_bounds = array<i64: 1, 1, 1, 1024>}, {transform_indices = @transform_1, window_bounds = array<i64: 1, 1, 1, 1024>}, {transform_indices = @transform_2, window_bounds = array<i64: 1, 1, 128>}, {pipeline_mode = #tpu.pipeline_mode<synchronous>, transform_indices = @transform_3, window_bounds = array<i64: 128, 128>}, {pipeline_mode = #tpu.pipeline_mode<synchronous>, transform_indices = @transform_4, window_bounds = array<i64: 128, 128>}, {transform_indices = @transform_5, window_bounds = array<i64: 1, 1, 128>}]} {
    %get3A = arith.constant 0 : index
    %get3A_0 = arith.constant 0 : index
    %get3A_1 = arith.constant 0 : index
    %get3A_2 = arith.constant 0 : index
    %get3A_3 = vector.load %arg2[%get3A, %get3A_0, %get3A_1, %get3A_2] : memref<1x1x1x1024xf32, #tpu.memory_space<vmem>>, vector<1x1x1x1024xf32>
    %get3A_4 = vector.shape_cast %get3A_3 : vector<1x1x1x1024xf32> to vector<1024xf32>
    %get3A_5 = arith.constant 0 : index
    %get3A_6 = arith.constant 0 : index
    %get3A_7 = arith.constant 0 : index
    %get3A_8 = arith.constant 0 : index
    %get3A_9 = vector.load %arg3[%get3A_5, %get3A_6, %get3A_7, %get3A_8] : memref<1x1x1x1024xi32, #tpu.memory_space<vmem>>, vector<1x1x1x1024xi32>
    %get3A_10 = vector.shape_cast %get3A_9 : vector<1x1x1x1024xi32> to vector<1024xi32>
    %get3A_11 = arith.constant 0 : index
    %get3A_12 = arith.constant 0 : index
    %get3A_13 = arith.constant 0 : index
    %get3A_14 = vector.load %arg4[%get3A_11, %get3A_12, %get3A_13] : memref<1x1x128xf32, #tpu.memory_space<vmem>>, vector<1x1x1xf32>
    %get3A_15 = vector.extract %get3A_14[0, 0, 0] : f32 from vector<1x1x1xf32>
    %get3A_16 = arith.constant 0 : index
    %get3A_17 = arith.constant 0 : index
    %get3A_18 = vector.load %arg5[%get3A_16, %get3A_17] : memref<128x128xbf16, #tpu.memory_space<vmem>>, vector<128x128xbf16>
    %get3A_19 = arith.constant 0 : index
    %get3A_20 = arith.constant 0 : index
    %get3A_21 = vector.load %arg6[%get3A_19, %get3A_20] : memref<128x128xbf16, #tpu.memory_space<vmem>>, vector<128x128xbf16>
    %broadcast_in_dim3A = vector.shape_cast %get3A_10 : vector<1024xi32> to vector<1024x1xi32>
    %iota3A = tpu.iota {dimensions = array<i32: 1>} : vector<1024x128xi32>
    %eq3A = vector.broadcast %broadcast_in_dim3A : vector<1024x1xi32> to vector<1024x128xi32>
    %eq3A_22 = arith.cmpi eq, %eq3A, %iota3A : vector<1024x128xi32>
    %convert_element_type3A = arith.extui %eq3A_22 : vector<1024x128xi1> to vector<1024x128xi32>
    %convert_element_type3A_23 = arith.sitofp %convert_element_type3A : vector<1024x128xi32> to vector<1024x128xf32>
    %convert_element_type3A_24 = arith.truncf %convert_element_type3A_23 : vector<1024x128xf32> to vector<1024x128xbf16>
    %dot_general3A = arith.constant dense<0.000000e+00> : vector<1024x128xf32>
    %dot_general3A_25 = tpu.matmul %convert_element_type3A_24, %get3A_18, %dot_general3A {dimension_numbers = #tpu.dot_dimension_numbers<[1], [0], [0], [1], [0, 0, 1, 1], [], []>, transpose_lhs_hint = false} : vector<1024x128xbf16>, vector<128x128xbf16>, vector<1024x128xf32> -> vector<1024x128xf32>
    %dot_general3A_26 = arith.constant dense<0.000000e+00> : vector<1024x128xf32>
    %dot_general3A_27 = tpu.matmul %convert_element_type3A_24, %get3A_21, %dot_general3A_26 {dimension_numbers = #tpu.dot_dimension_numbers<[1], [0], [0], [1], [0, 0, 1, 1], [], []>, transpose_lhs_hint = false} : vector<1024x128xbf16>, vector<128x128xbf16>, vector<1024x128xf32> -> vector<1024x128xf32>
    %sub3A = vector.broadcast %get3A_15 : f32 to vector<1024xf32>
    %sub3A_28 = arith.subf %get3A_4, %sub3A : vector<1024xf32>
    %broadcast_in_dim3A_29 = vector.shape_cast %sub3A_28 : vector<1024xf32> to vector<1024x1xf32>
    %mul3A = vector.broadcast %broadcast_in_dim3A_29 : vector<1024x1xf32> to vector<1024x128xf32>
    %mul3A_30 = arith.mulf %dot_general3A_27, %mul3A : vector<1024x128xf32>
    %exp3A = math.exp %mul3A_30 : vector<1024x128xf32>
    %mul3A_31 = arith.mulf %dot_general3A_25, %exp3A : vector<1024x128xf32>
    %broadcast_in_dim3A_32 = arith.constant 1.000000e+00 : f32
    %broadcast_in_dim3A_33 = vector.broadcast %broadcast_in_dim3A_32 : f32 to vector<8x1024xf32>
    %sub3A_34 = arith.subf %dot_general3A_25, %mul3A_31 : vector<1024x128xf32>
    %dot_general3A_35 = arith.constant dense<0.000000e+00> : vector<8x128xf32>
    %dot_general3A_36 = tpu.matmul %broadcast_in_dim3A_33, %sub3A_34, %dot_general3A_35 {dimension_numbers = #tpu.dot_dimension_numbers<[1], [0], [0], [1], [0, 0, 1, 1], [], []>, transpose_lhs_hint = false} : vector<8x1024xf32>, vector<1024x128xf32>, vector<8x128xf32> -> vector<8x128xf32>
    %slice3A = vector.extract_strided_slice %dot_general3A_36 {offsets = [0, 0], sizes = [1, 128], strides = [1, 1]} : vector<8x128xf32> to vector<1x128xf32>
    %eq3A_37 = arith.constant 0 : i32
    %eq3A_38 = arith.cmpi eq, %arg1, %eq3A_37 : i32
    %convert_element_type3A_39 = arith.extui %eq3A_38 : i1 to i32
    %cond3A = arith.constant 0 : i32
    %cond3A_40 = arith.cmpi ne, %convert_element_type3A_39, %cond3A : i32
    scf.if %cond3A_40 {
      %swap3A = arith.constant 0 : index
      %swap3A_45 = arith.constant 0 : index
      %swap3A_46 = arith.constant 0 : index
      %swap3A_47 = vector.load %arg7[%swap3A, %swap3A_45, %swap3A_46] : memref<1x1x128xf32, #tpu.memory_space<vmem>>, vector<1x1x128xf32>
      %swap3A_48 = vector.shape_cast %swap3A_47 : vector<1x1x128xf32> to vector<1x128xf32>
      %swap3A_49 = vector.shape_cast %slice3A : vector<1x128xf32> to vector<1x1x128xf32>
      tpu.vector_store %arg7[%swap3A, %swap3A_45, %swap3A_46], %swap3A_49 {strides = array<i32>} : memref<1x1x128xf32, #tpu.memory_space<vmem>>, vector<1x1x128xf32>,
    } else {
    }
    %ne3A = arith.constant 0 : i32
    %ne3A_41 = arith.cmpi ne, %arg1, %ne3A : i32
    %convert_element_type3A_42 = arith.extui %ne3A_41 : i1 to i32
    %cond3A_43 = arith.constant 0 : i32
    %cond3A_44 = arith.cmpi ne, %convert_element_type3A_42, %cond3A_43 : i32
    scf.if %cond3A_44 {
      %get3A_45 = arith.constant 0 : index
      %get3A_46 = arith.constant 0 : index
      %get3A_47 = arith.constant 0 : index
      %get3A_48 = vector.load %arg7[%get3A_45, %get3A_46, %get3A_47] : memref<1x1x128xf32, #tpu.memory_space<vmem>>, vector<1x1x128xf32>
      %get3A_49 = vector.shape_cast %get3A_48 : vector<1x1x128xf32> to vector<1x128xf32>
      %add3A = arith.addf %get3A_49, %slice3A : vector<1x128xf32>
      %swap3A = arith.constant 0 : index
      %swap3A_50 = arith.constant 0 : index
      %swap3A_51 = arith.constant 0 : index
      %swap3A_52 = vector.load %arg7[%swap3A, %swap3A_50, %swap3A_51] : memref<1x1x128xf32, #tpu.memory_space<vmem>>, vector<1x1x128xf32>
      %swap3A_53 = vector.shape_cast %swap3A_52 : vector<1x1x128xf32> to vector<1x128xf32>
      %swap3A_54 = vector.shape_cast %add3A : vector<1x128xf32> to vector<1x1x128xf32>
      tpu.vector_store %arg7[%swap3A, %swap3A_50, %swap3A_51], %swap3A_54 {strides = array<i32>} : memref<1x1x128xf32, #tpu.memory_space<vmem>>, vector<1x1x128xf32>,
    } else {
    }
    return
  }
  func.func @transform_0(%arg0: i32, %arg1: i32) -> (i32, i32, i32, i32) {
    %c0_i32 = arith.constant 0 : i32
    %c0_i32_0 = arith.constant 0 : i32
    %c0_i32_1 = arith.constant 0 : i32
    return %arg0, %arg1, %c0_i32, %c0_i32_0 : i32, i32, i32, i32
  }
  func.func @transform_1(%arg0: i32, %arg1: i32) -> (i32, i32, i32, i32) {
    %c0_i32 = arith.constant 0 : i32
    %c0_i32_0 = arith.constant 0 : i32
    %c0_i32_1 = arith.constant 0 : i32
    return %arg0, %arg1, %c0_i32, %c0_i32_0 : i32, i32, i32, i32
  }
  func.func @transform_2(%arg0: i32, %arg1: i32) -> (i32, i32, i32) {
    %c0_i32 = arith.constant 0 : i32
    %c0_i32_0 = arith.constant 0 : i32
    %c0_i32_1 = arith.constant 0 : i32
    return %arg0, %c0_i32, %c0_i32_0 : i32, i32, i32
  }
  func.func @transform_3(%arg0: i32, %arg1: i32) -> (i32, i32) {
    %c0_i32 = arith.constant 0 : i32
    %c0_i32_0 = arith.constant 0 : i32
    %c0_i32_1 = arith.constant 0 : i32
    return %c0_i32, %c0_i32_0 : i32, i32
  }
  func.func @transform_4(%arg0: i32, %arg1: i32) -> (i32, i32) {
    %c0_i32 = arith.constant 0 : i32
    %c0_i32_0 = arith.constant 0 : i32
    %c0_i32_1 = arith.constant 0 : i32
    return %c0_i32, %c0_i32_0 : i32, i32
  }
  func.func @transform_5(%arg0: i32, %arg1: i32) -> (i32, i32, i32) {
    %c0_i32 = arith.constant 0 : i32
    %c0_i32_0 = arith.constant 0 : i32
    %c0_i32_1 = arith.constant 0 : i32
    return %arg0, %c0_i32, %c0_i32_0 : i32, i32, i32
  }
}

</mosaic_0001>

<sc_bundles>
// kernel: kernel.5.cloned.1.call-start
scs
__scs_entry_jumppad:
0x0: {  	(pc) =	sbr.rel $0x88, $3  }
0x1: {  	(tag) =	ssettag $0x0;
	lr =	simm.s32 $0x1  }
0x2: {  	[smem:$0x3F9B] =	sst lr;
	_ =	strace $0xD0000000  }
0x3: {  	_ = 	snop  }
0x4: {  	_ = 	snop  }
0x5: {  	_ = 	snop  }
0x6: {  	_ = 	snop  }
0x7: {  	_ = 	snop  }
__scs_overlays_trampoline_lowered:
0x8: {  	[smem:$0x3FAA] =	sst s0  }
0x9: {  	[smem:$0x3FAB] =	sst s1  }
0xa: {  	[smem:$0x3FAC] =	sst s2  }
0xb: {  	[smem:$0x3FAD] =	sst s3  }
0xc: {  	[smem:$0x3FAE] =	sst s4  }
0xd: {  	[smem:$0x3FAF] =	sst s5  }
0xe: {  	[smem:$0x3FB0] =	sst s6  }
0xf: {  	[smem:$0x3FB1] =	sst s7  }
0x10: {  	[smem:$0x3FB2] =	sst s8  }
0x11: {  	[smem:$0x3FB3] =	sst s9;
	s0 =	simm.s32 @!p0 $0x0  }
0x12: {  	s1 =	sld [smem:$0x3F99];
	s0 =	simm.s32 @p0 $0x1  }
0x13: {  	[smem:$0x3FB4] =	sst s0;
	s0 =	simm.s32 @!p1 $0x0  }
0x14: {  	s2 =	sld [smem:$0x3F98];
	s0 =	simm.s32 @p1 $0x1  }
0x15: {  	[smem:$0x3FB5] =	sst s0;
	s0 =	simm.s32 @!p2 $0x0  }
0x16: {  	s3 =	sld [smem:$0x3FDB];
	s0 =	simm.s32 @p2 $0x1  }
0x17: {  	s4 =	simm.s32 $0x1BF5;
	[smem:$0x3FB7] =	sst s0  }
0x18: {  	s0 =	sld [smem:$0x3F9A];
	_ =	swait.ge [sflag:s4], $0x0  }
0x19: {  	s7 =	sld [smem:$0x3F9B]  }
0x1a: {  	s8 =	sadd.s32 $0xFFFFE003, lr  }
0x1b: {  	s9 =	sadd.s32 $0xFFFFFEF7, lr;
	s5 =	simm.s32 $0xFFFFFFFF;
	p2 =	slt.u32 s8, $0xFFFFF086  }
0x1c: {  	p1 =	slt.u32 s9, $0xF7A;
	s5 =	simm.s32 @!p2 $0x0  }
0x1d: {  	s5 =	simm.s32 @p1 $0x1;
	p0 =	seq.s32 s7, s2  }
0x1e: {  	s7 =	smul.u32 @!p0 $0xF7A, s2;
	p2 =	seq.s32 @!p0 s5, $0x0  }
0x1f: {  	s9 =	smul.u32 $0xF7A, s1;
	s8 =	simm.s32 @!p0 $0x1BF5;
	p2 =	por !p2, p0  }
0x20: {  	[sflag:s8] =	ssyncset.s32 @!p0 $0xFFFFF086;
	s6 =	sadd.s32 @!p0 s3, s7;
	s7 =	simm.s32 @!p0 $0x108  }
0x21: {  	s3 =	sadd.s32 s3, s9;
	s6 =	sadd.s32 @!p0 $0x88, s6;
	s7 =	simm.s32 @p2 $0x1082  }
0x22: {  	[simem:s7], [sflag:s8] =	dma.local @!p0 [hbm:s6], $0xF7A  }
0x23: {  	s9 =	sor.u32 $0xD0000000, s2;
	s6 =	simm.s32 $0x108;
	_ =	swait.ge @!p0 [sflag:s8], $0x0  }
0x24: {  	s3 =	sadd.s32 $0x88, s3;
	s6 =	simm.s32 @!p1 $0x1082;
	[sflag:s4] =	ssyncset.s32 $0xFFFFF086  }
0x25: {  	[simem:s6], [sflag:s4] =	dma.local [hbm:s3], $0xF7A  }
0x26: {  	[smem:$0x3F9B] =	sst s1;
	(tag) =	ssettag s2;
	_ =	strace s9  }
0x27: {  	s1 =	sld [smem:$0x3FAB]  }
0x28: {  	s2 =	sld [smem:$0x3FAC]  }
0x29: {  	s4 =	sld [smem:$0x3FAE]  }
0x2a: {  	p0 =	seq.s32 s5, $0x0;
	s5 =	sld [smem:$0x3FAF]  }
0x2b: {  	s6 =	sld [smem:$0x3FB0]  }
0x2c: {  	s7 =	sld [smem:$0x3FB1]  }
0x2d: {  	s3 =	simm.s32 $0x108;
	s8 =	sld [smem:$0x3FB2]  }
0x2e: {  	s3 =	simm.s32 @!p0 $0x1082;
	s9 =	sld [smem:$0x3FB3]  }
0x2f: {  	lr =	sadd.s32 s0, s3;
	s0 =	sld [smem:$0x3FAA]  }
0x30: {  	s3 =	sld [smem:$0x3FAD]  }
0x31: {  	[smem:$0x3FB6] =	sst s10  }
0x32: {  	s10 =	sld [smem:$0x3FB4];
	_ =	sdelay $0x3  }
0x33: {  	p0 =	seq.s32 s10, $0x1;
	s10 =	sld [smem:$0x3FB6];
	_ =	sdelay $0x3  }
0x34: {  	[smem:$0x3FB6] =	sst s10  }
0x35: {  	s10 =	sld [smem:$0x3FB5];
	_ =	sdelay $0x3  }
0x36: {  	p1 =	seq.s32 s10, $0x1;
	s10 =	sld [smem:$0x3FB6];
	_ =	sdelay $0x3  }
0x37: {  	[smem:$0x3FB6] =	sst s10  }
0x38: {  	s10 =	sld [smem:$0x3FB7]  }
0x39: {  	_ = 	snop;
	(pc) =	sbr.ind lr, $3  }
0x3a: {  	_ = 	snop  }
0x3b: {  	_ = 	snop  }
0x3c: {  	p2 =	seq.s32 s10, $0x1;
	s10 =	sld [smem:$0x3FB6]  }
0x3d: {  	_ =	shalt  }
0x3e: {  	_ =	shalt  }
0x3f: {  	_ =	shalt  }
0x40: {  	_ =	shalt  }
0x41: {  	_ =	shalt  }
0x42: {  	_ =	shalt  }
0x43: {  	_ =	shalt  }
0x44: {  	_ =	shalt  }
0x45: {  	_ =	shalt  }
0x46: {  	_ =	shalt  }
0x47: {  	_ =	shalt  }
0x48: {  	_ =	shalt  }
0x49: {  	_ =	shalt  }
0x4a: {  	_ =	shalt  }
0x4b: {  	_ =	shalt  }
0x4c: {  	_ =	shalt  }
0x4d: {  	_ =	shalt  }
0x4e: {  	_ =	shalt  }
0x4f: {  	_ =	shalt  }
0x50: {  	_ =	shalt  }
0x51: {  	_ =	shalt  }
0x52: {  	_ =	shalt  }
0x53: {  	_ =	shalt  }
0x54: {  	_ =	shalt  }
0x55: {  	_ =	shalt  }
0x56: {  	_ =	shalt  }
0x57: {  	_ =	shalt  }
0x58: {  	_ =	shalt  }
0x59: {  	_ =	shalt  }
0x5a: {  	_ =	shalt  }
0x5b: {  	_ =	shalt  }
0x5c: {  	_ =	shalt  }
0x5d: {  	_ =	shalt  }
0x5e: {  	_ =	shalt  }
0x5f: {  	_ =	shalt  }
0x60: {  	_ =	shalt  }
0x61: {  	_ =	shalt  }
0x62: {  	_ =	shalt  }
0x63: {  	_ =	shalt  }
0x64: {  	_ =	shalt  }
0x65: {  	_ =	shalt  }
0x66: {  	_ =	shalt  }
0x67: {  	_ =	shalt  }
0x68: {  	_ =	shalt  }
0x69: {  	_ =	shalt  }
0x6a: {  	_ =	shalt  }
0x6b: {  	_ =	shalt  }
0x6c: {  	_ =	shalt  }
0x6d: {  	_ =	shalt  }
0x6e: {  	_ =	shalt  }
0x6f: {  	_ =	shalt  }
0x70: {  	_ =	shalt  }
0x71: {  	_ =	shalt  }
0x72: {  	_ =	shalt  }
0x73: {  	_ =	shalt  }
0x74: {  	_ =	shalt  }
0x75: {  	_ =	shalt  }
0x76: {  	_ =	shalt  }
0x77: {  	_ =	shalt  }
0x78: {  	_ =	shalt  }
0x79: {  	_ =	shalt  }
0x7a: {  	_ =	shalt  }
0x7b: {  	_ =	shalt  }
0x7c: {  	_ =	shalt  }
0x7d: {  	_ =	shalt  }
0x7e: {  	_ =	shalt  }
0x7f: {  	_ =	shalt  }
0x80: {  	_ =	shalt  }
0x81: {  	_ =	shalt  }
0x82: {  	_ =	shalt  }
0x83: {  	_ =	shalt  }
0x84: {  	_ =	shalt  }
0x85: {  	_ =	shalt  }
0x86: {  	_ =	shalt  }
0x87: {  	_ =	shalt  }
.Lfunc_end0:
.L_simem_size_0:
called_computation_lowered:
.L_overlay_start_0:
0x88: {  	s2 =	sld [smem:$0x3FD9]  }
0x89: {  	s3 =	sld [smem:$0x3FFE];
	_ =	sdelay $0x1  }
0x8a: {  	s1 =	srdreg.scid  }
0x8b: {  	s0 =	sand.u32 $0x1, s1  }
0x8c: {  	s16 =	sshll.u32 s0, $0xA;
	s2 =	sadd.s32 s3, s2  }
0x8d: {  	s2 =	sadd.s32 s2, s16  }
0x8e: {  	[smem:$0x3FC2] =	sst s2  }
0x8f: {  	_ = 	snop  }
0x90: {  	(tm) =	ssettm $0x1  }
0x91: {  	s17 =	sld [smem:$0x3FFB];
	_ =	sdelay $0x3  }
0x92: {  	_ =	strace s17  }
0x93: {  	s2 =	sld [smem:$0x3FFC];
	_ =	sdelay $0x3  }
0x94: {  	_ =	strace s2  }
0x95: {  	s2 =	sld [smem:$0x3FFD];
	_ =	sdelay $0x3  }
0x96: {  	_ =	strace s2  }
0x97: {  	_ =	strace $0x8FFFFFFF  }
0x98: {  	s18 =	sld [smem:$0x3FDB];
	_ =	sdelay $0x1  }
0x99: {  	s19 =	simm.s32 $_scs_section_size  }
0x9a: {  	s4 =	simm.s32 $_size__tile_overlayer_lowered;
	s5 =	simm.s32 $_tile_overlayer_lowered  }
0x9b: {  	s22 =	simm.s32 $0x1BFF;
	s21 =	sshll.u32 s5, $0x1;
	s2 =	sadd.s32 s19, s18  }
0x9c: {  	s6 =	simm.s32 $0x0;
	s20 =	sshll.u32 s4, $0x1;
	s4 =	sadd.s32 s21, s2  }
0x9d: {  	[timem:s6], [sflag:s22] =	dma.local [hbm:s4], s20  }
0x9e: {  	_ =	swait.ge [sflag:s22], s20  }
0x9f: {  	s3 =	ssub.s32 $0x0, s20;
	[sflag:s22] =	ssyncset.done $0x0  }
0xa0: {  	[sflag:s22] =	ssyncadd.s32 s3;
	_ =	sdelay $0x1  }
0xa1: {  	s23 =	simm.s32 $0x1B8B  }
0xa2: {  	_ =	swait.ge [sflag:s23], $0x1  }
0xa3: {  	[sflag:s23] =	ssyncset.done $0x0  }
0xa4: {  	s25 =	simm.s32 $0x1B8E;
	s24 =	sld [smem:$0x3FFE];
	[sflag:s23] =	ssyncadd.s32 $0xFFFFFFFF  }
0xa5: {  	s26 =	simm.s32 $execute0_lowered;
	[smem:$0x3FD2] =	sst s25  }
0xa6: {  	s4 =	sshll.u32 s26, $0x1;
	_ =	strace $0x80000046;
	[dreg:$0x1] =	wrdreg $0xFFFFFFFF  }
0xa7: {  	s28 =	simm.s32 $_size_execute0_lowered;
	s2 =	sadd.s32 s2, s4;
	[dreg:$0x0] =	wrdreg $0x0  }
0xa8: {  	s4 =	sshll.u32 s28, $0x1;
	[dreg:$0x2] =	wrdreg s2  }
0xa9: {  	[dreg:$0x3] =	wrdreg s4  }
0xaa: {  	[dreg:$0x4] =	wrdreg $0xC0  }
0xab: {  	_ =	task [dreg:s6], $0x5FFFF  }
0xac: {  	[dreg:$0x1] =	wrdreg $0xFFFFFFFF  }
0xad: {  	[dreg:$0x0] =	wrdreg $0x60  }
0xae: {  	[dreg:$0x2] =	wrdreg s24  }
0xaf: {  	[dreg:$0x3] =	wrdreg $0x9  }
0xb0: {  	_ =	task.clear_ibuf [dreg:s6], $0x4FFFF;
	_ =	strace $0x90000046  }
0xb1: {  	s29 =	simm.s32 $0x9;
	_ =	strace $0x80000048  }
0xb2: {  	_ =	swait.ge [sflag:s29], $0x1  }
0xb3: {  	[sflag:s29] =	ssyncadd.s32 $0xFFFFFFFF  }
0xb4: {  	_ =	strace $0x90000048  }
0xb5: {  	_ =	sfence  }
0xb6: {  	s30 =	sld [smem:$0x0];
	_ =	sdelay $0x2  }
0xb7: {  	s31 =	sshll.u32 s1, $0xD;
	s1 =	sshrl.u32 s1, $0x2  }
0xb8: {  	s3 =	sand.u32 $0x4000, s31;
	s1 =	sadd.s32 s1, s30  }
0xb9: {  	s0 =	sor.u32 s3, s0;
	s1 =	sshll.u32 s1, $0x11  }
0xba: {  	s0 =	sor.u32 s1, s0  }
0xbb: {  	s0 =	sadd.s32 $0x8F2B, s0  }
0xbc: {  	[sflag:s0] =	ssyncadd.remote.s32 $0x1  }
0xbd: {  	_ =	sfence.sel $0xFFFF  }
0xbe: {  	[dreg:$0x0] =	wrdreg $0xFFFFFFFF;
	(pc) =	sbr.abs _section_cstart, $3  }
0xbf: {  	[dreg:$0x1] =	wrdreg $0xFFFFFFFF  }
0xc0: {  	_ =	task.clear_ibuf [dreg:s6], $0x2FFFF;
	_ =	strace $0x9FFFFFFF  }
0xc1: {  	(tm) =	ssettm $0x7FFFFFFF  }
tec
execute0_lowered:
.L_overlay_start_1:
0x0: {  	(tag) =	ssettag $0x1  }
0x1: {  	s5 =	rddreg [dreg:$0x0]  }
0x2: {  	s0 =	rddreg [dreg:$0x1];
	s2 =	simm.s32 $0x0;
	s4 =	srdreg.scid  }
0x3: {  	s1 =	stileid.u32;
	s10 =	simm.s32 $0x80;
	s11 =	simm.s32 $0x400  }
0x4: {  	s12 =	simm.s32 $0x1;
	s13 =	simm.s32 $0x8800;
	s14 =	simm.s32 $0x2  }
0x5: {  	s15 =	simm.s32 $0x0;
	[smem:$0x7FF] =	sst s2;
	s3 =	sadd.s32 $0x1800, s5  }
0x6: {  	s6 =	sand.u32 $0x1, s4;
	s28 =	sshll.u32 s1, $0x8;
	s7 =	sshrl.u32 s1, $0x2  }
0x7: {  	_ =	strace $0x80000047;
	s8 =	sshll.u32 s6, $0x7;
	s4 =	sand.u32 $0x300, s28  }
0x8: {  	s9 =	sshll.u32 s7, $0xD;
	s7 =	sshll.u32 s7, $0xA;
	s8 =	sor.u32 s8, s4  }
0x9: {  	s6 =	ssub.s32 $0x2, s6;
	s4 =	sadd.s32 $0x2000, s5;
	s9 =	sor.u32 s9, s8  }
0xa: {  	s30 =	sshrl.u32 s6, $0x1;
	s7 =	sor.u32 s7, s8;
	s29 =	sshrl.u32 s9, $0x3  }
0xb: {  	s31 =	ssub.s32 s6, s30;
	s7 =	sshrl.u32 s7, $0x3;
	s8 =	sadd.s32 s29, s5  }
0xc: {  	s9 =	simm.s32 $0x4000;
	s7 =	sadd.s32 s7, s5;
	s5 =	sadd.s32 $0x3800, s8  }
0xd: {  	s6 =	sadd.s32 $0x2800, s8;
	s7 =	sadd.s32 $0x4800, s7;
	s8 =	smax.u32 s31, $0x1  }
.LBB2_1:
0xe: {  	[tilespmem:s2], [sflag:$0x1] =	stream.linear.gather [hbm4b:s3+s2], $0x4000, $0x38;
	[tilespmem:$0x8880] =	vst v63  }
0xf: {  	_ = 	snop  }
0x10: {  	[tilespmem:s9], [sflag:$0x1] =	stream.linear.gather [hbm4b:s4+s2], $0x4000, $0x38;
	[tilespmem:$0x8880] =	vst v63  }
0x11: {  	s16 =	simm.s32 $0x8000  }
0x12: {  	[tilespmem:s16], [sflag:$0x1] =	stream.strided.gather [hbm4b:s5+s10], $0x400, s11, s10, $0x38;
	[tilespmem:$0x8880] =	vst v63  }
0x13: {  	s17 =	simm.s32 $0x8400  }
0x14: {  	[tilespmem:s17], [sflag:$0x1] =	stream.strided.gather [hbm4b:s6+s10], $0x400, s11, s10, $0x38;
	[tilespmem:$0x8880] =	vst v63  }
0x15: {  	_ =	swait.ge [sflag:s12], $0x4000  }
0x16: {  	[sflag:s12] =	ssyncset.done $0x0  }
0x17: {  	[sflag:s12] =	ssyncadd.s32 $0xFFFFC000  }
0x18: {  	_ =	swait.ge [sflag:s12], $0x4000  }
0x19: {  	[sflag:s12] =	ssyncset.done $0x0  }
0x1a: {  	[sflag:s12] =	ssyncadd.s32 $0xFFFFC000  }
0x1b: {  	v2 =	vimm.f32 $0.0e+00;
	_ =	swait.ge [sflag:s12], $0x400  }
0x1c: {  	v3 =	vimm.f32 $0.0e+00;
	v5 =	vimm.f32 $0.0e+00;
	v7 =	vimm.f32 $0.0e+00;
	[sflag:s12] =	ssyncset.done $0x0  }
0x1d: {  	v9 =	vimm.f32 $0.0e+00;
	v11 =	vimm.f32 $0.0e+00;
	v13 =	vimm.f32 $0.0e+00;
	[sflag:s12] =	ssyncadd.s32 $0xFFFFFC00  }
0x1e: {  	v14 =	vimm.f32 $0.0e+00;
	v4 =	vimm.f32 $0.0e+00;
	v6 =	vimm.f32 $0.0e+00;
	_ =	swait.ge [sflag:s12], $0x400  }
0x1f: {  	v8 =	vimm.f32 $0.0e+00;
	v10 =	vimm.f32 $0.0e+00;
	v12 =	vimm.f32 $0.0e+00;
	[sflag:s12] =	ssyncset.done $0x0  }
0x20: {  	s18 =	simm.s32 $0xFFFFFFF0;
	v15 =	vimm.f32 $0.0e+00;
	v16 =	vimm.f32 $0.0e+00;
	v17 =	vimm.f32 $0.0e+00;
	[sflag:s12] =	ssyncadd.s32 $0xFFFFFC00  }
.LBB2_2:
0x21: {  	v0 =	vld [tilespmem:s16+$0x0];
	_ =	sdelay $0x4  }
0x22: {  	v1 =	vshll.u32 v0, $0x7  }
0x23: {  	(v2sf) =	vpush v1, $0x0;
	_ =	sdelay $0xc  }
0x24: {  	(v2sf) =	vpush v1, $0x1  }
0x25: {  	v0 =	vld [tilespmem:s17+$0x0]  }
0x26: {  	s19 =	spop (v2sf)  }
0x27: {  	v18 =	vld [tilespmem:s19+$0x4000];
	_ =	sdelay $0x1  }
0x28: {  	v19 =	vld [tilespmem:s19+$0x4010]  }
0x29: {  	v20 =	vbroadcast v0, $0x0;
	v21 =	vld [tilespmem:s19+$0x4020];
	_ =	sdelay $0x1  }
0x2a: {  	v22 =	vld [tilespmem:s19+$0x4030];
	v18 =	vmul.f32 v18, v20  }
0x2b: {  	v23 =	vld [tilespmem:s19+$0x4040]  }
0x2c: {  	v19 =	vmul.f32 v19, v20;
	v18 =	vmul.f32 $1.442695020e+00, v18  }
0x2d: {  	v24 =	vld [tilespmem:s19+$0x4050];
	v21 =	vmul.f32 v21, v20  }
0x2e: {  	(erf) = vpow2.f32 v18;
	v18 =	vmul.f32 $1.442695020e+00, v19  }
0x2f: {  	v48 =	vmul.f32 v22, v20;
	v19 =	vmul.f32 $1.442695020e+00, v21  }
0x30: {  	v49 =	vld [tilespmem:s19+$0x4060];
	(erf) = vpow2.f32 v18;
	v18 =	vmul.f32 v23, v20  }
0x31: {  	v50 =	vld [tilespmem:s19+$0x4070];
	s20 =	spop (v2sf);
	(erf) = vpow2.f32 v19;
	v19 =	vmul.f32 $1.442695020e+00, v48  }
0x32: {  	v52 =	vld [tilespmem:s20+$0x4000];
	v51 =	vmul.f32 v24, v20;
	v18 =	vmul.f32 $1.442695020e+00, v18  }
0x33: {  	(erf) = vpow2.f32 v19;
	v19 =	vld [tilespmem:s20+$0x4010]  }
0x34: {  	(erf) = vpow2.f32 v18;
	v18 =	vmul.f32 $1.442695020e+00, v51  }
0x35: {  	v53 =	vbroadcast v0, $0x1;
	v22 =	vmul.f32 v49, v20  }
0x36: {  	(erf) = vpow2.f32 v18;
	v18 =	vmul.f32 v50, v20  }
0x37: {  	v55 =	vmul.f32 v52, v53;
	v54 =	vmul.f32 $1.442695020e+00, v22  }
0x38: {  	v18 =	vmul.f32 $1.442695020e+00, v18;
	v19 =	vmul.f32 v19, v53  }
0x39: {  	v56 =	vmul.f32 $1.442695020e+00, v55;
	(erf) = vpow2.f32 v54  }
0x3a: {  	(erf) = vpow2.f32 v18;
	v18 =	vmul.f32 $1.442695020e+00, v19  }
0x3b: {  	(erf) = vpow2.f32 v56  }
0x3c: {  	v59 =	vld [tilespmem:s19+$0x20];
	v57 =	vpop (erf);
	(erf) = vpow2.f32 v18  }
0x3d: {  	v25 =	vld [tilespmem:s19+$0x30];
	v58 =	vpop (erf)  }
0x3e: {  	v27 =	vld [tilespmem:s19+$0x40];
	v60 =	vpop (erf)  }
0x3f: {  	v29 =	vld [tilespmem:s19+$0x50];
	v26 =	vpop (erf)  }
0x40: {  	v31 =	vld [tilespmem:s19+$0x60];
	v28 =	vpop (erf)  }
0x41: {  	v33 =	vld [tilespmem:s19+$0x70];
	v30 =	vpop (erf)  }
0x42: {  	v35 =	vld [tilespmem:s20+$0x0];
	v32 =	vpop (erf)  }
0x43: {  	v37 =	vld [tilespmem:s20+$0x10];
	v34 =	vpop (erf)  }
0x44: {  	v19 =	vld [tilespmem:s19+$0x0];
	v36 =	vpop (erf)  }
0x45: {  	v18 =	vld [tilespmem:s19+$0x10];
	v38 =	vpop (erf)  }
0x46: {  	v39 =	vld [tilespmem:s20+$0x20];
	(v2sf) =	vpush v1, $0x2;
	_ =	sdelay $0x2  }
0x47: {  	v40 =	vld [tilespmem:s20+$0x4020]  }
0x48: {  	v41 =	vld [tilespmem:s20+$0x4030];
	_ =	sdelay $0x1  }
0x49: {  	v42 =	vld [tilespmem:s20+$0x4040]  }
0x4a: {  	v43 =	vld [tilespmem:s20+$0x4050]  }
0x4b: {  	v15 =	vadd.f32 v59, v15;
	v24 =	vmul.f32 v60, v59;
	v62 =	vld [tilespmem:s20+$0x4070];
	v40 =	vmul.f32 v40, v53  }
0x4c: {  	v12 =	vadd.f32 v25, v12;
	v26 =	vmul.f32 v26, v25;
	v41 =	vmul.f32 v41, v53  }
0x4d: {  	v10 =	vadd.f32 v27, v10;
	v21 =	vmul.f32 v58, v18;
	v40 =	vmul.f32 $1.442695020e+00, v40  }
0x4e: {  	(v2sf) =	vpush v1, $0x3;
	v42 =	vmul.f32 v42, v53;
	v61 =	vmul.f32 $1.442695020e+00, v41  }
0x4f: {  	v8 =	vadd.f32 v29, v8;
	v44 =	vld [tilespmem:s20+$0x4060];
	v43 =	vmul.f32 v43, v53;
	(erf) = vpow2.f32 v40  }
0x50: {  	v6 =	vadd.f32 v31, v6;
	v23 =	vmul.f32 v62, v53;
	(erf) = vpow2.f32 v61  }
0x51: {  	v28 =	vmul.f32 v28, v27;
	v13 =	vadd.f32 v21, v13;
	v21 =	vld [tilespmem:s20+$0x40];
	v42 =	vmul.f32 $1.442695020e+00, v42  }
0x52: {  	v16 =	vadd.f32 v18, v16;
	v49 =	vmul.f32 $1.442695020e+00, v43;
	v18 =	vmul.f32 $1.442695020e+00, v23;
	v23 =	vld [tilespmem:s20+$0x30];
	s29 =	spop (v2sf)  }
0x53: {  	v4 =	vadd.f32 v33, v4;
	v20 =	vmul.f32 v57, v19;
	(erf) = vpow2.f32 v42;
	v45 =	vld [tilespmem:s29+$0x4000]  }
0x54: {  	v11 =	vadd.f32 v24, v11;
	v63 =	vmul.f32 v44, v53;
	(erf) = vpow2.f32 v49;
	v48 =	vld [tilespmem:s29+$0x4010]  }
0x55: {  	v17 =	vadd.f32 v19, v17;
	v9 =	vadd.f32 v26, v9;
	v30 =	vmul.f32 v30, v29;
	v50 =	vld [tilespmem:s29+$0x4020]  }
0x56: {  	v7 =	vadd.f32 v28, v7;
	v14 =	vadd.f32 v20, v14;
	v19 =	vmul.f32 $1.442695020e+00, v63;
	v55 =	vld [tilespmem:s29+$0x4050]  }
0x57: {  	v60 =	vmul.f32 v32, v31;
	v17 =	vadd.f32 v35, v17;
	v63 =	vmul.f32 v38, v37;
	v56 =	vld [tilespmem:s29+$0x4060]  }
0x58: {  	v5 =	vadd.f32 v30, v5;
	v20 =	vld [tilespmem:s20+$0x50];
	v40 =	vbroadcast v0, $0x2;
	(erf) = vpow2.f32 v19;
	v58 =	vpop (erf)  }
0x59: {  	v3 =	vadd.f32 v60, v3;
	v24 =	vld [tilespmem:s20+$0x60];
	(erf) = vpow2.f32 v18;
	v59 =	vpop (erf);
	v27 =	vmul.f32 v58, v39  }
0x5a: {  	v16 =	vadd.f32 v37, v16;
	v26 =	vld [tilespmem:s20+$0x70];
	v25 =	vmul.f32 v59, v23;
	v19 =	vmul.f32 v45, v40  }
0x5b: {  	v15 =	vadd.f32 v39, v15;
	v51 =	vld [tilespmem:s29+$0x4030];
	v52 =	vmul.f32 v48, v40;
	v54 =	vmul.f32 v50, v40  }
0x5c: {  	v10 =	vadd.f32 v21, v10;
	v53 =	vld [tilespmem:s29+$0x4040];
	v61 =	vpop (erf);
	v57 =	vmul.f32 v55, v40;
	v22 =	vmul.f32 v56, v40  }
0x5d: {  	v8 =	vadd.f32 v20, v8;
	s30 =	spop (v2sf);
	v62 =	vpop (erf);
	v50 =	vld [tilespmem:s29+$0x4070];
	v45 =	vbroadcast v0, $0x3;
	v19 =	vmul.f32 $1.442695020e+00, v19  }
0x5e: {  	v6 =	vadd.f32 v24, v6;
	v30 =	vmul.f32 v62, v20;
	v18 =	vmul.f32 $1.442695020e+00, v52;
	v52 =	vld [tilespmem:s30+$0x4000]  }
0x5f: {  	v4 =	vadd.f32 v26, v4;
	v28 =	vld [tilespmem:s29+$0x0];
	(erf) = vpow2.f32 v19;
	v19 =	vmul.f32 $1.442695020e+00, v54  }
0x60: {  	(v2sf) =	vpush v1, $0x4;
	v29 =	vld [tilespmem:s29+$0x10];
	(erf) = vpow2.f32 v18;
	v18 =	vmul.f32 v51, v40  }
0x61: {  	v13 =	vadd.f32 v63, v13;
	v31 =	vld [tilespmem:s29+$0x20];
	(erf) = vpow2.f32 v19;
	v19 =	vmul.f32 v53, v40  }
0x62: {  	v12 =	vadd.f32 v23, v12;
	v38 =	vld [tilespmem:s29+$0x40];
	v40 =	vmul.f32 v50, v40;
	v18 =	vmul.f32 $1.442695020e+00, v18  }
0x63: {  	(v2sf) =	vpush v1, $0x5;
	v50 =	vld [tilespmem:s30+$0x4070];
	v42 =	vmul.f32 v52, v45;
	v19 =	vmul.f32 $1.442695020e+00, v19  }
0x64: {  	v43 =	vld [tilespmem:s29+$0x50];
	v11 =	vadd.f32 v27, v11;
	v40 =	vmul.f32 $1.442695020e+00, v40;
	(erf) = vpow2.f32 v18  }
0x65: {  	v44 =	vld [tilespmem:s29+$0x60];
	v17 =	vadd.f32 v28, v17;
	v18 =	vmul.f32 $1.442695020e+00, v57;
	v60 =	vmul.f32 $1.442695020e+00, v42  }
0x66: {  	v46 =	vld [tilespmem:s30+$0x4010];
	v16 =	vadd.f32 v29, v16;
	v48 =	vpop (erf);
	(erf) = vpow2.f32 v19;
	v19 =	vmul.f32 $1.442695020e+00, v22  }
0x67: {  	v47 =	vld [tilespmem:s30+$0x4030];
	v15 =	vadd.f32 v31, v15;
	v49 =	vpop (erf);
	(erf) = vpow2.f32 v18;
	v18 =	vmul.f32 v34, v33  }
0x68: {  	v5 =	vadd.f32 v30, v5;
	v57 =	vld [tilespmem:s30+$0x4020];
	v33 =	vmul.f32 v49, v26;
	v30 =	vmul.f32 v50, v45  }
0x69: {  	v9 =	vadd.f32 v25, v9;
	v25 =	vld [tilespmem:s29+$0x70];
	(erf) = vpow2.f32 v19;
	v19 =	vmul.f32 v36, v35  }
0x6a: {  	v20 =	vld [tilespmem:s30+$0x0];
	v35 =	vmul.f32 v48, v24;
	v2 =	vadd.f32 v18, v2;
	v18 =	vmul.f32 v61, v21  }
0x6b: {  	v10 =	vadd.f32 v38, v10;
	v48 =	vld [tilespmem:s30+$0x4040];
	v51 =	vpop (erf);
	(erf) = vpow2.f32 v40;
	v61 =	vmul.f32 v46, v45  }
0x6c: {  	v34 =	vld [tilespmem:s29+$0x30];
	v46 =	vmul.f32 v47, v45;
	v14 =	vadd.f32 v19, v14;
	v19 =	vmul.f32 v51, v28  }
0x6d: {  	v8 =	vadd.f32 v43, v8;
	v47 =	vld [tilespmem:s30+$0x4060];
	v53 =	vpop (erf);
	(erf) = vpow2.f32 v60;
	v62 =	vmul.f32 v57, v45  }
0x6e: {  	v32 =	vmul.f32 v53, v29;
	v54 =	vpop (erf);
	v7 =	vadd.f32 v18, v7;
	v18 =	vmul.f32 $1.442695020e+00, v61  }
0x6f: {  	v63 =	vld [tilespmem:s30+$0x4050];
	v6 =	vadd.f32 v44, v6;
	s31 =	spop (v2sf);
	v36 =	vmul.f32 v54, v31;
	v21 =	vmul.f32 $1.442695020e+00, v62  }
0x70: {  	v4 =	vadd.f32 v25, v4;
	v52 =	vld [tilespmem:s31+$0x4000];
	v49 =	vmul.f32 v48, v45;
	(erf) = vpow2.f32 v18  }
0x71: {  	v17 =	vadd.f32 v20, v17;
	v40 =	vld [tilespmem:s31+$0x4070];
	v18 =	vmul.f32 $1.442695020e+00, v46;
	v55 =	vpop (erf);
	(erf) = vpow2.f32 v21  }
0x72: {  	(v2sf) =	vpush v1, $0x6;
	v54 =	vld [tilespmem:s31+$0x4010];
	v53 =	vmul.f32 v47, v45;
	v22 =	vmul.f32 v55, v34  }
0x73: {  	v14 =	vadd.f32 v19, v14;
	v19 =	vld [tilespmem:s31+$0x4030];
	v51 =	vmul.f32 $1.442695020e+00, v49;
	(erf) = vpow2.f32 v18  }
0x74: {  	s21 =	spop (v2sf);
	(v2sf) =	vpush v1, $0x7;
	v61 =	vld [tilespmem:s31+$0x4050];
	v56 =	vpop (erf);
	v18 =	vmul.f32 v63, v45;
	v55 =	vbroadcast v0, $0x4  }
0x75: {  	v3 =	vadd.f32 v35, v3;
	v35 =	vld [tilespmem:s30+$0x10];
	v37 =	vmul.f32 v56, v38;
	v58 =	vpop (erf);
	v21 =	vmul.f32 $1.442695020e+00, v53  }
0x76: {  	v57 =	vld [tilespmem:s30+$0x20];
	v2 =	vadd.f32 v33, v2;
	v27 =	vmul.f32 v58, v43;
	(erf) = vpow2.f32 v51  }
0x77: {  	v39 =	vld [tilespmem:s31+$0x20];
	v12 =	vadd.f32 v34, v12;
	v18 =	vmul.f32 $1.442695020e+00, v18;
	v58 =	vmul.f32 $1.442695020e+00, v30  }
0x78: {  	v29 =	vld [tilespmem:s30+$0x30];
	v13 =	vadd.f32 v32, v13;
	v26 =	vmul.f32 v54, v55;
	v19 =	vmul.f32 v19, v55  }
0x79: {  	v11 =	vadd.f32 v36, v11;
	v56 =	vld [tilespmem:s31+$0x4020];
	v59 =	vpop (erf);
	v30 =	vmul.f32 v61, v55;
	v24 =	vmul.f32 v40, v55  }
0x7a: {  	v32 =	vld [tilespmem:s30+$0x50];
	v16 =	vadd.f32 v35, v16;
	v43 =	vbroadcast v0, $0x5;
	v23 =	vmul.f32 v59, v44  }
0x7b: {  	v15 =	vadd.f32 v57, v15;
	v54 =	vld [tilespmem:s21+$0x4000];
	v41 =	vpop (erf);
	(erf) = vpow2.f32 v18;
	v18 =	vmul.f32 v52, v55  }
0x7c: {  	v9 =	vadd.f32 v22, v9;
	v59 =	vld [tilespmem:s31+$0x4040];
	v19 =	vmul.f32 $1.442695020e+00, v19;
	v22 =	vmul.f32 v41, v25  }
0x7d: {  	v62 =	vld [tilespmem:s31+$0x4060];
	v12 =	vadd.f32 v29, v12;
	(erf) = vpow2.f32 v21;
	v18 =	vmul.f32 $1.442695020e+00, v18  }
0x7e: {  	v63 =	vld [tilespmem:s30+$0x40];
	v15 =	vadd.f32 v39, v15;
	(erf) = vpow2.f32 v58;
	v60 =	vmul.f32 v56, v55  }
0x7f: {  	v34 =	vld [tilespmem:s30+$0x60];
	v7 =	vadd.f32 v37, v7;
	v42 =	vpop (erf);
	(erf) = vpow2.f32 v18;
	v18 =	vmul.f32 $1.442695020e+00, v26  }
0x80: {  	v8 =	vadd.f32 v32, v8;
	v45 =	vpop (erf);
	v40 =	vmul.f32 v54, v43;
	v21 =	vmul.f32 $1.442695020e+00, v60  }
0x81: {  	v36 =	vld [tilespmem:s31+$0x60];
	v5 =	vadd.f32 v27, v5;
	v46 =	vpop (erf);
	(erf) = vpow2.f32 v18;
	v18 =	vmul.f32 v59, v55  }
0x82: {  	v38 =	vld [tilespmem:s31+$0x0];
	v3 =	vadd.f32 v23, v3;
	v51 =	vmul.f32 v46, v57;
	v40 =	vmul.f32 $1.442695020e+00, v40  }
0x83: {  	v37 =	vld [tilespmem:s30+$0x70];
	v10 =	vadd.f32 v63, v10;
	(erf) = vpow2.f32 v21;
	v18 =	vmul.f32 $1.442695020e+00, v18  }
0x84: {  	v6 =	vadd.f32 v34, v6;
	v57 =	vld [tilespmem:s21+$0x4010];
	(erf) = vpow2.f32 v19;
	v19 =	vmul.f32 v62, v55  }
0x85: {  	v25 =	vld [tilespmem:s31+$0x40];
	s22 =	spop (v2sf);
	(v2sf) =	vpush v1, $0x8;
	v47 =	vpop (erf);
	(erf) = vpow2.f32 v18;
	v18 =	vmul.f32 $1.442695020e+00, v30  }
0x86: {  	v27 =	vmul.f32 v47, v29;
	v11 =	vadd.f32 v51, v11;
	v51 =	vld [tilespmem:s21+$0x4060];
	v19 =	vmul.f32 $1.442695020e+00, v19  }
0x87: {  	v41 =	vld [tilespmem:s31+$0x70];
	v2 =	vadd.f32 v22, v2;
	v21 =	vmul.f32 v42, v20;
	(erf) = vpow2.f32 v18  }
0x88: {  	v17 =	vadd.f32 v38, v17;
	v59 =	vld [tilespmem:s21+$0x4020];
	v48 =	vpop (erf);
	(erf) = vpow2.f32 v19;
	v19 =	vmul.f32 $1.442695020e+00, v24  }
0x89: {  	s23 =	spop (v2sf);
	(v2sf) =	vpush v1, $0x9;
	v33 =	vmul.f32 v48, v63;
	v62 =	vld [tilespmem:s21+$0x4030];
	v42 =	vmul.f32 v57, v43;
	v18 =	vpop (erf)  }
0x8a: {  	v6 =	vadd.f32 v36, v6;
	v30 =	vld [tilespmem:s31+$0x10];
	v49 =	vpop (erf);
	(erf) = vpow2.f32 v19;
	v19 =	vmul.f32 v45, v35  }
0x8b: {  	v23 =	vld [tilespmem:s31+$0x30];
	v4 =	vadd.f32 v37, v4;
	v57 =	vmul.f32 v51, v43;
	v18 =	vmul.f32 v18, v32  }
0x8c: {  	v63 =	vld [tilespmem:s21+$0x4040];
	v50 =	vpop (erf);
	(erf) = vpow2.f32 v40;
	v13 =	vadd.f32 v19, v13;
	v19 =	vmul.f32 v49, v34  }
0x8d: {  	v22 =	vld [tilespmem:s31+$0x50];
	v10 =	vadd.f32 v25, v10;
	v52 =	vpop (erf);
	v20 =	vmul.f32 v50, v37;
	v49 =	vmul.f32 v59, v43  }
0x8e: {  	v44 =	vld [tilespmem:s22+$0x4070];
	v5 =	vadd.f32 v18, v5;
	v18 =	vmul.f32 $1.442695020e+00, v42;
	v53 =	vpop (erf);
	v26 =	vmul.f32 v52, v38  }
0x8f: {  	v14 =	vadd.f32 v21, v14;
	v50 =	vld [tilespmem:s21+$0x4050];
	v52 =	vmul.f32 v62, v43;
	v21 =	vmul.f32 v53, v30  }
0x90: {  	v54 =	vld [tilespmem:s21+$0x4070];
	v7 =	vadd.f32 v33, v7;
	v55 =	vpop (erf);
	v33 =	vmul.f32 $1.442695020e+00, v49;
	(erf) = vpow2.f32 v18  }
0x91: {  	v12 =	vadd.f32 v23, v12;
	v35 =	vld [tilespmem:s22+$0x40];
	v18 =	vmul.f32 v63, v43;
	v56 =	vpop (erf);
	v24 =	vmul.f32 v55, v39  }
0x92: {  	v4 =	vadd.f32 v41, v4;
	v34 =	vld [tilespmem:s21+$0x0];
	v53 =	vmul.f32 $1.442695020e+00, v52;
	v58 =	vpop (erf);
	v28 =	vmul.f32 v56, v23  }
0x93: {  	v9 =	vadd.f32 v27, v9;
	v59 =	vld [tilespmem:s22+$0x4020];
	v18 =	vmul.f32 $1.442695020e+00, v18;
	v27 =	vmul.f32 v58, v25  }
0x94: {  	v8 =	vadd.f32 v22, v8;
	v38 =	vld [tilespmem:s22+$0x30];
	v60 =	vpop (erf);
	(erf) = vpow2.f32 v33;
	v55 =	vmul.f32 v50, v43  }
0x95: {  	v16 =	vadd.f32 v30, v16;
	v56 =	vld [tilespmem:s22+$0x4000];
	v33 =	vmul.f32 $1.442695020e+00, v57;
	v61 =	vpop (erf);
	v29 =	vmul.f32 v60, v22  }
0x96: {  	v3 =	vadd.f32 v19, v3;
	v19 =	vld [tilespmem:s21+$0x10];
	(erf) = vpow2.f32 v53;
	v31 =	vmul.f32 v61, v36  }
0x97: {  	v2 =	vadd.f32 v20, v2;
	v58 =	vld [tilespmem:s22+$0x4010];
	v48 =	vpop (erf);
	(erf) = vpow2.f32 v18;
	v18 =	vmul.f32 $1.442695020e+00, v55  }
0x98: {  	v30 =	vld [tilespmem:s21+$0x30];
	v14 =	vadd.f32 v26, v14;
	v61 =	vbroadcast v0, $0x6;
	v32 =	vmul.f32 v48, v41  }
0x99: {  	v13 =	vadd.f32 v21, v13;
	v55 =	vld [tilespmem:s22+$0x4050];
	(erf) = vpow2.f32 v18;
	v18 =	vmul.f32 v54, v43  }
0x9a: {  	v11 =	vadd.f32 v24, v11;
	v63 =	vpop (erf);
	v51 =	vmul.f32 v56, v61;
	v54 =	vld [tilespmem:s22+$0x4040];
	v20 =	vmul.f32 v59, v61  }
0x9b: {  	v17 =	vadd.f32 v34, v17;
	v56 =	vld [tilespmem:s22+$0x4060];
	v22 =	vmul.f32 v63, v34;
	(erf) = vpow2.f32 v33  }
0x9c: {  	v52 =	vld [tilespmem:s22+$0x4030];
	v9 =	vadd.f32 v28, v9;
	v53 =	vmul.f32 v58, v61;
	v18 =	vmul.f32 $1.442695020e+00, v18  }
0x9d: {  	v60 =	vld [tilespmem:s21+$0x20];
	v7 =	vadd.f32 v27, v7;
	v21 =	vmul.f32 $1.442695020e+00, v51;
	v20 =	vmul.f32 $1.442695020e+00, v20  }
0x9e: {  	v37 =	vld [tilespmem:s22+$0x20];
	v16 =	vadd.f32 v19, v16;
	v24 =	vmul.f32 v55, v61;
	(erf) = vpow2.f32 v18  }
0x9f: {  	v57 =	vld [tilespmem:s21+$0x40];
	v12 =	vadd.f32 v30, v12;
	v18 =	vmul.f32 $1.442695020e+00, v53;
	(erf) = vpow2.f32 v21  }
0xa0: {  	v25 =	vld [tilespmem:s21+$0x60];
	v5 =	vadd.f32 v29, v5;
	v42 =	vpop (erf);
	v62 =	vmul.f32 v54, v61;
	v23 =	vmul.f32 v56, v61  }
0xa1: {  	v27 =	vld [tilespmem:s21+$0x70];
	v3 =	vadd.f32 v31, v3;
	v43 =	vpop (erf);
	v56 =	vbroadcast v0, $0x7;
	(erf) = vpow2.f32 v18  }
0xa2: {  	v12 =	vadd.f32 v38, v12;
	v21 =	vld [tilespmem:s21+$0x50];
	v18 =	vmul.f32 v52, v61;
	v49 =	vmul.f32 v43, v60  }
0xa3: {  	v36 =	vld [tilespmem:s22+$0x10];
	v2 =	vadd.f32 v32, v2;
	v45 =	vpop (erf);
	(erf) = vpow2.f32 v20;
	v20 =	vmul.f32 $1.442695020e+00, v62  }
0xa4: {  	v10 =	vadd.f32 v57, v10;
	v52 =	vld [tilespmem:s23+$0x4000];
	v46 =	vmul.f32 $1.442695020e+00, v23;
	v47 =	vpop (erf);
	v18 =	vmul.f32 $1.442695020e+00, v18  }
0xa5: {  	v41 =	vld [tilespmem:s22+$0x60];
	v6 =	vadd.f32 v25, v6;
	v31 =	vmul.f32 v45, v30;
	v23 =	vmul.f32 v47, v57  }
0xa6: {  	v14 =	vadd.f32 v22, v14;
	v62 =	vld [tilespmem:s23+$0x4030];
	v48 =	vpop (erf);
	(erf) = vpow2.f32 v18;
	v18 =	vmul.f32 $1.442695020e+00, v24  }
0xa7: {  	v33 =	vld [tilespmem:s22+$0x0];
	v15 =	vadd.f32 v60, v15;
	v50 =	vpop (erf);
	v24 =	vmul.f32 v44, v61;
	v22 =	vmul.f32 v48, v21  }
0xa8: {  	v58 =	vld [tilespmem:s23+$0x4010];
	v4 =	vadd.f32 v27, v4;
	(erf) = vpow2.f32 v20;
	v29 =	vmul.f32 v50, v25  }
0xa9: {  	v16 =	vadd.f32 v36, v16;
	v60 =	vld [tilespmem:s23+$0x4020];
	v39 =	vmul.f32 v52, v56;
	(erf) = vpow2.f32 v18  }
0xaa: {  	v10 =	vadd.f32 v35, v10;
	v48 =	vld [tilespmem:s23+$0x4040];
	v18 =	vmul.f32 v42, v19;
	v24 =	vmul.f32 $1.442695020e+00, v24  }
0xab: {  	v15 =	vadd.f32 v37, v15;
	v57 =	vmul.f32 v62, v56;
	(erf) = vpow2.f32 v46;
	v51 =	vpop (erf)  }
0xac: {  	v6 =	vadd.f32 v41, v6;
	v39 =	vmul.f32 $1.442695020e+00, v39;
	v19 =	vmul.f32 v51, v27  }
0xad: {  	s21 =	spop (v2sf);
	(v2sf) =	vpush v1, $0xA;
	(erf) = vpow2.f32 v24;
	v51 =	vmul.f32 v58, v56  }
0xae: {  	v40 =	vld [tilespmem:s22+$0x50];
	v17 =	vadd.f32 v33, v17;
	v53 =	vpop (erf);
	v24 =	vmul.f32 v60, v56;
	v62 =	vmul.f32 $1.442695020e+00, v57  }
0xaf: {  	v13 =	vadd.f32 v18, v13;
	v58 =	vld [tilespmem:s23+$0x4050];
	v54 =	vpop (erf);
	v18 =	vmul.f32 v53, v33;
	v60 =	vmul.f32 v48, v56  }
0xb0: {  	s24 =	spop (v2sf);
	(v2sf) =	vpush v1, $0xB;
	v47 =	vld [tilespmem:s21+$0x4000];
	v55 =	vpop (erf);
	v26 =	vmul.f32 v54, v36;
	(erf) = vpow2.f32 v39  }
0xb1: {  	v11 =	vadd.f32 v49, v11;
	v52 =	vld [tilespmem:s22+$0x70];
	v34 =	vmul.f32 $1.442695020e+00, v51;
	v54 =	vbroadcast v0, $0x8  }
0xb2: {  	v9 =	vadd.f32 v31, v9;
	v39 =	vld [tilespmem:s21+$0x4060];
	v36 =	vbroadcast v0, $0x9;
	v20 =	vmul.f32 v55, v37  }
0xb3: {  	v7 =	vadd.f32 v23, v7;
	v46 =	vmul.f32 $1.442695020e+00, v60;
	v60 =	vld [tilespmem:s21+$0x4040];
	(erf) = vpow2.f32 v34;
	v59 =	vpop (erf)  }
0xb4: {  	v8 =	vadd.f32 v21, v8;
	v55 =	vld [tilespmem:s21+$0x4010];
	v53 =	vmul.f32 v58, v56;
	v61 =	vpop (erf);
	v30 =	vmul.f32 v59, v38  }
0xb5: {  	v5 =	vadd.f32 v22, v5;
	v59 =	vmul.f32 $1.442695020e+00, v24;
	v32 =	vmul.f32 v61, v35;
	v63 =	vpop (erf);
	v61 =	vld [tilespmem:s23+$0x4060]  }
0xb6: {  	v8 =	vadd.f32 v40, v8;
	v21 =	vmul.f32 $1.442695020e+00, v53;
	v49 =	vmul.f32 v63, v40;
	v63 =	vld [tilespmem:s23+$0x4070]  }
0xb7: {  	v3 =	vadd.f32 v29, v3;
	v29 =	vld [tilespmem:s23+$0x0];
	v33 =	vmul.f32 v39, v54;
	v50 =	vpop (erf);
	(erf) = vpow2.f32 v59  }
0xb8: {  	v31 =	vld [tilespmem:s23+$0x70];
	v2 =	vadd.f32 v19, v2;
	v38 =	vmul.f32 v60, v54;
	v28 =	vmul.f32 v50, v41  }
0xb9: {  	v43 =	vld [tilespmem:s21+$0x4070];
	v4 =	vadd.f32 v52, v4;
	v45 =	vpop (erf);
	(erf) = vpow2.f32 v62;
	v62 =	vmul.f32 v55, v54  }
0xba: {  	v48 =	vld [tilespmem:s23+$0x10];
	v14 =	vadd.f32 v18, v14;
	v25 =	vmul.f32 v45, v52;
	v19 =	vmul.f32 v61, v56  }
0xbb: {  	v57 =	vld [tilespmem:s21+$0x4020];
	v13 =	vadd.f32 v26, v13;
	(erf) = vpow2.f32 v46;
	v56 =	vmul.f32 v63, v56  }
0xbc: {  	v17 =	vadd.f32 v29, v17;
	v58 =	vld [tilespmem:s21+$0x4030];
	v18 =	vmul.f32 $1.442695020e+00, v19;
	v19 =	vmul.f32 v47, v54  }
0xbd: {  	v27 =	vld [tilespmem:s21+$0x10];
	v4 =	vadd.f32 v31, v4;
	(erf) = vpow2.f32 v21;
	v59 =	vmul.f32 $1.442695020e+00, v56  }
0xbe: {  	v37 =	vld [tilespmem:s21+$0x4050];
	v11 =	vadd.f32 v20, v11;
	(erf) = vpow2.f32 v18;
	v18 =	vmul.f32 $1.442695020e+00, v19  }
0xbf: {  	v34 =	vld [tilespmem:s21+$0x40];
	v16 =	vadd.f32 v48, v16;
	v21 =	vmul.f32 $1.442695020e+00, v62;
	(erf) = vpow2.f32 v59  }
0xc0: {  	s25 =	spop (v2sf);
	(v2sf) =	vpush v1, $0xC;
	v45 =	vld [tilespmem:s24+$0x4000];
	(erf) = vpow2.f32 v18;
	v18 =	vmul.f32 v57, v54  }
0xc1: {  	v26 =	vld [tilespmem:s21+$0x70];
	s26 =	spop (v2sf);
	(v2sf) =	vpush v1, $0xD;
	v33 =	vmul.f32 $1.442695020e+00, v33;
	v24 =	vmul.f32 v58, v54;
	v44 =	vpop (erf)  }
0xc2: {  	v5 =	vadd.f32 v49, v5;
	v62 =	vld [tilespmem:s24+$0x4020];
	v49 =	vpop (erf);
	(erf) = vpow2.f32 v21;
	v18 =	vmul.f32 $1.442695020e+00, v18  }
0xc3: {  	v39 =	vld [tilespmem:s21+$0x30];
	v7 =	vadd.f32 v32, v7;
	v42 =	vmul.f32 $1.442695020e+00, v24;
	v32 =	vmul.f32 v44, v29;
	v50 =	vpop (erf)  }
0xc4: {  	v9 =	vadd.f32 v30, v9;
	v60 =	vld [tilespmem:s24+$0x4010];
	v51 =	vpop (erf);
	(erf) = vpow2.f32 v18;
	v18 =	vmul.f32 $1.442695020e+00, v38  }
0xc5: {  	v16 =	vadd.f32 v27, v16;
	v46 =	vld [tilespmem:s23+$0x50];
	v30 =	vmul.f32 v45, v36;
	v52 =	vpop (erf);
	(erf) = vpow2.f32 v42  }
0xc6: {  	v3 =	vadd.f32 v28, v3;
	v28 =	vld [tilespmem:s21+$0x0];
	v53 =	vpop (erf);
	(erf) = vpow2.f32 v18;
	v18 =	vmul.f32 v37, v54  }
0xc7: {  	v4 =	vadd.f32 v26, v4;
	v61 =	vld [tilespmem:s23+$0x20];
	v24 =	vmul.f32 v43, v54;
	v40 =	vmul.f32 v62, v36;
	v55 =	vpop (erf)  }
0xc8: {  	v2 =	vadd.f32 v25, v2;
	v63 =	vld [tilespmem:s23+$0x40];
	v30 =	vmul.f32 $1.442695020e+00, v30;
	v18 =	vmul.f32 $1.442695020e+00, v18;
	v56 =	vpop (erf)  }
0xc9: {  	v14 =	vadd.f32 v32, v14;
	v19 =	vld [tilespmem:s23+$0x30];
	v54 =	vmul.f32 v49, v48;
	v32 =	vmul.f32 v56, v31  }
0xca: {  	v47 =	vld [tilespmem:s23+$0x60];
	v8 =	vadd.f32 v46, v8;
	v57 =	vpop (erf);
	(erf) = vpow2.f32 v18;
	v18 =	vmul.f32 $1.442695020e+00, v24  }
0xcb: {  	v17 =	vadd.f32 v28, v17;
	v56 =	vld [tilespmem:s24+$0x4050];
	v58 =	vpop (erf);
	v24 =	vmul.f32 v53, v46;
	(erf) = vpow2.f32 v33  }
0xcc: {  	v62 =	vld [tilespmem:s24+$0x4070];
	v15 =	vadd.f32 v61, v15;
	v48 =	vmul.f32 v58, v27;
	v58 =	vmul.f32 $1.442695020e+00, v40  }
0xcd: {  	v10 =	vadd.f32 v63, v10;
	v53 =	vld [tilespmem:s24+$0x4040];
	(erf) = vpow2.f32 v18;
	v18 =	vmul.f32 v50, v61  }
0xce: {  	v12 =	vadd.f32 v19, v12;
	v38 =	vld [tilespmem:s21+$0x20];
	(erf) = vpow2.f32 v30;
	v30 =	vmul.f32 v60, v36  }
0xcf: {  	v41 =	vld [tilespmem:s24+$0x0];
	v59 =	vpop (erf);
	v11 =	vadd.f32 v18, v11;
	v18 =	vmul.f32 v51, v19;
	v19 =	vmul.f32 v52, v63  }
0xd0: {  	v29 =	vld [tilespmem:s21+$0x60];
	v6 =	vadd.f32 v47, v6;
	v61 =	vpop (erf);
	v63 =	vmul.f32 v57, v28;
	v44 =	vmul.f32 v56, v36  }
0xd1: {  	v13 =	vadd.f32 v54, v13;
	v51 =	vld [tilespmem:s24+$0x4030];
	v25 =	vmul.f32 v61, v39;
	v30 =	vmul.f32 $1.442695020e+00, v30  }
0xd2: {  	v57 =	vld [tilespmem:s24+$0x4060];
	v60 =	vmul.f32 v53, v36;
	v53 =	vmul.f32 v62, v36;
	v9 =	vadd.f32 v18, v9  }
0xd3: {  	v37 =	vld [tilespmem:s21+$0x50];
	v49 =	vpop (erf);
	v18 =	vmul.f32 v55, v47;
	v7 =	vadd.f32 v19, v7;
	v19 =	vmul.f32 v59, v38  }
0xd4: {  	v45 =	vld [tilespmem:s25+$0x4000];
	v13 =	vadd.f32 v48, v13;
	v23 =	vmul.f32 v49, v34;
	v48 =	vmul.f32 $1.442695020e+00, v44  }
0xd5: {  	v14 =	vadd.f32 v63, v14;
	v47 =	vld [tilespmem:s25+$0x4010];
	(erf) = vpow2.f32 v30;
	v63 =	vmul.f32 $1.442695020e+00, v60  }
0xd6: {  	v17 =	vadd.f32 v41, v17;
	v49 =	vld [tilespmem:s25+$0x4020];
	v20 =	vmul.f32 $1.442695020e+00, v53;
	(erf) = vpow2.f32 v58  }
0xd7: {  	v10 =	vadd.f32 v34, v10;
	v56 =	vld [tilespmem:s25+$0x4050];
	v50 =	vpop (erf);
	v59 =	vmul.f32 v51, v36;
	v46 =	vmul.f32 v57, v36  }
0xd8: {  	v35 =	vld [tilespmem:s25+$0x60];
	v6 =	vadd.f32 v29, v6;
	v51 =	vbroadcast v0, $0xA;
	v33 =	vmul.f32 v50, v37;
	v52 =	vpop (erf)  }
0xd9: {  	v31 =	vld [tilespmem:s25+$0x0];
	v5 =	vadd.f32 v24, v5;
	v24 =	vmul.f32 v52, v29;
	v61 =	vmul.f32 $1.442695020e+00, v59  }
0xda: {  	v11 =	vadd.f32 v19, v11;
	v58 =	vld [tilespmem:s25+$0x4060];
	v27 =	vmul.f32 $1.442695020e+00, v46;
	v19 =	vmul.f32 v45, v51  }
0xdb: {  	s28 =	spop (v2sf);
	(v2sf) =	vpush v1, $0xE;
	v40 =	vld [tilespmem:s25+$0x4070];
	v54 =	vpop (erf);
	v28 =	vmul.f32 v47, v51;
	v22 =	vmul.f32 v49, v51  }
0xdc: {  	v62 =	vld [tilespmem:s24+$0x60];
	v9 =	vadd.f32 v25, v9;
	v25 =	vmul.f32 v56, v51;
	v21 =	vmul.f32 v54, v26;
	v55 =	vpop (erf)  }
0xdd: {  	v3 =	vadd.f32 v18, v3;
	v54 =	vld [tilespmem:s25+$0x4030];
	v18 =	vmul.f32 v55, v41;
	(erf) = vpow2.f32 v61  }
0xde: {  	s29 =	spop (v2sf);
	(v2sf) =	vpush v1, $0xF;
	v34 =	vld [tilespmem:s25+$0x30];
	v19 =	vmul.f32 $1.442695020e+00, v19;
	v57 =	vmul.f32 $1.442695020e+00, v28  }
0xdf: {  	v12 =	vadd.f32 v39, v12;
	v30 =	vld [tilespmem:s24+$0x10];
	v28 =	vmul.f32 v58, v51;
	(erf) = vpow2.f32 v63  }
0xe0: {  	v8 =	vadd.f32 v37, v8;
	v55 =	vld [tilespmem:s25+$0x4040];
	v37 =	vmul.f32 $1.442695020e+00, v25;
	(erf) = vpow2.f32 v48  }
0xe1: {  	v15 =	vadd.f32 v38, v15;
	v60 =	vld [tilespmem:s24+$0x50];
	v25 =	vmul.f32 v40, v51;
	(erf) = vpow2.f32 v27  }
0xe2: {  	v2 =	vadd.f32 v32, v2;
	v50 =	vld [tilespmem:s24+$0x20];
	(erf) = vpow2.f32 v20;
	v61 =	vmul.f32 v54, v51  }
0xe3: {  	v17 =	vadd.f32 v31, v17;
	v52 =	vld [tilespmem:s24+$0x30];
	(erf) = vpow2.f32 v19;
	v19 =	vmul.f32 $1.442695020e+00, v22  }
0xe4: {  	v7 =	vadd.f32 v23, v7;
	v59 =	vld [tilespmem:s24+$0x40];
	(erf) = vpow2.f32 v57;
	v20 =	vmul.f32 $1.442695020e+00, v61  }
0xe5: {  	v6 =	vadd.f32 v62, v6;
	v29 =	vld [tilespmem:s24+$0x70];
	v63 =	vpop (erf);
	(erf) = vpow2.f32 v19;
	v19 =	vmul.f32 v55, v51  }
0xe6: {  	v47 =	vld [tilespmem:s26+$0x4000];
	v5 =	vadd.f32 v33, v5;
	v25 =	vmul.f32 $1.442695020e+00, v25;
	v36 =	vpop (erf);
	v42 =	vmul.f32 v63, v30  }
0xe7: {  	v16 =	vadd.f32 v30, v16;
	v51 =	vld [tilespmem:s26+$0x4010];
	(erf) = vpow2.f32 v20;
	v19 =	vmul.f32 $1.442695020e+00, v19;
	v39 =	vpop (erf)  }
0xe8: {  	v2 =	vadd.f32 v21, v2;
	v54 =	vld [tilespmem:s26+$0x4020];
	v21 =	vmul.f32 v39, v52;
	v39 =	vbroadcast v0, $0xB  }
0xe9: {  	v14 =	vadd.f32 v18, v14;
	v57 =	vld [tilespmem:s26+$0x4030];
	v18 =	vpop (erf);
	(erf) = vpow2.f32 v19;
	v19 =	vmul.f32 $1.442695020e+00, v28  }
0xea: {  	v33 =	vld [tilespmem:s25+$0x10];
	v8 =	vadd.f32 v60, v8;
	v43 =	vpop (erf);
	v18 =	vmul.f32 v18, v59;
	(erf) = vpow2.f32 v37  }
0xeb: {  	v6 =	vadd.f32 v35, v6;
	v30 =	vld [tilespmem:s25+$0x40];
	v45 =	vmul.f32 v43, v60;
	v56 =	vmul.f32 v47, v39  }
0xec: {  	v3 =	vadd.f32 v24, v3;
	v63 =	vld [tilespmem:s26+$0x4050];
	v44 =	vpop (erf);
	v61 =	vmul.f32 v51, v39;
	(erf) = vpow2.f32 v19  }
0xed: {  	v10 =	vadd.f32 v59, v10;
	v59 =	vld [tilespmem:s26+$0x4040];
	v19 =	vmul.f32 v36, v50;
	v26 =	vmul.f32 v44, v62  }
0xee: {  	v15 =	vadd.f32 v50, v15;
	v28 =	vld [tilespmem:s25+$0x20];
	v46 =	vpop (erf);
	v62 =	vmul.f32 v54, v39;
	v36 =	vmul.f32 v57, v39  }
0xef: {  	v12 =	vadd.f32 v52, v12;
	v37 =	vld [tilespmem:s25+$0x50];
	v48 =	vpop (erf);
	(erf) = vpow2.f32 v25;
	v25 =	vmul.f32 $1.442695020e+00, v56  }
0xf0: {  	v47 =	vld [tilespmem:s26+$0x0];
	v38 =	vmul.f32 $1.442695020e+00, v61;
	v11 =	vadd.f32 v19, v11;
	v19 =	vmul.f32 v46, v29;
	v49 =	vpop (erf)  }
0xf1: {  	v5 =	vadd.f32 v45, v5;
	v45 =	vld [tilespmem:s26+$0x4060];
	v24 =	vmul.f32 v48, v31;
	v52 =	vmul.f32 v49, v33  }
0xf2: {  	v16 =	vadd.f32 v33, v16;
	v46 =	vld [tilespmem:s26+$0x4070];
	v50 =	vpop (erf);
	v44 =	vmul.f32 v59, v39;
	v33 =	vbroadcast v0, $0xC  }
0xf3: {  	v4 =	vadd.f32 v29, v4;
	v51 =	vld [tilespmem:s28+$0x4010];
	v32 =	vmul.f32 v50, v28;
	v53 =	vpop (erf);
	(erf) = vpow2.f32 v25  }
0xf4: {  	v57 =	vld [tilespmem:s26+$0x20];
	v25 =	vmul.f32 $1.442695020e+00, v62;
	v2 =	vadd.f32 v19, v2;
	v19 =	vmul.f32 $1.442695020e+00, v36  }
0xf5: {  	v7 =	vadd.f32 v18, v7;
	v50 =	vld [tilespmem:s28+$0x4000];
	v18 =	vmul.f32 v53, v34;
	(erf) = vpow2.f32 v38  }
0xf6: {  	v12 =	vadd.f32 v34, v12;
	v56 =	vld [tilespmem:s28+$0x4030];
	v48 =	vmul.f32 $1.442695020e+00, v44;
	v53 =	vmul.f32 v45, v39;
	v55 =	vpop (erf)  }
0xf7: {  	v3 =	vadd.f32 v26, v3;
	v26 =	vld [tilespmem:s25+$0x70];
	v54 =	vmul.f32 v46, v39;
	v23 =	vmul.f32 v55, v30;
	v58 =	vpop (erf)  }
0xf8: {  	v13 =	vadd.f32 v42, v13;
	v59 =	vld [tilespmem:s28+$0x4050];
	(erf) = vpow2.f32 v25;
	v22 =	vmul.f32 v58, v37  }
0xf9: {  	v10 =	vadd.f32 v30, v10;
	v55 =	vld [tilespmem:s28+$0x4020];
	(erf) = vpow2.f32 v19;
	v19 =	vmul.f32 v63, v39  }
0xfa: {  	v15 =	vadd.f32 v28, v15;
	v62 =	vld [tilespmem:s26+$0x40];
	v60 =	vpop (erf);
	v28 =	vmul.f32 $1.442695020e+00, v54;
	v27 =	vmul.f32 v50, v33  }
0xfb: {  	v9 =	vadd.f32 v21, v9;
	v58 =	vld [tilespmem:s28+$0x4040];
	v49 =	vpop (erf);
	(erf) = vpow2.f32 v48;
	v19 =	vmul.f32 $1.442695020e+00, v19  }
0xfc: {  	v14 =	vadd.f32 v24, v14;
	v36 =	vld [tilespmem:s28+$0x40];
	v20 =	vmul.f32 v60, v35;
	v24 =	vmul.f32 v49, v26  }
0xfd: {  	v13 =	vadd.f32 v52, v13;
	v52 =	vld [tilespmem:s26+$0x10];
	(erf) = vpow2.f32 v19;
	v19 =	vmul.f32 $1.442695020e+00, v53  }
0xfe: {  	v34 =	vld [tilespmem:s28+$0x20];
	v9 =	vadd.f32 v18, v9;
	v18 =	vmul.f32 $1.442695020e+00, v27;
	v61 =	vmul.f32 v55, v33  }
0xff: {  	v8 =	vadd.f32 v37, v8;
	v30 =	vld [tilespmem:s28+$0x10];
	v38 =	vpop (erf);
	(erf) = vpow2.f32 v19;
	v19 =	vmul.f32 v51, v33  }
0x100: {  	v17 =	vadd.f32 v47, v17;
	v60 =	vld [tilespmem:s26+$0x30];
	v25 =	vmul.f32 v58, v33;
	v41 =	vmul.f32 v38, v47  }
0x101: {  	v15 =	vadd.f32 v57, v15;
	v63 =	vld [tilespmem:s26+$0x50];
	v39 =	vpop (erf);
	(erf) = vpow2.f32 v28;
	v19 =	vmul.f32 $1.442695020e+00, v19  }
0x102: {  	v11 =	vadd.f32 v32, v11;
	v50 =	vld [tilespmem:s28+$0x4070];
	(erf) = vpow2.f32 v18;
	v18 =	vmul.f32 v56, v33;
	v40 =	vpop (erf)  }
0x103: {  	v4 =	vadd.f32 v26, v4;
	v35 =	vld [tilespmem:s26+$0x70];
	v44 =	vmul.f32 v39, v52;
	v42 =	vpop (erf);
	(erf) = vpow2.f32 v19  }
0x104: {  	v5 =	vadd.f32 v22, v5;
	v22 =	vld [tilespmem:s26+$0x60];
	v19 =	vmul.f32 $1.442695020e+00, v61;
	v18 =	vmul.f32 $1.442695020e+00, v18;
	v43 =	vpop (erf)  }
0x105: {  	v27 =	vld [tilespmem:s28+$0x0];
	v2 =	vadd.f32 v24, v2;
	v47 =	vmul.f32 v42, v60;
	v24 =	vmul.f32 v43, v62  }
0x106: {  	v10 =	vadd.f32 v62, v10;
	v58 =	vld [tilespmem:s29+$0x4020];
	(erf) = vpow2.f32 v19;
	v19 =	vmul.f32 v59, v33  }
0x107: {  	v16 =	vadd.f32 v52, v16;
	v52 =	vld [tilespmem:s29+$0x4000];
	(erf) = vpow2.f32 v18;
	v18 =	vmul.f32 $1.442695020e+00, v25  }
0x108: {  	v7 =	vadd.f32 v23, v7;
	v56 =	vld [tilespmem:s29+$0x4010];
	v59 =	vmul.f32 v50, v33;
	v45 =	vpop (erf);
	v19 =	vmul.f32 $1.442695020e+00, v19  }
0x109: {  	v3 =	vadd.f32 v20, v3;
	v62 =	vld [tilespmem:s29+$0x4030];
	v31 =	vmul.f32 v45, v63;
	(erf) = vpow2.f32 v18  }
0x10a: {  	v8 =	vadd.f32 v63, v8;
	v18 =	vld [tilespmem:s28+$0x4060];
	v46 =	vpop (erf);
	(erf) = vpow2.f32 v19;
	v19 =	vmul.f32 v40, v57  }
0x10b: {  	v7 =	vadd.f32 v24, v7;
	v24 =	vmul.f32 $1.442695020e+00, v59;
	v63 =	vld [tilespmem:s29+$0x4040];
	v48 =	vpop (erf);
	v57 =	vbroadcast v0, $0xD  }
0x10c: {  	v20 =	vmul.f32 v46, v22;
	v49 =	vpop (erf);
	v11 =	vadd.f32 v19, v11;
	v19 =	vmul.f32 v48, v35  }
0x10d: {  	v1 =	vadd.f32 v34, v15;
	v53 =	vmul.f32 v49, v27;
	v61 =	vmul.f32 v52, v57  }
0x10e: {  	v10 =	vadd.f32 v36, v10;
	v42 =	vmul.f32 v56, v57;
	v43 =	vmul.f32 v58, v57  }
0x10f: {  	s30 =	spop (v2sf);
	v21 =	vld [tilespmem:s28+$0x30];
	v16 =	vadd.f32 v30, v16;
	v46 =	vmul.f32 v62, v57;
	v51 =	vpop (erf);
	v18 =	vmul.f32 v18, v33  }
0x110: {  	v37 =	vld [tilespmem:s30+$0x30];
	v9 =	vadd.f32 v47, v9;
	v47 =	vmul.f32 v63, v57;
	v26 =	vmul.f32 v51, v30  }
0x111: {  	v13 =	vadd.f32 v44, v13;
	v44 =	vld [tilespmem:s29+$0x4050];
	v38 =	vmul.f32 $1.442695020e+00, v61;
	v18 =	vmul.f32 $1.442695020e+00, v18  }
0x112: {  	v3 =	vadd.f32 v20, v3;
	v48 =	vld [tilespmem:s29+$0x4060];
	v33 =	vmul.f32 $1.442695020e+00, v42;
	v20 =	vmul.f32 $1.442695020e+00, v43  }
0x113: {  	v12 =	vadd.f32 v60, v12;
	v50 =	vld [tilespmem:s29+$0x4070];
	v49 =	vmul.f32 $1.442695020e+00, v46;
	v54 =	vpop (erf);
	(erf) = vpow2.f32 v18  }
0x114: {  	v39 =	vld [tilespmem:s28+$0x50];
	v17 =	vadd.f32 v27, v17;
	v27 =	vmul.f32 $1.442695020e+00, v47;
	v55 =	vpop (erf);
	(erf) = vpow2.f32 v24  }
0x115: {  	v4 =	vadd.f32 v35, v4;
	v28 =	vld [tilespmem:s29+$0x30];
	v25 =	vmul.f32 v54, v34;
	(erf) = vpow2.f32 v38  }
0x116: {  	v14 =	vadd.f32 v41, v14;
	v41 =	vld [tilespmem:s29+$0x50];
	v23 =	vmul.f32 v55, v21;
	(erf) = vpow2.f32 v33  }
0x117: {  	v6 =	vadd.f32 v22, v6;
	v52 =	vld [tilespmem:s30+$0x4000];
	v15 =	vmul.f32 v48, v57;
	v24 =	vmul.f32 v44, v57  }
0x118: {  	v12 =	vadd.f32 v21, v12;
	v45 =	vld [tilespmem:s28+$0x60];
	v57 =	vmul.f32 v50, v57;
	v18 =	vpop (erf);
	(erf) = vpow2.f32 v20  }
0x119: {  	v8 =	vadd.f32 v39, v8;
	v56 =	vld [tilespmem:s30+$0x4010];
	v15 =	vmul.f32 $1.442695020e+00, v15;
	(erf) = vpow2.f32 v49  }
0x11a: {  	v12 =	vadd.f32 v28, v12;
	v63 =	vld [tilespmem:s30+$0x4030];
	v60 =	vpop (erf);
	(erf) = vpow2.f32 v27;
	v27 =	vbroadcast v0, $0xE  }
0x11b: {  	v2 =	vadd.f32 v19, v2;
	v19 =	vld [tilespmem:s28+$0x70];
	v18 =	vmul.f32 v18, v36;
	v24 =	vmul.f32 $1.442695020e+00, v24  }
0x11c: {  	v8 =	vadd.f32 v41, v8;
	v61 =	vld [tilespmem:s30+$0x4020];
	v29 =	vmul.f32 v60, v39;
	v59 =	vmul.f32 v52, v27;
	v51 =	vpop (erf)  }
0x11d: {  	v12 =	vadd.f32 v37, v12;
	v43 =	vld [tilespmem:s29+$0x60];
	(erf) = vpow2.f32 v24;
	v24 =	vmul.f32 $1.442695020e+00, v57;
	v58 =	vpop (erf)  }
0x11e: {  	v5 =	vadd.f32 v31, v5;
	v54 =	vld [tilespmem:s29+$0x0];
	v60 =	vpop (erf);
	(erf) = vpow2.f32 v15;
	v15 =	vmul.f32 $1.442695020e+00, v59  }
0x11f: {  	v55 =	vld [tilespmem:s29+$0x10];
	v7 =	vadd.f32 v18, v7;
	v0 =	vbroadcast v0, $0xF;
	v18 =	vpop (erf);
	(erf) = vpow2.f32 v24  }
0x120: {  	v14 =	vadd.f32 v53, v14;
	v62 =	vmul.f32 v56, v27;
	(erf) = vpow2.f32 v15;
	v15 =	vld [tilespmem:s30+$0x4040]  }
0x121: {  	v11 =	vadd.f32 v25, v11;
	v25 =	vld [tilespmem:s29+$0x20];
	v46 =	vmul.f32 v61, v27;
	v47 =	vmul.f32 v63, v27  }
0x122: {  	v13 =	vadd.f32 v26, v13;
	v48 =	vld [tilespmem:s30+$0x4050];
	v53 =	vmul.f32 v51, v45;
	v24 =	vmul.f32 $1.442695020e+00, v62  }
0x123: {  	v9 =	vadd.f32 v23, v9;
	v23 =	vld [tilespmem:s29+$0x40];
	v26 =	vmul.f32 $1.442695020e+00, v47;
	v21 =	vmul.f32 v58, v19;
	v39 =	vpop (erf)  }
0x124: {  	v6 =	vadd.f32 v45, v6;
	v50 =	vld [tilespmem:s30+$0x0];
	v33 =	vmul.f32 v60, v54;
	v40 =	vpop (erf);
	(erf) = vpow2.f32 v24  }
0x125: {  	s31 =	spop (v2sf);
	v4 =	vadd.f32 v19, v4;
	v51 =	vld [tilespmem:s30+$0x4060];
	v24 =	vmul.f32 $1.442695020e+00, v46;
	v44 =	vpop (erf);
	v15 =	vmul.f32 v15, v27  }
0x126: {  	v16 =	vadd.f32 v55, v16;
	v63 =	vld [tilespmem:s31+$0x4030];
	v18 =	vmul.f32 v18, v55;
	v42 =	vmul.f32 v39, v25;
	v49 =	vpop (erf)  }
0x127: {  	v3 =	vadd.f32 v53, v3;
	v53 =	vld [tilespmem:s30+$0x4070];
	v52 =	vpop (erf);
	(erf) = vpow2.f32 v24;
	v15 =	vmul.f32 $1.442695020e+00, v15  }
0x128: {  	v5 =	vadd.f32 v29, v5;
	v57 =	vld [tilespmem:s31+$0x4000];
	v29 =	vmul.f32 v40, v28;
	v55 =	vpop (erf);
	(erf) = vpow2.f32 v26  }
0x129: {  	v6 =	vadd.f32 v43, v6;
	v60 =	vld [tilespmem:s31+$0x4010];
	(erf) = vpow2.f32 v15;
	v15 =	vmul.f32 v48, v27  }
0x12a: {  	v17 =	vadd.f32 v54, v17;
	v59 =	vmul.f32 v51, v27;
	v19 =	vmul.f32 v44, v23  }
0x12b: {  	v10 =	vadd.f32 v23, v10;
	v56 =	vld [tilespmem:s30+$0x10];
	v23 =	vmul.f32 v63, v0;
	v15 =	vmul.f32 $1.442695020e+00, v15  }
0x12c: {  	v1 =	vadd.f32 v25, v1;
	v22 =	vmul.f32 $1.442695020e+00, v59;
	v24 =	vmul.f32 v53, v27  }
0x12d: {  	v17 =	vadd.f32 v50, v17;
	v62 =	vld [tilespmem:s31+$0x4020];
	(erf) = vpow2.f32 v15;
	v15 =	vmul.f32 v57, v0  }
0x12e: {  	v45 =	vld [tilespmem:s29+$0x70];
	v14 =	vadd.f32 v33, v14;
	v38 =	vmul.f32 v60, v0;
	v33 =	vmul.f32 $1.442695020e+00, v24  }
0x12f: {  	v2 =	vadd.f32 v21, v2;
	v46 =	vld [tilespmem:s30+$0x50];
	(erf) = vpow2.f32 v22;
	v15 =	vmul.f32 $1.442695020e+00, v15  }
0x130: {  	v16 =	vadd.f32 v56, v16;
	v40 =	vld [tilespmem:s31+$0x4040];
	v21 =	vmul.f32 v49, v41;
	(erf) = vpow2.f32 v33  }
0x131: {  	v13 =	vadd.f32 v18, v13;
	v41 =	vld [tilespmem:s31+$0x4050];
	v18 =	vpop (erf);
	(erf) = vpow2.f32 v15;
	v15 =	vmul.f32 $1.442695020e+00, v38  }
0x132: {  	v11 =	vadd.f32 v42, v11;
	v39 =	vmul.f32 v62, v0;
	v54 =	vmul.f32 v52, v43;
	v43 =	vld [tilespmem:s31+$0x4060];
	v61 =	vpop (erf)  }
0x133: {  	v7 =	vadd.f32 v19, v7;
	v23 =	vmul.f32 $1.442695020e+00, v23;
	v42 =	vpop (erf);
	(erf) = vpow2.f32 v15;
	v15 =	vld [tilespmem:s31+$0x4070]  }
0x134: {  	v19 =	vld [tilespmem:s30+$0x20];
	v5 =	vadd.f32 v21, v5;
	v21 =	vmul.f32 $1.442695020e+00, v39;
	v58 =	vmul.f32 v55, v45  }
0x135: {  	v4 =	vadd.f32 v45, v4;
	v18 =	vmul.f32 v18, v50;
	v22 =	vmul.f32 v40, v0  }
0x136: {  	v9 =	vadd.f32 v29, v9;
	v28 =	vmul.f32 v61, v56;
	v45 =	vmul.f32 v41, v0  }
0x137: {  	v14 =	vadd.f32 v18, v14;
	v18 =	vld [tilespmem:s30+$0x40];
	v47 =	vmul.f32 v43, v0;
	v22 =	vmul.f32 $1.442695020e+00, v22  }
0x138: {  	v8 =	vadd.f32 v46, v8;
	v52 =	vld [tilespmem:s31+$0x10];
	(erf) = vpow2.f32 v21;
	v0 =	vmul.f32 v15, v0  }
0x139: {  	v48 =	vld [tilespmem:s30+$0x60];
	v3 =	vadd.f32 v54, v3;
	v20 =	vmul.f32 v42, v19;
	(erf) = vpow2.f32 v23  }
0x13a: {  	v1 =	vadd.f32 v19, v1;
	v44 =	vpop (erf);
	v23 =	vmul.f32 $1.442695020e+00, v45;
	v15 =	vld [tilespmem:s30+$0x70];
	v0 =	vmul.f32 $1.442695020e+00, v0  }
0x13b: {  	v50 =	vld [tilespmem:s31+$0x0];
	v2 =	vadd.f32 v58, v2;
	v19 =	vmul.f32 $1.442695020e+00, v47;
	v49 =	vpop (erf);
	(erf) = vpow2.f32 v22  }
0x13c: {  	v55 =	vld [tilespmem:s31+$0x30];
	v11 =	vadd.f32 v20, v11;
	v20 =	vmul.f32 v49, v18;
	v51 =	vpop (erf);
	(erf) = vpow2.f32 v23  }
0x13d: {  	v54 =	vld [tilespmem:s31+$0x20];
	v13 =	vadd.f32 v28, v13;
	v53 =	vpop (erf);
	(erf) = vpow2.f32 v19;
	v19 =	vmul.f32 v51, v46  }
0x13e: {  	v10 =	vadd.f32 v18, v10;
	v18 =	vmul.f32 v53, v48;
	(erf) = vpow2.f32 v0;
	v0 =	vpop (erf)  }
0x13f: {  	v16 =	vadd.f32 v52, v16;
	v6 =	vadd.f32 v48, v6;
	v56 =	vpop (erf);
	v0 =	vmul.f32 v0, v15  }
0x140: {  	v5 =	vadd.f32 v19, v5;
	v19 =	vld [tilespmem:s31+$0x40];
	v3 =	vadd.f32 v18, v3;
	v57 =	vpop (erf);
	v18 =	vmul.f32 v56, v50  }
0x141: {  	v58 =	vld [tilespmem:s31+$0x50];
	v12 =	vadd.f32 v55, v12;
	v21 =	vmul.f32 v44, v37;
	v59 =	vpop (erf);
	v0 =	vadd.f32 v0, v2  }
0x142: {  	v60 =	vld [tilespmem:s31+$0x60];
	v2 =	vmul.f32 v57, v52;
	v14 =	vadd.f32 v18, v14;
	v18 =	vmul.f32 v59, v54  }
0x143: {  	v61 =	vld [tilespmem:s31+$0x70];
	v17 =	vadd.f32 v50, v17;
	v4 =	vadd.f32 v15, v4;
	v15 =	vpop (erf)  }
0x144: {  	s18 =	sadd.s32 $0x10, s18;
	v9 =	vadd.f32 v21, v9;
	v62 =	vpop (erf);
	v13 =	vadd.f32 v2, v13;
	v2 =	vmul.f32 v15, v55  }
0x145: {  	p0 =	slt.u32 s18, $0x3F0;
	v7 =	vadd.f32 v20, v7;
	v15 =	vadd.f32 v54, v1;
	v63 =	vpop (erf);
	v1 =	vmul.f32 v62, v19  }
.Ltmp0:
0x146: {  	v11 =	vadd.f32 v18, v11;
	v9 =	vadd.f32 v2, v9;
	v2 =	vmul.f32 v63, v58;
	v18 =	vpop (erf);
	(pc) =	sbr.rel @p0 .LBB2_2-.Ltmp0, $4  }
0x147: {  	v8 =	vadd.f32 v58, v8;
	v7 =	vadd.f32 v1, v7;
	v1 =	vmul.f32 v18, v60;
	v18 =	vpop (erf)  }
0x148: {  	v6 =	vadd.f32 v60, v6;
	v5 =	vadd.f32 v2, v5;
	v2 =	vmul.f32 v18, v61  }
0x149: {  	v10 =	vadd.f32 v19, v10;
	v4 =	vadd.f32 v61, v4  }
0x14a: {  	s16 =	sadd.s32 $0x10, s16;
	s17 =	sadd.s32 $0x10, s17;
	v3 =	vadd.f32 v1, v3;
	v2 =	vadd.f32 v2, v0  }
0x14b: {  	v0 =	vsub.f32 v17, v14  }
0x14c: {  	v1 =	vsub.f32 v16, v13  }
0x14d: {  	v58 =	vsub.f32 v15, v11;
	[tilespmem:$0x8800] =	vst v0  }
0x14e: {  	v59 =	vsub.f32 v12, v9;
	[tilespmem:$0x8810] =	vst v1  }
0x14f: {  	v60 =	vsub.f32 v10, v7;
	[tilespmem:$0x8820] =	vst v58  }
0x150: {  	v61 =	vsub.f32 v8, v5;
	[tilespmem:$0x8830] =	vst v59  }
0x151: {  	v62 =	vsub.f32 v6, v3;
	[tilespmem:$0x8840] =	vst v60  }
0x152: {  	s15 =	sadd.s32 $0x1, s15;
	v63 =	vsub.f32 v4, v2;
	[tilespmem:$0x8850] =	vst v61  }
0x153: {  	p0 =	sne.s32 s15, s8;
	[tilespmem:$0x8860] =	vst v62  }
.Ltmp1:
0x154: {  	[tilespmem:$0x8870] =	vst v63;
	(pc) =	sbr.rel @p0 .LBB2_1-.Ltmp1, $4  }
0x155: {  	[hbm4b:s7+s2] =	stream.linear.scatter [tilespmem:s13], [sflag:$0x2], $0x80, $0x38;
	[tilespmem:$0x8880] =	vst v63  }
0x156: {  	_ =	swait.ge [sflag:s14], $0x80  }
0x157: {  	[sflag:s14] =	ssyncset.done $0x0  }
0x158: {  	[sflag:s14] =	ssyncadd.s32 $0xFFFFFF80  }
0x159: {  	_ =	sfence.sel $0x180000  }
0x15a: {  	[bflag:$0x0] =	sbarrier.arrive $0xFFFF  }
0x15b: {  	p0 =	sne.s32 s1, $0x0;
	_ =	strace $0x90000047  }
0x15c: {  	s0 =	sadd.s32 @!p0 $0x100000, s0;
	[bflag:$0x2] =	sbarrier.arrive $0xFFFF  }
0x15d: {  	[sflag:s0] =	ssyncadd.tile.s32 @!p0 $0x1;
	_ =	shalt  }
.Lfunc_end2:
_tile_overlayer_lowered:
.L_overlay_start_2:
0x15e: {  	(tag) =	ssettag $0x2  }
0x15f: {  	s0 =	rddreg [dreg:$0x0];
	s2 =	stileid.u32  }
0x160: {  	s1 =	rddreg [dreg:$0x1];
	p0 =	sne.s32 s2, $0x0  }
0x161: {  	s3 =	rddreg [dreg:$0x2];
	[bflag:$0x3] =	sbarrier.arrive $0xFFFF;
	s2 =	simm.s32 @!p0 $0x1C02  }
0x162: {  	[timem:s3], [sflag:s2] =	dma.local @!p0 [hbm:s0], s1  }
0x163: {  	s0 =	simm.s32 @!p0 $0x2  }
0x164: {  	_ =	swait.ge @!p0 [sflag:s0], s1  }
0x165: {  	s1 =	ssub.s32 @!p0 $0x0, s1;
	[sflag:s0] =	ssyncset.done @!p0 $0x0  }
0x166: {  	[sflag:s0] =	ssyncadd.s32 @!p0 s1  }
0x167: {  	[bflag:$0x3] =	sbarrier.arrive $0xFFFF  }
0x168: {  	_ =	shalt  }

</sc_bundles>
